<compile_context>
chip_gen: v7x
topology: tpu7x:2x2x1
jax: 0.10.2.dev20260603
libtpu: 0.0.44.dev20260713+nightly
codegen_flags: <defaults>
</compile_context>

<pallas_src>
import jax
import jax.numpy as jnp
from jax import lax
from jax.experimental import pallas as pl
from jax.experimental.pallas import tpu as pltpu
from jax.experimental.pallas import tpu_sc as plsc

N = 10000
E = 160000
IN = 128
OUT = 128

NC = 2
NS = 16
CHUNK = 48
NCHT = 210
E_PAD = NS * CHUNK * NCHT
R_ACC = 10112
EB = 4000



def _node_table_body(x_ref, w_ref, y_ref):
    y_ref[...] = jnp.dot(x_ref[...], w_ref[...],
                         preferred_element_type=jnp.float32)


def _edge_prep_body(e_ref, w_ref, ei_ref, a_ref, cnt_ref):
    a_ref[...] = jnp.dot(e_ref[...], w_ref[...],
                         preferred_element_type=jnp.float32)

    @pl.when(pl.program_id(0) == 0)
    def _init():
        cnt_ref[...] = jnp.zeros_like(cnt_ref)

    lanes = lax.broadcasted_iota(jnp.int32, (EB, 128), 1)
    for d in range(NC):
        tgt = ei_ref[:, 1 - d:2 - d]
        oh_col = (lax.bitwise_and(tgt, 127) == lanes).astype(jnp.float32)
        oh_row = (lax.shift_right_logical(tgt, 7) == lanes).astype(jnp.float32)
        cnt_ref[d] += lax.dot_general(oh_row, oh_col,
                                      (((0,), (0,)), ((), ())),
                                      preferred_element_type=jnp.float32)



def _sc_body(src_hbm, dst_hbm, coef_hbm, y_hbm, zmsg_hbm, omsg_hbm,
             accm_sh, gi0_v, gi1_v, si0_v, si1_v, cf0_v, cf1_v,
             gr0_v, gr1_v, mbuf_v, gsem0, gsem1, rsem0, rsem1, ssem):
    c = lax.axis_index("c")
    s = lax.axis_index("s")
    tile_edges = E_PAD // NS
    base = s * tile_edges
    rows_per_tile = R_ACC // NS
    r0 = s * rows_per_tile

    is_fwd = c == 0
    pltpu.sync_copy(zmsg_hbm.at[pl.ds(r0, rows_per_tile)],
                    accm_sh.at[pl.ds(r0, rows_per_tile)])
    plsc.subcore_barrier()

    gis = (gi0_v, gi1_v)
    sis = (si0_v, si1_v)
    cfs = (cf0_v, cf1_v)
    grs = (gr0_v, gr1_v)
    gsems = (gsem0, gsem1)
    rsems = (rsem0, rsem1)

    def fetch(b, k):
        eb = base + k * CHUNK

        @pl.when(is_fwd)
        def _f():
            pltpu.sync_copy(src_hbm.at[pl.ds(eb, CHUNK)], gis[b])
            pltpu.async_copy(dst_hbm.at[pl.ds(eb, CHUNK)], sis[b], rsems[b])

        @pl.when(jnp.logical_not(is_fwd))
        def _r():
            pltpu.sync_copy(dst_hbm.at[pl.ds(eb, CHUNK)], gis[b])
            pltpu.async_copy(src_hbm.at[pl.ds(eb, CHUNK)], sis[b], rsems[b])

        pltpu.async_copy(coef_hbm.at[pl.ds(eb, CHUNK)], cfs[b], rsems[b])
        pltpu.async_copy(y_hbm.at[gis[b]], grs[b], gsems[b])

    def process(b):
        pltpu.make_async_copy(y_hbm.at[gis[b]], grs[b], gsems[b]).wait()
        pltpu.make_async_copy(coef_hbm.at[pl.ds(0, CHUNK)], cfs[b],
                              rsems[b]).wait()
        pltpu.make_async_copy(src_hbm.at[pl.ds(0, CHUNK)], sis[b],
                              rsems[b]).wait()
        cf_v = cfs[b]
        gv = grs[b]

        def edge_body(i, carry2):
            av = cf_v[i]
            a0 = jnp.where(is_fwd, av[0], av[2])
            a1 = jnp.where(is_fwd, av[1], av[3])
            for j in range(OUT // 16):
                g0 = gv[i, pl.ds(j * 16, 16)]
                g1 = gv[i, pl.ds(128 + j * 16, 16)]
                mbuf_v[i, pl.ds(j * 16, 16)] = a0 * g0 + a1 * g1
            return carry2

        lax.fori_loop(0, CHUNK, edge_body, 0, unroll=4)
        pltpu.async_copy(mbuf_v, accm_sh.at[sis[b]], ssem, add=True).wait()

    fetch(0, 0)

    def pair_body(p, carry):
        k = 2 * p
        fetch(1, k + 1)
        process(0)

        @pl.when(k + 2 < NCHT)
        def _f0():
            fetch(0, k + 2)

        process(1)
        return carry

    lax.fori_loop(0, NCHT // 2, pair_body, 0)
    plsc.subcore_barrier()

    pltpu.sync_copy(accm_sh.at[pl.ds(r0, rows_per_tile)],
                    omsg_hbm.at[c, pl.ds(r0, rows_per_tile)])



def _final_body(msg_ref, cnt_ref, x_ref, w_ref, b_ref, o_ref):
    c0 = cnt_ref[0]
    c1 = cnt_ref[1]
    h = (msg_ref[0] / jnp.maximum(c0, 1.0)
         + msg_ref[1] / jnp.maximum(c1, 1.0))
    h = h + lax.dot_general(x_ref[...], w_ref[...],
                            (((1,), (1,)), ((), ())),
                            preferred_element_type=jnp.float32)
    o_ref[...] = jnp.maximum(h + b_ref[...], 0.0)



def kernel(node_embs, edge_embs, edge_index, W_rb, W_rb_inv, W_basis,
           W_self_w, W_self_b):
    B = W_rb.shape[0]
    Wb = W_basis.reshape(B, IN, OUT)
    w_cat = jnp.concatenate([Wb[0], Wb[1]], axis=1)
    w_coef = jnp.zeros((IN, 16), jnp.float32)
    w_coef = w_coef.at[:, 0:2].set(W_rb.T).at[:, 2:4].set(W_rb_inv.T)

    x_pad = jnp.zeros((R_ACC, IN), jnp.float32).at[:N].set(node_embs)
    y_tab = pl.pallas_call(
        _node_table_body,
        grid=(8,),
        in_specs=[pl.BlockSpec((R_ACC // 8, IN), lambda i: (i, 0)),
                  pl.BlockSpec((IN, 2 * OUT), lambda i: (0, 0))],
        out_specs=pl.BlockSpec((R_ACC // 8, 2 * OUT), lambda i: (i, 0)),
        out_shape=jax.ShapeDtypeStruct((R_ACC, 2 * OUT), jnp.float32),
    )(x_pad, w_cat)

    eidx_t = edge_index.T
    coef, cnt = pl.pallas_call(
        _edge_prep_body,
        grid=(E // EB,),
        in_specs=[pl.BlockSpec((EB, IN), lambda i: (i, 0)),
                  pl.BlockSpec((IN, 16), lambda i: (0, 0)),
                  pl.BlockSpec((EB, 2), lambda i: (i, 0))],
        out_specs=[pl.BlockSpec((EB, 16), lambda i: (i, 0)),
                   pl.BlockSpec((NC, 128, 128), lambda i: (0, 0, 0))],
        out_shape=(jax.ShapeDtypeStruct((E, 16), jnp.float32),
                   jax.ShapeDtypeStruct((NC, 128, 128), jnp.float32)),
    )(edge_embs, w_coef, eidx_t)
    coef_pad = jnp.zeros((E_PAD, 16), jnp.float32).at[:E].set(coef)

    pad_idx = N + jnp.arange(E_PAD - E, dtype=jnp.int32) % (R_ACC - N)
    src_pad = jnp.concatenate([edge_index[0], pad_idx])
    dst_pad = jnp.concatenate([edge_index[1], pad_idx])

    zeros_msg = jnp.zeros((R_ACC, OUT), jnp.float32)

    mesh = plsc.VectorSubcoreMesh(core_axis_name="c", subcore_axis_name="s",
                                  num_cores=NC, num_subcores=NS)
    msg = pl.kernel(
        _sc_body,
        out_type=jax.ShapeDtypeStruct((NC, R_ACC, OUT), jnp.float32),
        mesh=mesh,
        scratch_types=[
            pltpu.VMEM_SHARED((R_ACC, OUT), jnp.float32),
            pltpu.VMEM((CHUNK,), jnp.int32),
            pltpu.VMEM((CHUNK,), jnp.int32),
            pltpu.VMEM((CHUNK,), jnp.int32),
            pltpu.VMEM((CHUNK,), jnp.int32),
            pltpu.VMEM((CHUNK, 16), jnp.float32),
            pltpu.VMEM((CHUNK, 16), jnp.float32),
            pltpu.VMEM((CHUNK, 2 * OUT), jnp.float32),
            pltpu.VMEM((CHUNK, 2 * OUT), jnp.float32),
            pltpu.VMEM((CHUNK, OUT), jnp.float32),
            pltpu.SemaphoreType.DMA,
            pltpu.SemaphoreType.DMA,
            pltpu.SemaphoreType.DMA,
            pltpu.SemaphoreType.DMA,
            pltpu.SemaphoreType.DMA,
        ],
    )(src_pad, dst_pad, coef_pad, y_tab, zeros_msg)

    cnt_flat = cnt.reshape(NC, 128 * 128, 1)

    out = pl.pallas_call(
        _final_body,
        grid=(10,),
        in_specs=[pl.BlockSpec((NC, N // 10, OUT), lambda i: (0, i, 0)),
                  pl.BlockSpec((NC, N // 10, 1), lambda i: (0, i, 0)),
                  pl.BlockSpec((N // 10, IN), lambda i: (i, 0)),
                  pl.BlockSpec((OUT, IN), lambda i: (0, 0)),
                  pl.BlockSpec((1, OUT), lambda i: (0, 0))],
        out_specs=pl.BlockSpec((N // 10, OUT), lambda i: (i, 0)),
        out_shape=jax.ShapeDtypeStruct((N, OUT), jnp.float32),
    )(msg, cnt_flat, node_embs, W_self_w, W_self_b.reshape(1, OUT))
    return out

# --- scband reference (transcript-rebuilt; emitter-appended) ---
"""Pipeline reference for scband-rgcnlayer-45784351375471 (READ-ONLY COPY).

The authoritative reference and input builder live on the scoring server;
editing this copy changes nothing except your own understanding.
"""

import jax, jax.numpy as jnp
import numpy as np

N = 10000
E = 160000
IN = 128
OUT = 128
B = 2


def setup_inputs(seed: int = 0) -> dict:
    key = jax.random.key(seed)
    ks = jax.random.split(key, 8)
    node_embs = jax.random.normal(ks[0], (N, IN), dtype=jnp.float32)
    edge_embs = jax.random.normal(ks[1], (E, IN), dtype=jnp.float32)
    edge_index = jax.random.randint(ks[2], (2, E), 0, N, dtype=jnp.int32)
    # learned parameters (torch Linear stores weight as (out, in))
    W_rb = jax.random.normal(ks[3], (B, IN), dtype=jnp.float32) * 0.05
    W_rb_inv = jax.random.normal(ks[4], (B, IN), dtype=jnp.float32) * 0.05
    # xavier-uniform-ish init for basis matrices
    limit = float(np.sqrt(6.0 / (B + IN * OUT)) * np.sqrt(2.0))
    W_basis = jax.random.uniform(ks[5], (B, IN * OUT), dtype=jnp.float32, minval=-limit, maxval=limit)
    W_self_w = jax.random.normal(ks[6], (OUT, IN), dtype=jnp.float32) * 0.05
    W_self_b = jnp.zeros((OUT,), dtype=jnp.float32)
    return {
        'node_embs': node_embs,
        'edge_embs': edge_embs,
        'edge_index': edge_index,
        'W_rb': W_rb,
        'W_rb_inv': W_rb_inv,
        'W_basis': W_basis,
        'W_self_w': W_self_w,
        'W_self_b': W_self_b,
    }


def _direction(x, e, lin_w, W_basis, src, dst):
    # per-edge basis coefficients: a_rb = W_rb(edge_embs), shape (E, B)
    a = e @ lin_w.T
    Wb = W_basis.reshape(B, IN, OUT)
    xs = jnp.take(x, src, axis=0)                       # gather src node states (E, IN)
    # m_e = x_src @ (sum_b a_eb * B_b), computed without materializing (E, IN, OUT)
    u = jnp.einsum('ei,bio->ebo', xs, Wb)               # (E, B, OUT)
    m = jnp.einsum('ebo,eb->eo', u, a)                  # (E, OUT)
    s = jax.ops.segment_sum(m, dst, num_segments=N)     # scatter-add to dst
    cnt = jax.ops.segment_sum(jnp.ones((m.shape[0],), jnp.float32), dst, num_segments=N)
    return s / jnp.maximum(cnt, 1.0)[:, None]           # fn.mean (zero-degree -> 0)


def reference(node_embs, edge_embs, edge_index, W_rb, W_rb_inv, W_basis, W_self_w, W_self_b):
    src = edge_index[0]
    dst = edge_index[1]
    # forward graph: messages src -> dst
    h_f = _direction(node_embs, edge_embs, W_rb, W_basis, src, dst)
    # reverse graph: messages dst -> src
    h_r = _direction(node_embs, edge_embs, W_rb_inv, W_basis, dst, src)
    # dropout is identity at inference
    h = h_f + h_r + node_embs @ W_self_w.T + W_self_b
    return jax.nn.relu(h)

if __name__ == "__main__":
    import jax
    _d = setup_inputs()
    print(jax.jit(kernel)(*tuple(_d.values())))

</pallas_src>

<mosaic_0001>
#map = affine_map<(d0, d1) -> (0)>
#map1 = affine_map<(d0, d1) -> (0, 0)>
#map2 = affine_map<(d0, d1) -> (0, 0, 0)>
module attributes {stable_mosaic.version = 14 : i64} {
  func.func @_sc_body(%arg0: i32, %arg1: i32, %arg2: memref<161280xi32, #tpu.memory_space<hbm>>, %arg3: memref<161280xi32, #tpu.memory_space<hbm>>, %arg4: memref<161280x16xf32, #tpu.memory_space<hbm>>, %arg5: memref<10112x256xf32, #tpu.memory_space<hbm>>, %arg6: memref<10112x128xf32, #tpu.memory_space<hbm>>, %arg7: memref<2x10112x128xf32, #tpu.memory_space<hbm>>, %arg8: memref<10112x128xf32, #tpu.memory_space<vmem_shared>>, %arg9: memref<48xi32, #tpu.memory_space<vmem>>, %arg10: memref<48xi32, #tpu.memory_space<vmem>>, %arg11: memref<48xi32, #tpu.memory_space<vmem>>, %arg12: memref<48xi32, #tpu.memory_space<vmem>>, %arg13: memref<48x16xf32, #tpu.memory_space<vmem>>, %arg14: memref<48x16xf32, #tpu.memory_space<vmem>>, %arg15: memref<48x256xf32, #tpu.memory_space<vmem>>, %arg16: memref<48x256xf32, #tpu.memory_space<vmem>>, %arg17: memref<48x128xf32, #tpu.memory_space<vmem>>, %arg18: memref<!tpu.dma_semaphore, #tpu.memory_space<semaphore_mem>>, %arg19: memref<!tpu.dma_semaphore, #tpu.memory_space<semaphore_mem>>, %arg20: memref<!tpu.dma_semaphore, #tpu.memory_space<semaphore_mem>>, %arg21: memref<!tpu.dma_semaphore, #tpu.memory_space<semaphore_mem>>, %arg22: memref<!tpu.dma_semaphore, #tpu.memory_space<semaphore_mem>>) attributes {dimension_semantics = [#tpu.dimension_semantics<core_parallel>, #tpu.dimension_semantics<subcore_parallel>], iteration_bounds = array<i64: 2, 16>, scalar_prefetch = 0 : i64, scratch_operands = 15 : i64, tpu.core_type = #tpu.core_type<sc_vector_subcore>, window_params = [{transform_indices = #map}, {transform_indices = #map}, {transform_indices = #map1}, {transform_indices = #map1}, {transform_indices = #map1}, {transform_indices = #map2}]} {
    %mul3A = arith.constant 10080 : i32
    %mul3A_0 = arith.muli %arg1, %mul3A : i32
    %mul3A_1 = arith.constant 632 : i32
    %mul3A_2 = arith.muli %arg1, %mul3A_1 : i32
    %eq3A = arith.constant 0 : i32
    %eq3A_3 = arith.cmpi eq, %arg0, %eq3A : i32
    "tpu.region"() ({
      %run_scoped3A = tpu.sem_alloc : memref<!tpu.dma_semaphore, #tpu.memory_space<semaphore_mem>>
      %dma_start3A_22 = arith.constant 0 : i32
      %dma_start3A_23 = tpu.memref_slice %arg8[%mul3A_2, %dma_start3A_22] : memref<10112x128xf32, #tpu.memory_space<vmem_shared>> -> memref<632x128xf32, #tpu.memory_space<vmem_shared>>
      %dma_start3A_24 = arith.constant 0 : i32
      %dma_start3A_25 = tpu.memref_slice %arg6[%mul3A_2, %dma_start3A_24] : memref<10112x128xf32, #tpu.memory_space<hbm>> -> memref<632x128xf32, #tpu.memory_space<hbm>>
      tpu.enqueue_dma source(%dma_start3A_25 : memref<632x128xf32, #tpu.memory_space<hbm>>) target(%dma_start3A_23 : memref<632x128xf32, #tpu.memory_space<vmem_shared>>) target_semaphore(%run_scoped3A : memref<!tpu.dma_semaphore, #tpu.memory_space<semaphore_mem>>)
      %dma_wait3A = arith.constant 0 : i32
      %dma_wait3A_26 = tpu.memref_slice %arg8[%mul3A_2, %dma_wait3A] : memref<10112x128xf32, #tpu.memory_space<vmem_shared>> -> memref<632x128xf32, #tpu.memory_space<vmem_shared>>
      %dma_wait3A_27 = arith.constant 0 : i32
      %dma_wait3A_28 = tpu.memref_slice %arg6[%mul3A_2, %dma_wait3A_27] : memref<10112x128xf32, #tpu.memory_space<hbm>> -> memref<632x128xf32, #tpu.memory_space<hbm>>
      tpu.wait_dma2 semaphore(%run_scoped3A : memref<!tpu.dma_semaphore, #tpu.memory_space<semaphore_mem>>) src(%dma_wait3A_28 : memref<632x128xf32, #tpu.memory_space<hbm>>) dst(%dma_wait3A_26 : memref<632x128xf32, #tpu.memory_space<vmem_shared>>)
      tpu.yield
    }) : () -> ()
    %barrier3A = arith.constant 0 : index
    tpu.barrier barrier_id(%barrier3A)
    %add3A = arith.constant 0 : i32
    %add3A_4 = arith.addi %mul3A_0, %add3A : i32
    %convert_element_type3A = arith.extui %eq3A_3 : i1 to i32
    %cond3A = arith.constant 0 : i32
    %cond3A_5 = arith.cmpi ne, %convert_element_type3A, %cond3A : i32
    scf.if %cond3A_5 {
      "tpu.region"() ({
        %run_scoped3A = tpu.sem_alloc : memref<!tpu.dma_semaphore, #tpu.memory_space<semaphore_mem>>
        %dma_start3A_24 = tpu.memref_slice %arg2[%add3A_4] : memref<161280xi32, #tpu.memory_space<hbm>> -> memref<48xi32, #tpu.memory_space<hbm>>
        %dma_start3A_25 = tpu.memref_slice %arg2[%add3A_4] : memref<161280xi32, #tpu.memory_space<hbm>> -> memref<48xi32, #tpu.memory_space<hbm>>
        tpu.enqueue_dma source(%dma_start3A_25 : memref<48xi32, #tpu.memory_space<hbm>>) target(%arg9 : memref<48xi32, #tpu.memory_space<vmem>>) target_semaphore(%run_scoped3A : memref<!tpu.dma_semaphore, #tpu.memory_space<semaphore_mem>>)
        %dma_wait3A = tpu.memref_slice %arg2[%add3A_4] : memref<161280xi32, #tpu.memory_space<hbm>> -> memref<48xi32, #tpu.memory_space<hbm>>
        %dma_wait3A_26 = tpu.memref_slice %arg2[%add3A_4] : memref<161280xi32, #tpu.memory_space<hbm>> -> memref<48xi32, #tpu.memory_space<hbm>>
        tpu.wait_dma2 semaphore(%run_scoped3A : memref<!tpu.dma_semaphore, #tpu.memory_space<semaphore_mem>>) src(%dma_wait3A_26 : memref<48xi32, #tpu.memory_space<hbm>>) dst(%arg9 : memref<48xi32, #tpu.memory_space<vmem>>)
        tpu.yield
      }) : () -> ()
      %dma_start3A_22 = tpu.memref_slice %arg3[%add3A_4] : memref<161280xi32, #tpu.memory_space<hbm>> -> memref<48xi32, #tpu.memory_space<hbm>>
      %dma_start3A_23 = tpu.memref_slice %arg3[%add3A_4] : memref<161280xi32, #tpu.memory_space<hbm>> -> memref<48xi32, #tpu.memory_space<hbm>>
      tpu.enqueue_dma source(%dma_start3A_23 : memref<48xi32, #tpu.memory_space<hbm>>) target(%arg11 : memref<48xi32, #tpu.memory_space<vmem>>) target_semaphore(%arg20 : memref<!tpu.dma_semaphore, #tpu.memory_space<semaphore_mem>>)
    } else {
    }
    %not3A = arith.constant true
    %not3A_6 = arith.xori %eq3A_3, %not3A : i1
    %convert_element_type3A_7 = arith.extui %not3A_6 : i1 to i32
    %cond3A_8 = arith.constant 0 : i32
    %cond3A_9 = arith.cmpi ne, %convert_element_type3A_7, %cond3A_8 : i32
    scf.if %cond3A_9 {
      "tpu.region"() ({
        %run_scoped3A = tpu.sem_alloc : memref<!tpu.dma_semaphore, #tpu.memory_space<semaphore_mem>>
        %dma_start3A_24 = tpu.memref_slice %arg3[%add3A_4] : memref<161280xi32, #tpu.memory_space<hbm>> -> memref<48xi32, #tpu.memory_space<hbm>>
        %dma_start3A_25 = tpu.memref_slice %arg3[%add3A_4] : memref<161280xi32, #tpu.memory_space<hbm>> -> memref<48xi32, #tpu.memory_space<hbm>>
        tpu.enqueue_dma source(%dma_start3A_25 : memref<48xi32, #tpu.memory_space<hbm>>) target(%arg9 : memref<48xi32, #tpu.memory_space<vmem>>) target_semaphore(%run_scoped3A : memref<!tpu.dma_semaphore, #tpu.memory_space<semaphore_mem>>)
        %dma_wait3A = tpu.memref_slice %arg3[%add3A_4] : memref<161280xi32, #tpu.memory_space<hbm>> -> memref<48xi32, #tpu.memory_space<hbm>>
        %dma_wait3A_26 = tpu.memref_slice %arg3[%add3A_4] : memref<161280xi32, #tpu.memory_space<hbm>> -> memref<48xi32, #tpu.memory_space<hbm>>
        tpu.wait_dma2 semaphore(%run_scoped3A : memref<!tpu.dma_semaphore, #tpu.memory_space<semaphore_mem>>) src(%dma_wait3A_26 : memref<48xi32, #tpu.memory_space<hbm>>) dst(%arg9 : memref<48xi32, #tpu.memory_space<vmem>>)
        tpu.yield
      }) : () -> ()
      %dma_start3A_22 = tpu.memref_slice %arg2[%add3A_4] : memref<161280xi32, #tpu.memory_space<hbm>> -> memref<48xi32, #tpu.memory_space<hbm>>
      %dma_start3A_23 = tpu.memref_slice %arg2[%add3A_4] : memref<161280xi32, #tpu.memory_space<hbm>> -> memref<48xi32, #tpu.memory_space<hbm>>
      tpu.enqueue_dma source(%dma_start3A_23 : memref<48xi32, #tpu.memory_space<hbm>>) target(%arg11 : memref<48xi32, #tpu.memory_space<vmem>>) target_semaphore(%arg20 : memref<!tpu.dma_semaphore, #tpu.memory_space<semaphore_mem>>)
    } else {
    }
    %dma_start3A = arith.constant 0 : i32
    %dma_start3A_10 = tpu.memref_slice %arg4[%add3A_4, %dma_start3A] : memref<161280x16xf32, #tpu.memory_space<hbm>> -> memref<48x16xf32, #tpu.memory_space<hbm>>
    %dma_start3A_11 = arith.constant 0 : i32
    %dma_start3A_12 = tpu.memref_slice %arg4[%add3A_4, %dma_start3A_11] : memref<161280x16xf32, #tpu.memory_space<hbm>> -> memref<48x16xf32, #tpu.memory_space<hbm>>
    tpu.enqueue_dma source(%dma_start3A_12 : memref<48x16xf32, #tpu.memory_space<hbm>>) target(%arg13 : memref<48x16xf32, #tpu.memory_space<vmem>>) target_semaphore(%arg20 : memref<!tpu.dma_semaphore, #tpu.memory_space<semaphore_mem>>)
    %dma_start3A_13 = arith.constant 0 : i32
    %dma_start3A_14 = arith.constant 0 : i32
    %dma_start3A_15 = tpu.memref_slice %arg5[%dma_start3A_13, %dma_start3A_14] : memref<10112x256xf32, #tpu.memory_space<hbm>> -> memref<10112x256xf32, #tpu.memory_space<hbm>>
    tpu.enqueue_indirect_dma source(%dma_start3A_15 : memref<10112x256xf32, #tpu.memory_space<hbm>>) target(%arg15 : memref<48x256xf32, #tpu.memory_space<vmem>>) offsets(%arg9 : memref<48xi32, #tpu.memory_space<vmem>>) semaphore(%arg18 : memref<!tpu.dma_semaphore, #tpu.memory_space<semaphore_mem>>)
    %scan3A = arith.constant 0 : i32
    %scan3A_16 = arith.constant 0 : i32
    %scan3A_17 = arith.constant 105 : i32
    %scan3A_18 = arith.addi %scan3A_16, %scan3A_17 : i32
    %scan3A_19 = arith.constant 1 : i32
    scf.for %scan3A_22 = %scan3A_16 to %scan3A_18 step %scan3A_19  : i32 {
      %mul3A_23 = arith.constant 2 : i32
      %mul3A_24 = arith.muli %mul3A_23, %scan3A_22 : i32
      %add3A_25 = arith.constant 1 : i32
      %add3A_26 = arith.addi %mul3A_24, %add3A_25 : i32
      %mul3A_27 = arith.constant 48 : i32
      %mul3A_28 = arith.muli %add3A_26, %mul3A_27 : i32
      %add3A_29 = arith.addi %mul3A_0, %mul3A_28 : i32
      %convert_element_type3A_30 = arith.extui %eq3A_3 : i1 to i32
      %cond3A_31 = arith.constant 0 : i32
      %cond3A_32 = arith.cmpi ne, %convert_element_type3A_30, %cond3A_31 : i32
      scf.if %cond3A_32 {
        "tpu.region"() ({
          %run_scoped3A = tpu.sem_alloc : memref<!tpu.dma_semaphore, #tpu.memory_space<semaphore_mem>>
          %dma_start3A_102 = tpu.memref_slice %arg2[%add3A_29] : memref<161280xi32, #tpu.memory_space<hbm>> -> memref<48xi32, #tpu.memory_space<hbm>>
          %dma_start3A_103 = tpu.memref_slice %arg2[%add3A_29] : memref<161280xi32, #tpu.memory_space<hbm>> -> memref<48xi32, #tpu.memory_space<hbm>>
          tpu.enqueue_dma source(%dma_start3A_103 : memref<48xi32, #tpu.memory_space<hbm>>) target(%arg10 : memref<48xi32, #tpu.memory_space<vmem>>) target_semaphore(%run_scoped3A : memref<!tpu.dma_semaphore, #tpu.memory_space<semaphore_mem>>)
          %dma_wait3A_104 = tpu.memref_slice %arg2[%add3A_29] : memref<161280xi32, #tpu.memory_space<hbm>> -> memref<48xi32, #tpu.memory_space<hbm>>
          %dma_wait3A_105 = tpu.memref_slice %arg2[%add3A_29] : memref<161280xi32, #tpu.memory_space<hbm>> -> memref<48xi32, #tpu.memory_space<hbm>>
          tpu.wait_dma2 semaphore(%run_scoped3A : memref<!tpu.dma_semaphore, #tpu.memory_space<semaphore_mem>>) src(%dma_wait3A_105 : memref<48xi32, #tpu.memory_space<hbm>>) dst(%arg10 : memref<48xi32, #tpu.memory_space<vmem>>)
          tpu.yield
        }) : () -> ()
        %dma_start3A_100 = tpu.memref_slice %arg3[%add3A_29] : memref<161280xi32, #tpu.memory_space<hbm>> -> memref<48xi32, #tpu.memory_space<hbm>>
        %dma_start3A_101 = tpu.memref_slice %arg3[%add3A_29] : memref<161280xi32, #tpu.memory_space<hbm>> -> memref<48xi32, #tpu.memory_space<hbm>>
        tpu.enqueue_dma source(%dma_start3A_101 : memref<48xi32, #tpu.memory_space<hbm>>) target(%arg12 : memref<48xi32, #tpu.memory_space<vmem>>) target_semaphore(%arg21 : memref<!tpu.dma_semaphore, #tpu.memory_space<semaphore_mem>>)
      } else {
      }
      %not3A_33 = arith.constant true
      %not3A_34 = arith.xori %eq3A_3, %not3A_33 : i1
      %convert_element_type3A_35 = arith.extui %not3A_34 : i1 to i32
      %cond3A_36 = arith.constant 0 : i32
      %cond3A_37 = arith.cmpi ne, %convert_element_type3A_35, %cond3A_36 : i32
      scf.if %cond3A_37 {
        "tpu.region"() ({
          %run_scoped3A = tpu.sem_alloc : memref<!tpu.dma_semaphore, #tpu.memory_space<semaphore_mem>>
          %dma_start3A_102 = tpu.memref_slice %arg3[%add3A_29] : memref<161280xi32, #tpu.memory_space<hbm>> -> memref<48xi32, #tpu.memory_space<hbm>>
          %dma_start3A_103 = tpu.memref_slice %arg3[%add3A_29] : memref<161280xi32, #tpu.memory_space<hbm>> -> memref<48xi32, #tpu.memory_space<hbm>>
          tpu.enqueue_dma source(%dma_start3A_103 : memref<48xi32, #tpu.memory_space<hbm>>) target(%arg10 : memref<48xi32, #tpu.memory_space<vmem>>) target_semaphore(%run_scoped3A : memref<!tpu.dma_semaphore, #tpu.memory_space<semaphore_mem>>)
          %dma_wait3A_104 = tpu.memref_slice %arg3[%add3A_29] : memref<161280xi32, #tpu.memory_space<hbm>> -> memref<48xi32, #tpu.memory_space<hbm>>
          %dma_wait3A_105 = tpu.memref_slice %arg3[%add3A_29] : memref<161280xi32, #tpu.memory_space<hbm>> -> memref<48xi32, #tpu.memory_space<hbm>>
          tpu.wait_dma2 semaphore(%run_scoped3A : memref<!tpu.dma_semaphore, #tpu.memory_space<semaphore_mem>>) src(%dma_wait3A_105 : memref<48xi32, #tpu.memory_space<hbm>>) dst(%arg10 : memref<48xi32, #tpu.memory_space<vmem>>)
          tpu.yield
        }) : () -> ()
        %dma_start3A_100 = tpu.memref_slice %arg2[%add3A_29] : memref<161280xi32, #tpu.memory_space<hbm>> -> memref<48xi32, #tpu.memory_space<hbm>>
        %dma_start3A_101 = tpu.memref_slice %arg2[%add3A_29] : memref<161280xi32, #tpu.memory_space<hbm>> -> memref<48xi32, #tpu.memory_space<hbm>>
        tpu.enqueue_dma source(%dma_start3A_101 : memref<48xi32, #tpu.memory_space<hbm>>) target(%arg12 : memref<48xi32, #tpu.memory_space<vmem>>) target_semaphore(%arg21 : memref<!tpu.dma_semaphore, #tpu.memory_space<semaphore_mem>>)
      } else {
      }
      %dma_start3A_38 = arith.constant 0 : i32
      %dma_start3A_39 = tpu.memref_slice %arg4[%add3A_29, %dma_start3A_38] : memref<161280x16xf32, #tpu.memory_space<hbm>> -> memref<48x16xf32, #tpu.memory_space<hbm>>
      %dma_start3A_40 = arith.constant 0 : i32
      %dma_start3A_41 = tpu.memref_slice %arg4[%add3A_29, %dma_start3A_40] : memref<161280x16xf32, #tpu.memory_space<hbm>> -> memref<48x16xf32, #tpu.memory_space<hbm>>
      tpu.enqueue_dma source(%dma_start3A_41 : memref<48x16xf32, #tpu.memory_space<hbm>>) target(%arg14 : memref<48x16xf32, #tpu.memory_space<vmem>>) target_semaphore(%arg21 : memref<!tpu.dma_semaphore, #tpu.memory_space<semaphore_mem>>)
      %dma_start3A_42 = arith.constant 0 : i32
      %dma_start3A_43 = arith.constant 0 : i32
      %dma_start3A_44 = tpu.memref_slice %arg5[%dma_start3A_42, %dma_start3A_43] : memref<10112x256xf32, #tpu.memory_space<hbm>> -> memref<10112x256xf32, #tpu.memory_space<hbm>>
      tpu.enqueue_indirect_dma source(%dma_start3A_44 : memref<10112x256xf32, #tpu.memory_space<hbm>>) target(%arg16 : memref<48x256xf32, #tpu.memory_space<vmem>>) offsets(%arg10 : memref<48xi32, #tpu.memory_space<vmem>>) semaphore(%arg19 : memref<!tpu.dma_semaphore, #tpu.memory_space<semaphore_mem>>)
      %dma_wait3A = arith.constant 0 : i32
      %dma_wait3A_45 = arith.constant 0 : i32
      %dma_wait3A_46 = tpu.memref_slice %arg5[%dma_wait3A, %dma_wait3A_45] : memref<10112x256xf32, #tpu.memory_space<hbm>> -> memref<10112x256xf32, #tpu.memory_space<hbm>>
      tpu.wait_indirect_dma semaphore(%arg18 : memref<!tpu.dma_semaphore, #tpu.memory_space<semaphore_mem>>) src(%dma_wait3A_46 : memref<10112x256xf32, #tpu.memory_space<hbm>>) dst(%arg15 : memref<48x256xf32, #tpu.memory_space<vmem>>)
      %dma_wait3A_47 = arith.constant 0 : i32
      %dma_wait3A_48 = arith.constant 0 : i32
      %dma_wait3A_49 = tpu.memref_slice %arg4[%dma_wait3A_47, %dma_wait3A_48] : memref<161280x16xf32, #tpu.memory_space<hbm>> -> memref<48x16xf32, #tpu.memory_space<hbm>>
      %dma_wait3A_50 = arith.constant 0 : i32
      %dma_wait3A_51 = arith.constant 0 : i32
      %dma_wait3A_52 = tpu.memref_slice %arg4[%dma_wait3A_50, %dma_wait3A_51] : memref<161280x16xf32, #tpu.memory_space<hbm>> -> memref<48x16xf32, #tpu.memory_space<hbm>>
      tpu.wait_dma2 semaphore(%arg20 : memref<!tpu.dma_semaphore, #tpu.memory_space<semaphore_mem>>) src(%dma_wait3A_52 : memref<48x16xf32, #tpu.memory_space<hbm>>) dst(%arg13 : memref<48x16xf32, #tpu.memory_space<vmem>>)
      %dma_wait3A_53 = arith.constant 0 : i32
      %dma_wait3A_54 = tpu.memref_slice %arg2[%dma_wait3A_53] : memref<161280xi32, #tpu.memory_space<hbm>> -> memref<48xi32, #tpu.memory_space<hbm>>
      %dma_wait3A_55 = arith.constant 0 : i32
      %dma_wait3A_56 = tpu.memref_slice %arg2[%dma_wait3A_55] : memref<161280xi32, #tpu.memory_space<hbm>> -> memref<48xi32, #tpu.memory_space<hbm>>
      tpu.wait_dma2 semaphore(%arg20 : memref<!tpu.dma_semaphore, #tpu.memory_space<semaphore_mem>>) src(%dma_wait3A_56 : memref<48xi32, #tpu.memory_space<hbm>>) dst(%arg11 : memref<48xi32, #tpu.memory_space<vmem>>)
      %scan3A_57 = arith.constant 0 : i32
      %scan3A_58 = arith.constant 0 : i32
      %scan3A_59 = arith.constant 48 : i32
      %scan3A_60 = arith.addi %scan3A_58, %scan3A_59 : i32
      %scan3A_61 = arith.constant 4 : i32
      scf.for %scan3A_100 = %scan3A_58 to %scan3A_60 step %scan3A_61  : i32 {
        %get3A = arith.index_cast %scan3A_100 : i32 to index
        %get3A_101 = arith.constant 0 : index
        %get3A_102 = tpu.vector_load %arg13[%get3A, %get3A_101] {strides = array<i32>} : memref<48x16xf32, #tpu.memory_space<vmem>>, vector<1x16xf32>,
        %get3A_103 = vector.shape_cast %get3A_102 : vector<1x16xf32> to vector<16xf32>
        %slice3A = vector.extract_strided_slice %get3A_103 {offsets = [0], sizes = [1], strides = [1]} : vector<16xf32> to vector<1xf32>
        %squeeze3A = vector.extract %slice3A[0] : f32 from vector<1xf32>
        %slice3A_104 = vector.extract_strided_slice %get3A_103 {offsets = [2], sizes = [1], strides = [1]} : vector<16xf32> to vector<1xf32>
        %squeeze3A_105 = vector.extract %slice3A_104[0] : f32 from vector<1xf32>
        %select_n3A = arith.select %eq3A_3, %squeeze3A, %squeeze3A_105 : f32
        %slice3A_106 = vector.extract_strided_slice %get3A_103 {offsets = [1], sizes = [1], strides = [1]} : vector<16xf32> to vector<1xf32>
        %squeeze3A_107 = vector.extract %slice3A_106[0] : f32 from vector<1xf32>
        %slice3A_108 = vector.extract_strided_slice %get3A_103 {offsets = [3], sizes = [1], strides = [1]} : vector<16xf32> to vector<1xf32>
        %squeeze3A_109 = vector.extract %slice3A_108[0] : f32 from vector<1xf32>
        %select_n3A_110 = arith.select %eq3A_3, %squeeze3A_107, %squeeze3A_109 : f32
        %get3A_111 = arith.index_cast %scan3A_100 : i32 to index
        %get3A_112 = arith.constant 0 : index
        %get3A_113 = tpu.vector_load %arg15[%get3A_111, %get3A_112] {strides = array<i32>} : memref<48x256xf32, #tpu.memory_space<vmem>>, vector<1x16xf32>,
        %get3A_114 = vector.shape_cast %get3A_113 : vector<1x16xf32> to vector<16xf32>
        %get3A_115 = arith.index_cast %scan3A_100 : i32 to index
        %get3A_116 = arith.constant 128 : index
        %get3A_117 = tpu.vector_load %arg15[%get3A_115, %get3A_116] {strides = array<i32>} : memref<48x256xf32, #tpu.memory_space<vmem>>, vector<1x16xf32>,
        %get3A_118 = vector.shape_cast %get3A_117 : vector<1x16xf32> to vector<16xf32>
        %mul3A_119 = vector.broadcast %select_n3A : f32 to vector<16xf32>
        %mul3A_120 = arith.mulf %mul3A_119, %get3A_114 : vector<16xf32>
        %mul3A_121 = vector.broadcast %select_n3A_110 : f32 to vector<16xf32>
        %mul3A_122 = arith.mulf %mul3A_121, %get3A_118 : vector<16xf32>
        %add3A_123 = arith.addf %mul3A_120, %mul3A_122 : vector<16xf32>
        %swap3A = arith.index_cast %scan3A_100 : i32 to index
        %swap3A_124 = arith.constant 0 : index
        %swap3A_125 = tpu.vector_load %arg17[%swap3A, %swap3A_124] {strides = array<i32>} : memref<48x128xf32, #tpu.memory_space<vmem>>, vector<1x16xf32>,
        %swap3A_126 = vector.shape_cast %swap3A_125 : vector<1x16xf32> to vector<16xf32>
        %swap3A_127 = vector.shape_cast %add3A_123 : vector<16xf32> to vector<1x16xf32>
        tpu.vector_store %arg17[%swap3A, %swap3A_124], %swap3A_127 {strides = array<i32>} : memref<48x128xf32, #tpu.memory_space<vmem>>, vector<1x16xf32>,
        %get3A_128 = arith.index_cast %scan3A_100 : i32 to index
        %get3A_129 = arith.constant 16 : index
        %get3A_130 = tpu.vector_load %arg15[%get3A_128, %get3A_129] {strides = array<i32>} : memref<48x256xf32, #tpu.memory_space<vmem>>, vector<1x16xf32>,
        %get3A_131 = vector.shape_cast %get3A_130 : vector<1x16xf32> to vector<16xf32>
        %get3A_132 = arith.index_cast %scan3A_100 : i32 to index
        %get3A_133 = arith.constant 144 : index
        %get3A_134 = tpu.vector_load %arg15[%get3A_132, %get3A_133] {strides = array<i32>} : memref<48x256xf32, #tpu.memory_space<vmem>>, vector<1x16xf32>,
        %get3A_135 = vector.shape_cast %get3A_134 : vector<1x16xf32> to vector<16xf32>
        %mul3A_136 = vector.broadcast %select_n3A : f32 to vector<16xf32>
        %mul3A_137 = arith.mulf %mul3A_136, %get3A_131 : vector<16xf32>
        %mul3A_138 = vector.broadcast %select_n3A_110 : f32 to vector<16xf32>
        %mul3A_139 = arith.mulf %mul3A_138, %get3A_135 : vector<16xf32>
        %add3A_140 = arith.addf %mul3A_137, %mul3A_139 : vector<16xf32>
        %swap3A_141 = arith.index_cast %scan3A_100 : i32 to index
        %swap3A_142 = arith.constant 16 : index
        %swap3A_143 = tpu.vector_load %arg17[%swap3A_141, %swap3A_142] {strides = array<i32>} : memref<48x128xf32, #tpu.memory_space<vmem>>, vector<1x16xf32>,
        %swap3A_144 = vector.shape_cast %swap3A_143 : vector<1x16xf32> to vector<16xf32>
        %swap3A_145 = vector.shape_cast %add3A_140 : vector<16xf32> to vector<1x16xf32>
        tpu.vector_store %arg17[%swap3A_141, %swap3A_142], %swap3A_145 {strides = array<i32>} : memref<48x128xf32, #tpu.memory_space<vmem>>, vector<1x16xf32>,
        %get3A_146 = arith.index_cast %scan3A_100 : i32 to index
        %get3A_147 = arith.constant 32 : index
        %get3A_148 = tpu.vector_load %arg15[%get3A_146, %get3A_147] {strides = array<i32>} : memref<48x256xf32, #tpu.memory_space<vmem>>, vector<1x16xf32>,
        %get3A_149 = vector.shape_cast %get3A_148 : vector<1x16xf32> to vector<16xf32>
        %get3A_150 = arith.index_cast %scan3A_100 : i32 to index
        %get3A_151 = arith.constant 160 : index
        %get3A_152 = tpu.vector_load %arg15[%get3A_150, %get3A_151] {strides = array<i32>} : memref<48x256xf32, #tpu.memory_space<vmem>>, vector<1x16xf32>,
        %get3A_153 = vector.shape_cast %get3A_152 : vector<1x16xf32> to vector<16xf32>
        %mul3A_154 = vector.broadcast %select_n3A : f32 to vector<16xf32>
        %mul3A_155 = arith.mulf %mul3A_154, %get3A_149 : vector<16xf32>
        %mul3A_156 = vector.broadcast %select_n3A_110 : f32 to vector<16xf32>
        %mul3A_157 = arith.mulf %mul3A_156, %get3A_153 : vector<16xf32>
        %add3A_158 = arith.addf %mul3A_155, %mul3A_157 : vector<16xf32>
        %swap3A_159 = arith.index_cast %scan3A_100 : i32 to index
        %swap3A_160 = arith.constant 32 : index
        %swap3A_161 = tpu.vector_load %arg17[%swap3A_159, %swap3A_160] {strides = array<i32>} : memref<48x128xf32, #tpu.memory_space<vmem>>, vector<1x16xf32>,
        %swap3A_162 = vector.shape_cast %swap3A_161 : vector<1x16xf32> to vector<16xf32>
        %swap3A_163 = vector.shape_cast %add3A_158 : vector<16xf32> to vector<1x16xf32>
        tpu.vector_store %arg17[%swap3A_159, %swap3A_160], %swap3A_163 {strides = array<i32>} : memref<48x128xf32, #tpu.memory_space<vmem>>, vector<1x16xf32>,
        %get3A_164 = arith.index_cast %scan3A_100 : i32 to index
        %get3A_165 = arith.constant 48 : index
        %get3A_166 = tpu.vector_load %arg15[%get3A_164, %get3A_165] {strides = array<i32>} : memref<48x256xf32, #tpu.memory_space<vmem>>, vector<1x16xf32>,
        %get3A_167 = vector.shape_cast %get3A_166 : vector<1x16xf32> to vector<16xf32>
        %get3A_168 = arith.index_cast %scan3A_100 : i32 to index
        %get3A_169 = arith.constant 176 : index
        %get3A_170 = tpu.vector_load %arg15[%get3A_168, %get3A_169] {strides = array<i32>} : memref<48x256xf32, #tpu.memory_space<vmem>>, vector<1x16xf32>,
        %get3A_171 = vector.shape_cast %get3A_170 : vector<1x16xf32> to vector<16xf32>
        %mul3A_172 = vector.broadcast %select_n3A : f32 to vector<16xf32>
        %mul3A_173 = arith.mulf %mul3A_172, %get3A_167 : vector<16xf32>
        %mul3A_174 = vector.broadcast %select_n3A_110 : f32 to vector<16xf32>
        %mul3A_175 = arith.mulf %mul3A_174, %get3A_171 : vector<16xf32>
        %add3A_176 = arith.addf %mul3A_173, %mul3A_175 : vector<16xf32>
        %swap3A_177 = arith.index_cast %scan3A_100 : i32 to index
        %swap3A_178 = arith.constant 48 : index
        %swap3A_179 = tpu.vector_load %arg17[%swap3A_177, %swap3A_178] {strides = array<i32>} : memref<48x128xf32, #tpu.memory_space<vmem>>, vector<1x16xf32>,
        %swap3A_180 = vector.shape_cast %swap3A_179 : vector<1x16xf32> to vector<16xf32>
        %swap3A_181 = vector.shape_cast %add3A_176 : vector<16xf32> to vector<1x16xf32>
        tpu.vector_store %arg17[%swap3A_177, %swap3A_178], %swap3A_181 {strides = array<i32>} : memref<48x128xf32, #tpu.memory_space<vmem>>, vector<1x16xf32>,
        %get3A_182 = arith.index_cast %scan3A_100 : i32 to index
        %get3A_183 = arith.constant 64 : index
        %get3A_184 = tpu.vector_load %arg15[%get3A_182, %get3A_183] {strides = array<i32>} : memref<48x256xf32, #tpu.memory_space<vmem>>, vector<1x16xf32>,
        %get3A_185 = vector.shape_cast %get3A_184 : vector<1x16xf32> to vector<16xf32>
        %get3A_186 = arith.index_cast %scan3A_100 : i32 to index
        %get3A_187 = arith.constant 192 : index
        %get3A_188 = tpu.vector_load %arg15[%get3A_186, %get3A_187] {strides = array<i32>} : memref<48x256xf32, #tpu.memory_space<vmem>>, vector<1x16xf32>,
        %get3A_189 = vector.shape_cast %get3A_188 : vector<1x16xf32> to vector<16xf32>
        %mul3A_190 = vector.broadcast %select_n3A : f32 to vector<16xf32>
        %mul3A_191 = arith.mulf %mul3A_190, %get3A_185 : vector<16xf32>
        %mul3A_192 = vector.broadcast %select_n3A_110 : f32 to vector<16xf32>
        %mul3A_193 = arith.mulf %mul3A_192, %get3A_189 : vector<16xf32>
        %add3A_194 = arith.addf %mul3A_191, %mul3A_193 : vector<16xf32>
        %swap3A_195 = arith.index_cast %scan3A_100 : i32 to index
        %swap3A_196 = arith.constant 64 : index
        %swap3A_197 = tpu.vector_load %arg17[%swap3A_195, %swap3A_196] {strides = array<i32>} : memref<48x128xf32, #tpu.memory_space<vmem>>, vector<1x16xf32>,
        %swap3A_198 = vector.shape_cast %swap3A_197 : vector<1x16xf32> to vector<16xf32>
        %swap3A_199 = vector.shape_cast %add3A_194 : vector<16xf32> to vector<1x16xf32>
        tpu.vector_store %arg17[%swap3A_195, %swap3A_196], %swap3A_199 {strides = array<i32>} : memref<48x128xf32, #tpu.memory_space<vmem>>, vector<1x16xf32>,
        %get3A_200 = arith.index_cast %scan3A_100 : i32 to index
        %get3A_201 = arith.constant 80 : index
        %get3A_202 = tpu.vector_load %arg15[%get3A_200, %get3A_201] {strides = array<i32>} : memref<48x256xf32, #tpu.memory_space<vmem>>, vector<1x16xf32>,
        %get3A_203 = vector.shape_cast %get3A_202 : vector<1x16xf32> to vector<16xf32>
        %get3A_204 = arith.index_cast %scan3A_100 : i32 to index
        %get3A_205 = arith.constant 208 : index
        %get3A_206 = tpu.vector_load %arg15[%get3A_204, %get3A_205] {strides = array<i32>} : memref<48x256xf32, #tpu.memory_space<vmem>>, vector<1x16xf32>,
        %get3A_207 = vector.shape_cast %get3A_206 : vector<1x16xf32> to vector<16xf32>
        %mul3A_208 = vector.broadcast %select_n3A : f32 to vector<16xf32>
        %mul3A_209 = arith.mulf %mul3A_208, %get3A_203 : vector<16xf32>
        %mul3A_210 = vector.broadcast %select_n3A_110 : f32 to vector<16xf32>
        %mul3A_211 = arith.mulf %mul3A_210, %get3A_207 : vector<16xf32>
        %add3A_212 = arith.addf %mul3A_209, %mul3A_211 : vector<16xf32>
        %swap3A_213 = arith.index_cast %scan3A_100 : i32 to index
        %swap3A_214 = arith.constant 80 : index
        %swap3A_215 = tpu.vector_load %arg17[%swap3A_213, %swap3A_214] {strides = array<i32>} : memref<48x128xf32, #tpu.memory_space<vmem>>, vector<1x16xf32>,
        %swap3A_216 = vector.shape_cast %swap3A_215 : vector<1x16xf32> to vector<16xf32>
        %swap3A_217 = vector.shape_cast %add3A_212 : vector<16xf32> to vector<1x16xf32>
        tpu.vector_store %arg17[%swap3A_213, %swap3A_214], %swap3A_217 {strides = array<i32>} : memref<48x128xf32, #tpu.memory_space<vmem>>, vector<1x16xf32>,
        %get3A_218 = arith.index_cast %scan3A_100 : i32 to index
        %get3A_219 = arith.constant 96 : index
        %get3A_220 = tpu.vector_load %arg15[%get3A_218, %get3A_219] {strides = array<i32>} : memref<48x256xf32, #tpu.memory_space<vmem>>, vector<1x16xf32>,
        %get3A_221 = vector.shape_cast %get3A_220 : vector<1x16xf32> to vector<16xf32>
        %get3A_222 = arith.index_cast %scan3A_100 : i32 to index
        %get3A_223 = arith.constant 224 : index
        %get3A_224 = tpu.vector_load %arg15[%get3A_222, %get3A_223] {strides = array<i32>} : memref<48x256xf32, #tpu.memory_space<vmem>>, vector<1x16xf32>,
        %get3A_225 = vector.shape_cast %get3A_224 : vector<1x16xf32> to vector<16xf32>
        %mul3A_226 = vector.broadcast %select_n3A : f32 to vector<16xf32>
        %mul3A_227 = arith.mulf %mul3A_226, %get3A_221 : vector<16xf32>
        %mul3A_228 = vector.broadcast %select_n3A_110 : f32 to vector<16xf32>
        %mul3A_229 = arith.mulf %mul3A_228, %get3A_225 : vector<16xf32>
        %add3A_230 = arith.addf %mul3A_227, %mul3A_229 : vector<16xf32>
        %swap3A_231 = arith.index_cast %scan3A_100 : i32 to index
        %swap3A_232 = arith.constant 96 : index
        %swap3A_233 = tpu.vector_load %arg17[%swap3A_231, %swap3A_232] {strides = array<i32>} : memref<48x128xf32, #tpu.memory_space<vmem>>, vector<1x16xf32>,
        %swap3A_234 = vector.shape_cast %swap3A_233 : vector<1x16xf32> to vector<16xf32>
        %swap3A_235 = vector.shape_cast %add3A_230 : vector<16xf32> to vector<1x16xf32>
        tpu.vector_store %arg17[%swap3A_231, %swap3A_232], %swap3A_235 {strides = array<i32>} : memref<48x128xf32, #tpu.memory_space<vmem>>, vector<1x16xf32>,
        %get3A_236 = arith.index_cast %scan3A_100 : i32 to index
        %get3A_237 = arith.constant 112 : index
        %get3A_238 = tpu.vector_load %arg15[%get3A_236, %get3A_237] {strides = array<i32>} : memref<48x256xf32, #tpu.memory_space<vmem>>, vector<1x16xf32>,
        %get3A_239 = vector.shape_cast %get3A_238 : vector<1x16xf32> to vector<16xf32>
        %get3A_240 = arith.index_cast %scan3A_100 : i32 to index
        %get3A_241 = arith.constant 240 : index
        %get3A_242 = tpu.vector_load %arg15[%get3A_240, %get3A_241] {strides = array<i32>} : memref<48x256xf32, #tpu.memory_space<vmem>>, vector<1x16xf32>,
        %get3A_243 = vector.shape_cast %get3A_242 : vector<1x16xf32> to vector<16xf32>
        %mul3A_244 = vector.broadcast %select_n3A : f32 to vector<16xf32>
        %mul3A_245 = arith.mulf %mul3A_244, %get3A_239 : vector<16xf32>
        %mul3A_246 = vector.broadcast %select_n3A_110 : f32 to vector<16xf32>
        %mul3A_247 = arith.mulf %mul3A_246, %get3A_243 : vector<16xf32>
        %add3A_248 = arith.addf %mul3A_245, %mul3A_247 : vector<16xf32>
        %swap3A_249 = arith.index_cast %scan3A_100 : i32 to index
        %swap3A_250 = arith.constant 112 : index
        %swap3A_251 = tpu.vector_load %arg17[%swap3A_249, %swap3A_250] {strides = array<i32>} : memref<48x128xf32, #tpu.memory_space<vmem>>, vector<1x16xf32>,
        %swap3A_252 = vector.shape_cast %swap3A_251 : vector<1x16xf32> to vector<16xf32>
        %swap3A_253 = vector.shape_cast %add3A_248 : vector<16xf32> to vector<1x16xf32>
        tpu.vector_store %arg17[%swap3A_249, %swap3A_250], %swap3A_253 {strides = array<i32>} : memref<48x128xf32, #tpu.memory_space<vmem>>, vector<1x16xf32>,
        %scan3A_254 = arith.constant 1 : i32
        %scan3A_255 = arith.addi %scan3A_100, %scan3A_254 : i32
        %get3A_256 = arith.index_cast %scan3A_255 : i32 to index
        %get3A_257 = arith.constant 0 : index
        %get3A_258 = tpu.vector_load %arg13[%get3A_256, %get3A_257] {strides = array<i32>} : memref<48x16xf32, #tpu.memory_space<vmem>>, vector<1x16xf32>,
        %get3A_259 = vector.shape_cast %get3A_258 : vector<1x16xf32> to vector<16xf32>
        %slice3A_260 = vector.extract_strided_slice %get3A_259 {offsets = [0], sizes = [1], strides = [1]} : vector<16xf32> to vector<1xf32>
        %squeeze3A_261 = vector.extract %slice3A_260[0] : f32 from vector<1xf32>
        %slice3A_262 = vector.extract_strided_slice %get3A_259 {offsets = [2], sizes = [1], strides = [1]} : vector<16xf32> to vector<1xf32>
        %squeeze3A_263 = vector.extract %slice3A_262[0] : f32 from vector<1xf32>
        %select_n3A_264 = arith.select %eq3A_3, %squeeze3A_261, %squeeze3A_263 : f32
        %slice3A_265 = vector.extract_strided_slice %get3A_259 {offsets = [1], sizes = [1], strides = [1]} : vector<16xf32> to vector<1xf32>
        %squeeze3A_266 = vector.extract %slice3A_265[0] : f32 from vector<1xf32>
        %slice3A_267 = vector.extract_strided_slice %get3A_259 {offsets = [3], sizes = [1], strides = [1]} : vector<16xf32> to vector<1xf32>
        %squeeze3A_268 = vector.extract %slice3A_267[0] : f32 from vector<1xf32>
        %select_n3A_269 = arith.select %eq3A_3, %squeeze3A_266, %squeeze3A_268 : f32
        %get3A_270 = arith.index_cast %scan3A_255 : i32 to index
        %get3A_271 = arith.constant 0 : index
        %get3A_272 = tpu.vector_load %arg15[%get3A_270, %get3A_271] {strides = array<i32>} : memref<48x256xf32, #tpu.memory_space<vmem>>, vector<1x16xf32>,
        %get3A_273 = vector.shape_cast %get3A_272 : vector<1x16xf32> to vector<16xf32>
        %get3A_274 = arith.index_cast %scan3A_255 : i32 to index
        %get3A_275 = arith.constant 128 : index
        %get3A_276 = tpu.vector_load %arg15[%get3A_274, %get3A_275] {strides = array<i32>} : memref<48x256xf32, #tpu.memory_space<vmem>>, vector<1x16xf32>,
        %get3A_277 = vector.shape_cast %get3A_276 : vector<1x16xf32> to vector<16xf32>
        %mul3A_278 = vector.broadcast %select_n3A_264 : f32 to vector<16xf32>
        %mul3A_279 = arith.mulf %mul3A_278, %get3A_273 : vector<16xf32>
        %mul3A_280 = vector.broadcast %select_n3A_269 : f32 to vector<16xf32>
        %mul3A_281 = arith.mulf %mul3A_280, %get3A_277 : vector<16xf32>
        %add3A_282 = arith.addf %mul3A_279, %mul3A_281 : vector<16xf32>
        %swap3A_283 = arith.index_cast %scan3A_255 : i32 to index
        %swap3A_284 = arith.constant 0 : index
        %swap3A_285 = tpu.vector_load %arg17[%swap3A_283, %swap3A_284] {strides = array<i32>} : memref<48x128xf32, #tpu.memory_space<vmem>>, vector<1x16xf32>,
        %swap3A_286 = vector.shape_cast %swap3A_285 : vector<1x16xf32> to vector<16xf32>
        %swap3A_287 = vector.shape_cast %add3A_282 : vector<16xf32> to vector<1x16xf32>
        tpu.vector_store %arg17[%swap3A_283, %swap3A_284], %swap3A_287 {strides = array<i32>} : memref<48x128xf32, #tpu.memory_space<vmem>>, vector<1x16xf32>,
        %get3A_288 = arith.index_cast %scan3A_255 : i32 to index
        %get3A_289 = arith.constant 16 : index
        %get3A_290 = tpu.vector_load %arg15[%get3A_288, %get3A_289] {strides = array<i32>} : memref<48x256xf32, #tpu.memory_space<vmem>>, vector<1x16xf32>,
        %get3A_291 = vector.shape_cast %get3A_290 : vector<1x16xf32> to vector<16xf32>
        %get3A_292 = arith.index_cast %scan3A_255 : i32 to index
        %get3A_293 = arith.constant 144 : index
        %get3A_294 = tpu.vector_load %arg15[%get3A_292, %get3A_293] {strides = array<i32>} : memref<48x256xf32, #tpu.memory_space<vmem>>, vector<1x16xf32>,
        %get3A_295 = vector.shape_cast %get3A_294 : vector<1x16xf32> to vector<16xf32>
        %mul3A_296 = vector.broadcast %select_n3A_264 : f32 to vector<16xf32>
        %mul3A_297 = arith.mulf %mul3A_296, %get3A_291 : vector<16xf32>
        %mul3A_298 = vector.broadcast %select_n3A_269 : f32 to vector<16xf32>
        %mul3A_299 = arith.mulf %mul3A_298, %get3A_295 : vector<16xf32>
        %add3A_300 = arith.addf %mul3A_297, %mul3A_299 : vector<16xf32>
        %swap3A_301 = arith.index_cast %scan3A_255 : i32 to index
        %swap3A_302 = arith.constant 16 : index
        %swap3A_303 = tpu.vector_load %arg17[%swap3A_301, %swap3A_302] {strides = array<i32>} : memref<48x128xf32, #tpu.memory_space<vmem>>, vector<1x16xf32>,
        %swap3A_304 = vector.shape_cast %swap3A_303 : vector<1x16xf32> to vector<16xf32>
        %swap3A_305 = vector.shape_cast %add3A_300 : vector<16xf32> to vector<1x16xf32>
        tpu.vector_store %arg17[%swap3A_301, %swap3A_302], %swap3A_305 {strides = array<i32>} : memref<48x128xf32, #tpu.memory_space<vmem>>, vector<1x16xf32>,
        %get3A_306 = arith.index_cast %scan3A_255 : i32 to index
        %get3A_307 = arith.constant 32 : index
        %get3A_308 = tpu.vector_load %arg15[%get3A_306, %get3A_307] {strides = array<i32>} : memref<48x256xf32, #tpu.memory_space<vmem>>, vector<1x16xf32>,
        %get3A_309 = vector.shape_cast %get3A_308 : vector<1x16xf32> to vector<16xf32>
        %get3A_310 = arith.index_cast %scan3A_255 : i32 to index
        %get3A_311 = arith.constant 160 : index
        %get3A_312 = tpu.vector_load %arg15[%get3A_310, %get3A_311] {strides = array<i32>} : memref<48x256xf32, #tpu.memory_space<vmem>>, vector<1x16xf32>,
        %get3A_313 = vector.shape_cast %get3A_312 : vector<1x16xf32> to vector<16xf32>
        %mul3A_314 = vector.broadcast %select_n3A_264 : f32 to vector<16xf32>
        %mul3A_315 = arith.mulf %mul3A_314, %get3A_309 : vector<16xf32>
        %mul3A_316 = vector.broadcast %select_n3A_269 : f32 to vector<16xf32>
        %mul3A_317 = arith.mulf %mul3A_316, %get3A_313 : vector<16xf32>
        %add3A_318 = arith.addf %mul3A_315, %mul3A_317 : vector<16xf32>
        %swap3A_319 = arith.index_cast %scan3A_255 : i32 to index
        %swap3A_320 = arith.constant 32 : index
        %swap3A_321 = tpu.vector_load %arg17[%swap3A_319, %swap3A_320] {strides = array<i32>} : memref<48x128xf32, #tpu.memory_space<vmem>>, vector<1x16xf32>,
        %swap3A_322 = vector.shape_cast %swap3A_321 : vector<1x16xf32> to vector<16xf32>
        %swap3A_323 = vector.shape_cast %add3A_318 : vector<16xf32> to vector<1x16xf32>
        tpu.vector_store %arg17[%swap3A_319, %swap3A_320], %swap3A_323 {strides = array<i32>} : memref<48x128xf32, #tpu.memory_space<vmem>>, vector<1x16xf32>,
        %get3A_324 = arith.index_cast %scan3A_255 : i32 to index
        %get3A_325 = arith.constant 48 : index
        %get3A_326 = tpu.vector_load %arg15[%get3A_324, %get3A_325] {strides = array<i32>} : memref<48x256xf32, #tpu.memory_space<vmem>>, vector<1x16xf32>,
        %get3A_327 = vector.shape_cast %get3A_326 : vector<1x16xf32> to vector<16xf32>
        %get3A_328 = arith.index_cast %scan3A_255 : i32 to index
        %get3A_329 = arith.constant 176 : index
        %get3A_330 = tpu.vector_load %arg15[%get3A_328, %get3A_329] {strides = array<i32>} : memref<48x256xf32, #tpu.memory_space<vmem>>, vector<1x16xf32>,
        %get3A_331 = vector.shape_cast %get3A_330 : vector<1x16xf32> to vector<16xf32>
        %mul3A_332 = vector.broadcast %select_n3A_264 : f32 to vector<16xf32>
        %mul3A_333 = arith.mulf %mul3A_332, %get3A_327 : vector<16xf32>
        %mul3A_334 = vector.broadcast %select_n3A_269 : f32 to vector<16xf32>
        %mul3A_335 = arith.mulf %mul3A_334, %get3A_331 : vector<16xf32>
        %add3A_336 = arith.addf %mul3A_333, %mul3A_335 : vector<16xf32>
        %swap3A_337 = arith.index_cast %scan3A_255 : i32 to index
        %swap3A_338 = arith.constant 48 : index
        %swap3A_339 = tpu.vector_load %arg17[%swap3A_337, %swap3A_338] {strides = array<i32>} : memref<48x128xf32, #tpu.memory_space<vmem>>, vector<1x16xf32>,
        %swap3A_340 = vector.shape_cast %swap3A_339 : vector<1x16xf32> to vector<16xf32>
        %swap3A_341 = vector.shape_cast %add3A_336 : vector<16xf32> to vector<1x16xf32>
        tpu.vector_store %arg17[%swap3A_337, %swap3A_338], %swap3A_341 {strides = array<i32>} : memref<48x128xf32, #tpu.memory_space<vmem>>, vector<1x16xf32>,
        %get3A_342 = arith.index_cast %scan3A_255 : i32 to index
        %get3A_343 = arith.constant 64 : index
        %get3A_344 = tpu.vector_load %arg15[%get3A_342, %get3A_343] {strides = array<i32>} : memref<48x256xf32, #tpu.memory_space<vmem>>, vector<1x16xf32>,
        %get3A_345 = vector.shape_cast %get3A_344 : vector<1x16xf32> to vector<16xf32>
        %get3A_346 = arith.index_cast %scan3A_255 : i32 to index
        %get3A_347 = arith.constant 192 : index
        %get3A_348 = tpu.vector_load %arg15[%get3A_346, %get3A_347] {strides = array<i32>} : memref<48x256xf32, #tpu.memory_space<vmem>>, vector<1x16xf32>,
        %get3A_349 = vector.shape_cast %get3A_348 : vector<1x16xf32> to vector<16xf32>
        %mul3A_350 = vector.broadcast %select_n3A_264 : f32 to vector<16xf32>
        %mul3A_351 = arith.mulf %mul3A_350, %get3A_345 : vector<16xf32>
        %mul3A_352 = vector.broadcast %select_n3A_269 : f32 to vector<16xf32>
        %mul3A_353 = arith.mulf %mul3A_352, %get3A_349 : vector<16xf32>
        %add3A_354 = arith.addf %mul3A_351, %mul3A_353 : vector<16xf32>
        %swap3A_355 = arith.index_cast %scan3A_255 : i32 to index
        %swap3A_356 = arith.constant 64 : index
        %swap3A_357 = tpu.vector_load %arg17[%swap3A_355, %swap3A_356] {strides = array<i32>} : memref<48x128xf32, #tpu.memory_space<vmem>>, vector<1x16xf32>,
        %swap3A_358 = vector.shape_cast %swap3A_357 : vector<1x16xf32> to vector<16xf32>
        %swap3A_359 = vector.shape_cast %add3A_354 : vector<16xf32> to vector<1x16xf32>
        tpu.vector_store %arg17[%swap3A_355, %swap3A_356], %swap3A_359 {strides = array<i32>} : memref<48x128xf32, #tpu.memory_space<vmem>>, vector<1x16xf32>,
        %get3A_360 = arith.index_cast %scan3A_255 : i32 to index
        %get3A_361 = arith.constant 80 : index
        %get3A_362 = tpu.vector_load %arg15[%get3A_360, %get3A_361] {strides = array<i32>} : memref<48x256xf32, #tpu.memory_space<vmem>>, vector<1x16xf32>,
        %get3A_363 = vector.shape_cast %get3A_362 : vector<1x16xf32> to vector<16xf32>
        %get3A_364 = arith.index_cast %scan3A_255 : i32 to index
        %get3A_365 = arith.constant 208 : index
        %get3A_366 = tpu.vector_load %arg15[%get3A_364, %get3A_365] {strides = array<i32>} : memref<48x256xf32, #tpu.memory_space<vmem>>, vector<1x16xf32>,
        %get3A_367 = vector.shape_cast %get3A_366 : vector<1x16xf32> to vector<16xf32>
        %mul3A_368 = vector.broadcast %select_n3A_264 : f32 to vector<16xf32>
        %mul3A_369 = arith.mulf %mul3A_368, %get3A_363 : vector<16xf32>
        %mul3A_370 = vector.broadcast %select_n3A_269 : f32 to vector<16xf32>
        %mul3A_371 = arith.mulf %mul3A_370, %get3A_367 : vector<16xf32>
        %add3A_372 = arith.addf %mul3A_369, %mul3A_371 : vector<16xf32>
        %swap3A_373 = arith.index_cast %scan3A_255 : i32 to index
        %swap3A_374 = arith.constant 80 : index
        %swap3A_375 = tpu.vector_load %arg17[%swap3A_373, %swap3A_374] {strides = array<i32>} : memref<48x128xf32, #tpu.memory_space<vmem>>, vector<1x16xf32>,
        %swap3A_376 = vector.shape_cast %swap3A_375 : vector<1x16xf32> to vector<16xf32>
        %swap3A_377 = vector.shape_cast %add3A_372 : vector<16xf32> to vector<1x16xf32>
        tpu.vector_store %arg17[%swap3A_373, %swap3A_374], %swap3A_377 {strides = array<i32>} : memref<48x128xf32, #tpu.memory_space<vmem>>, vector<1x16xf32>,
        %get3A_378 = arith.index_cast %scan3A_255 : i32 to index
        %get3A_379 = arith.constant 96 : index
        %get3A_380 = tpu.vector_load %arg15[%get3A_378, %get3A_379] {strides = array<i32>} : memref<48x256xf32, #tpu.memory_space<vmem>>, vector<1x16xf32>,
        %get3A_381 = vector.shape_cast %get3A_380 : vector<1x16xf32> to vector<16xf32>
        %get3A_382 = arith.index_cast %scan3A_255 : i32 to index
        %get3A_383 = arith.constant 224 : index
        %get3A_384 = tpu.vector_load %arg15[%get3A_382, %get3A_383] {strides = array<i32>} : memref<48x256xf32, #tpu.memory_space<vmem>>, vector<1x16xf32>,
        %get3A_385 = vector.shape_cast %get3A_384 : vector<1x16xf32> to vector<16xf32>
        %mul3A_386 = vector.broadcast %select_n3A_264 : f32 to vector<16xf32>
        %mul3A_387 = arith.mulf %mul3A_386, %get3A_381 : vector<16xf32>
        %mul3A_388 = vector.broadcast %select_n3A_269 : f32 to vector<16xf32>
        %mul3A_389 = arith.mulf %mul3A_388, %get3A_385 : vector<16xf32>
        %add3A_390 = arith.addf %mul3A_387, %mul3A_389 : vector<16xf32>
        %swap3A_391 = arith.index_cast %scan3A_255 : i32 to index
        %swap3A_392 = arith.constant 96 : index
        %swap3A_393 = tpu.vector_load %arg17[%swap3A_391, %swap3A_392] {strides = array<i32>} : memref<48x128xf32, #tpu.memory_space<vmem>>, vector<1x16xf32>,
        %swap3A_394 = vector.shape_cast %swap3A_393 : vector<1x16xf32> to vector<16xf32>
        %swap3A_395 = vector.shape_cast %add3A_390 : vector<16xf32> to vector<1x16xf32>
        tpu.vector_store %arg17[%swap3A_391, %swap3A_392], %swap3A_395 {strides = array<i32>} : memref<48x128xf32, #tpu.memory_space<vmem>>, vector<1x16xf32>,
        %get3A_396 = arith.index_cast %scan3A_255 : i32 to index
        %get3A_397 = arith.constant 112 : index
        %get3A_398 = tpu.vector_load %arg15[%get3A_396, %get3A_397] {strides = array<i32>} : memref<48x256xf32, #tpu.memory_space<vmem>>, vector<1x16xf32>,
        %get3A_399 = vector.shape_cast %get3A_398 : vector<1x16xf32> to vector<16xf32>
        %get3A_400 = arith.index_cast %scan3A_255 : i32 to index
        %get3A_401 = arith.constant 240 : index
        %get3A_402 = tpu.vector_load %arg15[%get3A_400, %get3A_401] {strides = array<i32>} : memref<48x256xf32, #tpu.memory_space<vmem>>, vector<1x16xf32>,
        %get3A_403 = vector.shape_cast %get3A_402 : vector<1x16xf32> to vector<16xf32>
        %mul3A_404 = vector.broadcast %select_n3A_264 : f32 to vector<16xf32>
        %mul3A_405 = arith.mulf %mul3A_404, %get3A_399 : vector<16xf32>
        %mul3A_406 = vector.broadcast %select_n3A_269 : f32 to vector<16xf32>
        %mul3A_407 = arith.mulf %mul3A_406, %get3A_403 : vector<16xf32>
        %add3A_408 = arith.addf %mul3A_405, %mul3A_407 : vector<16xf32>
        %swap3A_409 = arith.index_cast %scan3A_255 : i32 to index
        %swap3A_410 = arith.constant 112 : index
        %swap3A_411 = tpu.vector_load %arg17[%swap3A_409, %swap3A_410] {strides = array<i32>} : memref<48x128xf32, #tpu.memory_space<vmem>>, vector<1x16xf32>,
        %swap3A_412 = vector.shape_cast %swap3A_411 : vector<1x16xf32> to vector<16xf32>
        %swap3A_413 = vector.shape_cast %add3A_408 : vector<16xf32> to vector<1x16xf32>
        tpu.vector_store %arg17[%swap3A_409, %swap3A_410], %swap3A_413 {strides = array<i32>} : memref<48x128xf32, #tpu.memory_space<vmem>>, vector<1x16xf32>,
        %scan3A_414 = arith.constant 2 : i32
        %scan3A_415 = arith.addi %scan3A_100, %scan3A_414 : i32
        %get3A_416 = arith.index_cast %scan3A_415 : i32 to index
        %get3A_417 = arith.constant 0 : index
        %get3A_418 = tpu.vector_load %arg13[%get3A_416, %get3A_417] {strides = array<i32>} : memref<48x16xf32, #tpu.memory_space<vmem>>, vector<1x16xf32>,
        %get3A_419 = vector.shape_cast %get3A_418 : vector<1x16xf32> to vector<16xf32>
        %slice3A_420 = vector.extract_strided_slice %get3A_419 {offsets = [0], sizes = [1], strides = [1]} : vector<16xf32> to vector<1xf32>
        %squeeze3A_421 = vector.extract %slice3A_420[0] : f32 from vector<1xf32>
        %slice3A_422 = vector.extract_strided_slice %get3A_419 {offsets = [2], sizes = [1], strides = [1]} : vector<16xf32> to vector<1xf32>
        %squeeze3A_423 = vector.extract %slice3A_422[0] : f32 from vector<1xf32>
        %select_n3A_424 = arith.select %eq3A_3, %squeeze3A_421, %squeeze3A_423 : f32
        %slice3A_425 = vector.extract_strided_slice %get3A_419 {offsets = [1], sizes = [1], strides = [1]} : vector<16xf32> to vector<1xf32>
        %squeeze3A_426 = vector.extract %slice3A_425[0] : f32 from vector<1xf32>
        %slice3A_427 = vector.extract_strided_slice %get3A_419 {offsets = [3], sizes = [1], strides = [1]} : vector<16xf32> to vector<1xf32>
        %squeeze3A_428 = vector.extract %slice3A_427[0] : f32 from vector<1xf32>
        %select_n3A_429 = arith.select %eq3A_3, %squeeze3A_426, %squeeze3A_428 : f32
        %get3A_430 = arith.index_cast %scan3A_415 : i32 to index
        %get3A_431 = arith.constant 0 : index
        %get3A_432 = tpu.vector_load %arg15[%get3A_430, %get3A_431] {strides = array<i32>} : memref<48x256xf32, #tpu.memory_space<vmem>>, vector<1x16xf32>,
        %get3A_433 = vector.shape_cast %get3A_432 : vector<1x16xf32> to vector<16xf32>
        %get3A_434 = arith.index_cast %scan3A_415 : i32 to index
        %get3A_435 = arith.constant 128 : index
        %get3A_436 = tpu.vector_load %arg15[%get3A_434, %get3A_435] {strides = array<i32>} : memref<48x256xf32, #tpu.memory_space<vmem>>, vector<1x16xf32>,
        %get3A_437 = vector.shape_cast %get3A_436 : vector<1x16xf32> to vector<16xf32>
        %mul3A_438 = vector.broadcast %select_n3A_424 : f32 to vector<16xf32>
        %mul3A_439 = arith.mulf %mul3A_438, %get3A_433 : vector<16xf32>
        %mul3A_440 = vector.broadcast %select_n3A_429 : f32 to vector<16xf32>
        %mul3A_441 = arith.mulf %mul3A_440, %get3A_437 : vector<16xf32>
        %add3A_442 = arith.addf %mul3A_439, %mul3A_441 : vector<16xf32>
        %swap3A_443 = arith.index_cast %scan3A_415 : i32 to index
        %swap3A_444 = arith.constant 0 : index
        %swap3A_445 = tpu.vector_load %arg17[%swap3A_443, %swap3A_444] {strides = array<i32>} : memref<48x128xf32, #tpu.memory_space<vmem>>, vector<1x16xf32>,
        %swap3A_446 = vector.shape_cast %swap3A_445 : vector<1x16xf32> to vector<16xf32>
        %swap3A_447 = vector.shape_cast %add3A_442 : vector<16xf32> to vector<1x16xf32>
        tpu.vector_store %arg17[%swap3A_443, %swap3A_444], %swap3A_447 {strides = array<i32>} : memref<48x128xf32, #tpu.memory_space<vmem>>, vector<1x16xf32>,
        %get3A_448 = arith.index_cast %scan3A_415 : i32 to index
        %get3A_449 = arith.constant 16 : index
        %get3A_450 = tpu.vector_load %arg15[%get3A_448, %get3A_449] {strides = array<i32>} : memref<48x256xf32, #tpu.memory_space<vmem>>, vector<1x16xf32>,
        %get3A_451 = vector.shape_cast %get3A_450 : vector<1x16xf32> to vector<16xf32>
        %get3A_452 = arith.index_cast %scan3A_415 : i32 to index
        %get3A_453 = arith.constant 144 : index
        %get3A_454 = tpu.vector_load %arg15[%get3A_452, %get3A_453] {strides = array<i32>} : memref<48x256xf32, #tpu.memory_space<vmem>>, vector<1x16xf32>,
        %get3A_455 = vector.shape_cast %get3A_454 : vector<1x16xf32> to vector<16xf32>
        %mul3A_456 = vector.broadcast %select_n3A_424 : f32 to vector<16xf32>
        %mul3A_457 = arith.mulf %mul3A_456, %get3A_451 : vector<16xf32>
        %mul3A_458 = vector.broadcast %select_n3A_429 : f32 to vector<16xf32>
        %mul3A_459 = arith.mulf %mul3A_458, %get3A_455 : vector<16xf32>
        %add3A_460 = arith.addf %mul3A_457, %mul3A_459 : vector<16xf32>
        %swap3A_461 = arith.index_cast %scan3A_415 : i32 to index
        %swap3A_462 = arith.constant 16 : index
        %swap3A_463 = tpu.vector_load %arg17[%swap3A_461, %swap3A_462] {strides = array<i32>} : memref<48x128xf32, #tpu.memory_space<vmem>>, vector<1x16xf32>,
        %swap3A_464 = vector.shape_cast %swap3A_463 : vector<1x16xf32> to vector<16xf32>
        %swap3A_465 = vector.shape_cast %add3A_460 : vector<16xf32> to vector<1x16xf32>
        tpu.vector_store %arg17[%swap3A_461, %swap3A_462], %swap3A_465 {strides = array<i32>} : memref<48x128xf32, #tpu.memory_space<vmem>>, vector<1x16xf32>,
        %get3A_466 = arith.index_cast %scan3A_415 : i32 to index
        %get3A_467 = arith.constant 32 : index
        %get3A_468 = tpu.vector_load %arg15[%get3A_466, %get3A_467] {strides = array<i32>} : memref<48x256xf32, #tpu.memory_space<vmem>>, vector<1x16xf32>,
        %get3A_469 = vector.shape_cast %get3A_468 : vector<1x16xf32> to vector<16xf32>
        %get3A_470 = arith.index_cast %scan3A_415 : i32 to index
        %get3A_471 = arith.constant 160 : index
        %get3A_472 = tpu.vector_load %arg15[%get3A_470, %get3A_471] {strides = array<i32>} : memref<48x256xf32, #tpu.memory_space<vmem>>, vector<1x16xf32>,
        %get3A_473 = vector.shape_cast %get3A_472 : vector<1x16xf32> to vector<16xf32>
        %mul3A_474 = vector.broadcast %select_n3A_424 : f32 to vector<16xf32>
        %mul3A_475 = arith.mulf %mul3A_474, %get3A_469 : vector<16xf32>
        %mul3A_476 = vector.broadcast %select_n3A_429 : f32 to vector<16xf32>
        %mul3A_477 = arith.mulf %mul3A_476, %get3A_473 : vector<16xf32>
        %add3A_478 = arith.addf %mul3A_475, %mul3A_477 : vector<16xf32>
        %swap3A_479 = arith.index_cast %scan3A_415 : i32 to index
        %swap3A_480 = arith.constant 32 : index
        %swap3A_481 = tpu.vector_load %arg17[%swap3A_479, %swap3A_480] {strides = array<i32>} : memref<48x128xf32, #tpu.memory_space<vmem>>, vector<1x16xf32>,
        %swap3A_482 = vector.shape_cast %swap3A_481 : vector<1x16xf32> to vector<16xf32>
        %swap3A_483 = vector.shape_cast %add3A_478 : vector<16xf32> to vector<1x16xf32>
        tpu.vector_store %arg17[%swap3A_479, %swap3A_480], %swap3A_483 {strides = array<i32>} : memref<48x128xf32, #tpu.memory_space<vmem>>, vector<1x16xf32>,
        %get3A_484 = arith.index_cast %scan3A_415 : i32 to index
        %get3A_485 = arith.constant 48 : index
        %get3A_486 = tpu.vector_load %arg15[%get3A_484, %get3A_485] {strides = array<i32>} : memref<48x256xf32, #tpu.memory_space<vmem>>, vector<1x16xf32>,
        %get3A_487 = vector.shape_cast %get3A_486 : vector<1x16xf32> to vector<16xf32>
        %get3A_488 = arith.index_cast %scan3A_415 : i32 to index
        %get3A_489 = arith.constant 176 : index
        %get3A_490 = tpu.vector_load %arg15[%get3A_488, %get3A_489] {strides = array<i32>} : memref<48x256xf32, #tpu.memory_space<vmem>>, vector<1x16xf32>,
        %get3A_491 = vector.shape_cast %get3A_490 : vector<1x16xf32> to vector<16xf32>
        %mul3A_492 = vector.broadcast %select_n3A_424 : f32 to vector<16xf32>
        %mul3A_493 = arith.mulf %mul3A_492, %get3A_487 : vector<16xf32>
        %mul3A_494 = vector.broadcast %select_n3A_429 : f32 to vector<16xf32>
        %mul3A_495 = arith.mulf %mul3A_494, %get3A_491 : vector<16xf32>
        %add3A_496 = arith.addf %mul3A_493, %mul3A_495 : vector<16xf32>
        %swap3A_497 = arith.index_cast %scan3A_415 : i32 to index
        %swap3A_498 = arith.constant 48 : index
        %swap3A_499 = tpu.vector_load %arg17[%swap3A_497, %swap3A_498] {strides = array<i32>} : memref<48x128xf32, #tpu.memory_space<vmem>>, vector<1x16xf32>,
        %swap3A_500 = vector.shape_cast %swap3A_499 : vector<1x16xf32> to vector<16xf32>
        %swap3A_501 = vector.shape_cast %add3A_496 : vector<16xf32> to vector<1x16xf32>
        tpu.vector_store %arg17[%swap3A_497, %swap3A_498], %swap3A_501 {strides = array<i32>} : memref<48x128xf32, #tpu.memory_space<vmem>>, vector<1x16xf32>,
        %get3A_502 = arith.index_cast %scan3A_415 : i32 to index
        %get3A_503 = arith.constant 64 : index
        %get3A_504 = tpu.vector_load %arg15[%get3A_502, %get3A_503] {strides = array<i32>} : memref<48x256xf32, #tpu.memory_space<vmem>>, vector<1x16xf32>,
        %get3A_505 = vector.shape_cast %get3A_504 : vector<1x16xf32> to vector<16xf32>
        %get3A_506 = arith.index_cast %scan3A_415 : i32 to index
        %get3A_507 = arith.constant 192 : index
        %get3A_508 = tpu.vector_load %arg15[%get3A_506, %get3A_507] {strides = array<i32>} : memref<48x256xf32, #tpu.memory_space<vmem>>, vector<1x16xf32>,
        %get3A_509 = vector.shape_cast %get3A_508 : vector<1x16xf32> to vector<16xf32>
        %mul3A_510 = vector.broadcast %select_n3A_424 : f32 to vector<16xf32>
        %mul3A_511 = arith.mulf %mul3A_510, %get3A_505 : vector<16xf32>
        %mul3A_512 = vector.broadcast %select_n3A_429 : f32 to vector<16xf32>
        %mul3A_513 = arith.mulf %mul3A_512, %get3A_509 : vector<16xf32>
        %add3A_514 = arith.addf %mul3A_511, %mul3A_513 : vector<16xf32>
        %swap3A_515 = arith.index_cast %scan3A_415 : i32 to index
        %swap3A_516 = arith.constant 64 : index
        %swap3A_517 = tpu.vector_load %arg17[%swap3A_515, %swap3A_516] {strides = array<i32>} : memref<48x128xf32, #tpu.memory_space<vmem>>, vector<1x16xf32>,
        %swap3A_518 = vector.shape_cast %swap3A_517 : vector<1x16xf32> to vector<16xf32>
        %swap3A_519 = vector.shape_cast %add3A_514 : vector<16xf32> to vector<1x16xf32>
        tpu.vector_store %arg17[%swap3A_515, %swap3A_516], %swap3A_519 {strides = array<i32>} : memref<48x128xf32, #tpu.memory_space<vmem>>, vector<1x16xf32>,
        %get3A_520 = arith.index_cast %scan3A_415 : i32 to index
        %get3A_521 = arith.constant 80 : index
        %get3A_522 = tpu.vector_load %arg15[%get3A_520, %get3A_521] {strides = array<i32>} : memref<48x256xf32, #tpu.memory_space<vmem>>, vector<1x16xf32>,
        %get3A_523 = vector.shape_cast %get3A_522 : vector<1x16xf32> to vector<16xf32>
        %get3A_524 = arith.index_cast %scan3A_415 : i32 to index
        %get3A_525 = arith.constant 208 : index
        %get3A_526 = tpu.vector_load %arg15[%get3A_524, %get3A_525] {strides = array<i32>} : memref<48x256xf32, #tpu.memory_space<vmem>>, vector<1x16xf32>,
        %get3A_527 = vector.shape_cast %get3A_526 : vector<1x16xf32> to vector<16xf32>
        %mul3A_528 = vector.broadcast %select_n3A_424 : f32 to vector<16xf32>
        %mul3A_529 = arith.mulf %mul3A_528, %get3A_523 : vector<16xf32>
        %mul3A_530 = vector.broadcast %select_n3A_429 : f32 to vector<16xf32>
        %mul3A_531 = arith.mulf %mul3A_530, %get3A_527 : vector<16xf32>
        %add3A_532 = arith.addf %mul3A_529, %mul3A_531 : vector<16xf32>
        %swap3A_533 = arith.index_cast %scan3A_415 : i32 to index
        %swap3A_534 = arith.constant 80 : index
        %swap3A_535 = tpu.vector_load %arg17[%swap3A_533, %swap3A_534] {strides = array<i32>} : memref<48x128xf32, #tpu.memory_space<vmem>>, vector<1x16xf32>,
        %swap3A_536 = vector.shape_cast %swap3A_535 : vector<1x16xf32> to vector<16xf32>
        %swap3A_537 = vector.shape_cast %add3A_532 : vector<16xf32> to vector<1x16xf32>
        tpu.vector_store %arg17[%swap3A_533, %swap3A_534], %swap3A_537 {strides = array<i32>} : memref<48x128xf32, #tpu.memory_space<vmem>>, vector<1x16xf32>,
        %get3A_538 = arith.index_cast %scan3A_415 : i32 to index
        %get3A_539 = arith.constant 96 : index
        %get3A_540 = tpu.vector_load %arg15[%get3A_538, %get3A_539] {strides = array<i32>} : memref<48x256xf32, #tpu.memory_space<vmem>>, vector<1x16xf32>,
        %get3A_541 = vector.shape_cast %get3A_540 : vector<1x16xf32> to vector<16xf32>
        %get3A_542 = arith.index_cast %scan3A_415 : i32 to index
        %get3A_543 = arith.constant 224 : index
        %get3A_544 = tpu.vector_load %arg15[%get3A_542, %get3A_543] {strides = array<i32>} : memref<48x256xf32, #tpu.memory_space<vmem>>, vector<1x16xf32>,
        %get3A_545 = vector.shape_cast %get3A_544 : vector<1x16xf32> to vector<16xf32>
        %mul3A_546 = vector.broadcast %select_n3A_424 : f32 to vector<16xf32>
        %mul3A_547 = arith.mulf %mul3A_546, %get3A_541 : vector<16xf32>
        %mul3A_548 = vector.broadcast %select_n3A_429 : f32 to vector<16xf32>
        %mul3A_549 = arith.mulf %mul3A_548, %get3A_545 : vector<16xf32>
        %add3A_550 = arith.addf %mul3A_547, %mul3A_549 : vector<16xf32>
        %swap3A_551 = arith.index_cast %scan3A_415 : i32 to index
        %swap3A_552 = arith.constant 96 : index
        %swap3A_553 = tpu.vector_load %arg17[%swap3A_551, %swap3A_552] {strides = array<i32>} : memref<48x128xf32, #tpu.memory_space<vmem>>, vector<1x16xf32>,
        %swap3A_554 = vector.shape_cast %swap3A_553 : vector<1x16xf32> to vector<16xf32>
        %swap3A_555 = vector.shape_cast %add3A_550 : vector<16xf32> to vector<1x16xf32>
        tpu.vector_store %arg17[%swap3A_551, %swap3A_552], %swap3A_555 {strides = array<i32>} : memref<48x128xf32, #tpu.memory_space<vmem>>, vector<1x16xf32>,
        %get3A_556 = arith.index_cast %scan3A_415 : i32 to index
        %get3A_557 = arith.constant 112 : index
        %get3A_558 = tpu.vector_load %arg15[%get3A_556, %get3A_557] {strides = array<i32>} : memref<48x256xf32, #tpu.memory_space<vmem>>, vector<1x16xf32>,
        %get3A_559 = vector.shape_cast %get3A_558 : vector<1x16xf32> to vector<16xf32>
        %get3A_560 = arith.index_cast %scan3A_415 : i32 to index
        %get3A_561 = arith.constant 240 : index
        %get3A_562 = tpu.vector_load %arg15[%get3A_560, %get3A_561] {strides = array<i32>} : memref<48x256xf32, #tpu.memory_space<vmem>>, vector<1x16xf32>,
        %get3A_563 = vector.shape_cast %get3A_562 : vector<1x16xf32> to vector<16xf32>
        %mul3A_564 = vector.broadcast %select_n3A_424 : f32 to vector<16xf32>
        %mul3A_565 = arith.mulf %mul3A_564, %get3A_559 : vector<16xf32>
        %mul3A_566 = vector.broadcast %select_n3A_429 : f32 to vector<16xf32>
        %mul3A_567 = arith.mulf %mul3A_566, %get3A_563 : vector<16xf32>
        %add3A_568 = arith.addf %mul3A_565, %mul3A_567 : vector<16xf32>
        %swap3A_569 = arith.index_cast %scan3A_415 : i32 to index
        %swap3A_570 = arith.constant 112 : index
        %swap3A_571 = tpu.vector_load %arg17[%swap3A_569, %swap3A_570] {strides = array<i32>} : memref<48x128xf32, #tpu.memory_space<vmem>>, vector<1x16xf32>,
        %swap3A_572 = vector.shape_cast %swap3A_571 : vector<1x16xf32> to vector<16xf32>
        %swap3A_573 = vector.shape_cast %add3A_568 : vector<16xf32> to vector<1x16xf32>
        tpu.vector_store %arg17[%swap3A_569, %swap3A_570], %swap3A_573 {strides = array<i32>} : memref<48x128xf32, #tpu.memory_space<vmem>>, vector<1x16xf32>,
        %scan3A_574 = arith.constant 3 : i32
        %scan3A_575 = arith.addi %scan3A_100, %scan3A_574 : i32
        %get3A_576 = arith.index_cast %scan3A_575 : i32 to index
        %get3A_577 = arith.constant 0 : index
        %get3A_578 = tpu.vector_load %arg13[%get3A_576, %get3A_577] {strides = array<i32>} : memref<48x16xf32, #tpu.memory_space<vmem>>, vector<1x16xf32>,
        %get3A_579 = vector.shape_cast %get3A_578 : vector<1x16xf32> to vector<16xf32>
        %slice3A_580 = vector.extract_strided_slice %get3A_579 {offsets = [0], sizes = [1], strides = [1]} : vector<16xf32> to vector<1xf32>
        %squeeze3A_581 = vector.extract %slice3A_580[0] : f32 from vector<1xf32>
        %slice3A_582 = vector.extract_strided_slice %get3A_579 {offsets = [2], sizes = [1], strides = [1]} : vector<16xf32> to vector<1xf32>
        %squeeze3A_583 = vector.extract %slice3A_582[0] : f32 from vector<1xf32>
        %select_n3A_584 = arith.select %eq3A_3, %squeeze3A_581, %squeeze3A_583 : f32
        %slice3A_585 = vector.extract_strided_slice %get3A_579 {offsets = [1], sizes = [1], strides = [1]} : vector<16xf32> to vector<1xf32>
        %squeeze3A_586 = vector.extract %slice3A_585[0] : f32 from vector<1xf32>
        %slice3A_587 = vector.extract_strided_slice %get3A_579 {offsets = [3], sizes = [1], strides = [1]} : vector<16xf32> to vector<1xf32>
        %squeeze3A_588 = vector.extract %slice3A_587[0] : f32 from vector<1xf32>
        %select_n3A_589 = arith.select %eq3A_3, %squeeze3A_586, %squeeze3A_588 : f32
        %get3A_590 = arith.index_cast %scan3A_575 : i32 to index
        %get3A_591 = arith.constant 0 : index
        %get3A_592 = tpu.vector_load %arg15[%get3A_590, %get3A_591] {strides = array<i32>} : memref<48x256xf32, #tpu.memory_space<vmem>>, vector<1x16xf32>,
        %get3A_593 = vector.shape_cast %get3A_592 : vector<1x16xf32> to vector<16xf32>
        %get3A_594 = arith.index_cast %scan3A_575 : i32 to index
        %get3A_595 = arith.constant 128 : index
        %get3A_596 = tpu.vector_load %arg15[%get3A_594, %get3A_595] {strides = array<i32>} : memref<48x256xf32, #tpu.memory_space<vmem>>, vector<1x16xf32>,
        %get3A_597 = vector.shape_cast %get3A_596 : vector<1x16xf32> to vector<16xf32>
        %mul3A_598 = vector.broadcast %select_n3A_584 : f32 to vector<16xf32>
        %mul3A_599 = arith.mulf %mul3A_598, %get3A_593 : vector<16xf32>
        %mul3A_600 = vector.broadcast %select_n3A_589 : f32 to vector<16xf32>
        %mul3A_601 = arith.mulf %mul3A_600, %get3A_597 : vector<16xf32>
        %add3A_602 = arith.addf %mul3A_599, %mul3A_601 : vector<16xf32>
        %swap3A_603 = arith.index_cast %scan3A_575 : i32 to index
        %swap3A_604 = arith.constant 0 : index
        %swap3A_605 = tpu.vector_load %arg17[%swap3A_603, %swap3A_604] {strides = array<i32>} : memref<48x128xf32, #tpu.memory_space<vmem>>, vector<1x16xf32>,
        %swap3A_606 = vector.shape_cast %swap3A_605 : vector<1x16xf32> to vector<16xf32>
        %swap3A_607 = vector.shape_cast %add3A_602 : vector<16xf32> to vector<1x16xf32>
        tpu.vector_store %arg17[%swap3A_603, %swap3A_604], %swap3A_607 {strides = array<i32>} : memref<48x128xf32, #tpu.memory_space<vmem>>, vector<1x16xf32>,
        %get3A_608 = arith.index_cast %scan3A_575 : i32 to index
        %get3A_609 = arith.constant 16 : index
        %get3A_610 = tpu.vector_load %arg15[%get3A_608, %get3A_609] {strides = array<i32>} : memref<48x256xf32, #tpu.memory_space<vmem>>, vector<1x16xf32>,
        %get3A_611 = vector.shape_cast %get3A_610 : vector<1x16xf32> to vector<16xf32>
        %get3A_612 = arith.index_cast %scan3A_575 : i32 to index
        %get3A_613 = arith.constant 144 : index
        %get3A_614 = tpu.vector_load %arg15[%get3A_612, %get3A_613] {strides = array<i32>} : memref<48x256xf32, #tpu.memory_space<vmem>>, vector<1x16xf32>,
        %get3A_615 = vector.shape_cast %get3A_614 : vector<1x16xf32> to vector<16xf32>
        %mul3A_616 = vector.broadcast %select_n3A_584 : f32 to vector<16xf32>
        %mul3A_617 = arith.mulf %mul3A_616, %get3A_611 : vector<16xf32>
        %mul3A_618 = vector.broadcast %select_n3A_589 : f32 to vector<16xf32>
        %mul3A_619 = arith.mulf %mul3A_618, %get3A_615 : vector<16xf32>
        %add3A_620 = arith.addf %mul3A_617, %mul3A_619 : vector<16xf32>
        %swap3A_621 = arith.index_cast %scan3A_575 : i32 to index
        %swap3A_622 = arith.constant 16 : index
        %swap3A_623 = tpu.vector_load %arg17[%swap3A_621, %swap3A_622] {strides = array<i32>} : memref<48x128xf32, #tpu.memory_space<vmem>>, vector<1x16xf32>,
        %swap3A_624 = vector.shape_cast %swap3A_623 : vector<1x16xf32> to vector<16xf32>
        %swap3A_625 = vector.shape_cast %add3A_620 : vector<16xf32> to vector<1x16xf32>
        tpu.vector_store %arg17[%swap3A_621, %swap3A_622], %swap3A_625 {strides = array<i32>} : memref<48x128xf32, #tpu.memory_space<vmem>>, vector<1x16xf32>,
        %get3A_626 = arith.index_cast %scan3A_575 : i32 to index
        %get3A_627 = arith.constant 32 : index
        %get3A_628 = tpu.vector_load %arg15[%get3A_626, %get3A_627] {strides = array<i32>} : memref<48x256xf32, #tpu.memory_space<vmem>>, vector<1x16xf32>,
        %get3A_629 = vector.shape_cast %get3A_628 : vector<1x16xf32> to vector<16xf32>
        %get3A_630 = arith.index_cast %scan3A_575 : i32 to index
        %get3A_631 = arith.constant 160 : index
        %get3A_632 = tpu.vector_load %arg15[%get3A_630, %get3A_631] {strides = array<i32>} : memref<48x256xf32, #tpu.memory_space<vmem>>, vector<1x16xf32>,
        %get3A_633 = vector.shape_cast %get3A_632 : vector<1x16xf32> to vector<16xf32>
        %mul3A_634 = vector.broadcast %select_n3A_584 : f32 to vector<16xf32>
        %mul3A_635 = arith.mulf %mul3A_634, %get3A_629 : vector<16xf32>
        %mul3A_636 = vector.broadcast %select_n3A_589 : f32 to vector<16xf32>
        %mul3A_637 = arith.mulf %mul3A_636, %get3A_633 : vector<16xf32>
        %add3A_638 = arith.addf %mul3A_635, %mul3A_637 : vector<16xf32>
        %swap3A_639 = arith.index_cast %scan3A_575 : i32 to index
        %swap3A_640 = arith.constant 32 : index
        %swap3A_641 = tpu.vector_load %arg17[%swap3A_639, %swap3A_640] {strides = array<i32>} : memref<48x128xf32, #tpu.memory_space<vmem>>, vector<1x16xf32>,
        %swap3A_642 = vector.shape_cast %swap3A_641 : vector<1x16xf32> to vector<16xf32>
        %swap3A_643 = vector.shape_cast %add3A_638 : vector<16xf32> to vector<1x16xf32>
        tpu.vector_store %arg17[%swap3A_639, %swap3A_640], %swap3A_643 {strides = array<i32>} : memref<48x128xf32, #tpu.memory_space<vmem>>, vector<1x16xf32>,
        %get3A_644 = arith.index_cast %scan3A_575 : i32 to index
        %get3A_645 = arith.constant 48 : index
        %get3A_646 = tpu.vector_load %arg15[%get3A_644, %get3A_645] {strides = array<i32>} : memref<48x256xf32, #tpu.memory_space<vmem>>, vector<1x16xf32>,
        %get3A_647 = vector.shape_cast %get3A_646 : vector<1x16xf32> to vector<16xf32>
        %get3A_648 = arith.index_cast %scan3A_575 : i32 to index
        %get3A_649 = arith.constant 176 : index
        %get3A_650 = tpu.vector_load %arg15[%get3A_648, %get3A_649] {strides = array<i32>} : memref<48x256xf32, #tpu.memory_space<vmem>>, vector<1x16xf32>,
        %get3A_651 = vector.shape_cast %get3A_650 : vector<1x16xf32> to vector<16xf32>
        %mul3A_652 = vector.broadcast %select_n3A_584 : f32 to vector<16xf32>
        %mul3A_653 = arith.mulf %mul3A_652, %get3A_647 : vector<16xf32>
        %mul3A_654 = vector.broadcast %select_n3A_589 : f32 to vector<16xf32>
        %mul3A_655 = arith.mulf %mul3A_654, %get3A_651 : vector<16xf32>
        %add3A_656 = arith.addf %mul3A_653, %mul3A_655 : vector<16xf32>
        %swap3A_657 = arith.index_cast %scan3A_575 : i32 to index
        %swap3A_658 = arith.constant 48 : index
        %swap3A_659 = tpu.vector_load %arg17[%swap3A_657, %swap3A_658] {strides = array<i32>} : memref<48x128xf32, #tpu.memory_space<vmem>>, vector<1x16xf32>,
        %swap3A_660 = vector.shape_cast %swap3A_659 : vector<1x16xf32> to vector<16xf32>
        %swap3A_661 = vector.shape_cast %add3A_656 : vector<16xf32> to vector<1x16xf32>
        tpu.vector_store %arg17[%swap3A_657, %swap3A_658], %swap3A_661 {strides = array<i32>} : memref<48x128xf32, #tpu.memory_space<vmem>>, vector<1x16xf32>,
        %get3A_662 = arith.index_cast %scan3A_575 : i32 to index
        %get3A_663 = arith.constant 64 : index
        %get3A_664 = tpu.vector_load %arg15[%get3A_662, %get3A_663] {strides = array<i32>} : memref<48x256xf32, #tpu.memory_space<vmem>>, vector<1x16xf32>,
        %get3A_665 = vector.shape_cast %get3A_664 : vector<1x16xf32> to vector<16xf32>
        %get3A_666 = arith.index_cast %scan3A_575 : i32 to index
        %get3A_667 = arith.constant 192 : index
        %get3A_668 = tpu.vector_load %arg15[%get3A_666, %get3A_667] {strides = array<i32>} : memref<48x256xf32, #tpu.memory_space<vmem>>, vector<1x16xf32>,
        %get3A_669 = vector.shape_cast %get3A_668 : vector<1x16xf32> to vector<16xf32>
        %mul3A_670 = vector.broadcast %select_n3A_584 : f32 to vector<16xf32>
        %mul3A_671 = arith.mulf %mul3A_670, %get3A_665 : vector<16xf32>
        %mul3A_672 = vector.broadcast %select_n3A_589 : f32 to vector<16xf32>
        %mul3A_673 = arith.mulf %mul3A_672, %get3A_669 : vector<16xf32>
        %add3A_674 = arith.addf %mul3A_671, %mul3A_673 : vector<16xf32>
        %swap3A_675 = arith.index_cast %scan3A_575 : i32 to index
        %swap3A_676 = arith.constant 64 : index
        %swap3A_677 = tpu.vector_load %arg17[%swap3A_675, %swap3A_676] {strides = array<i32>} : memref<48x128xf32, #tpu.memory_space<vmem>>, vector<1x16xf32>,
        %swap3A_678 = vector.shape_cast %swap3A_677 : vector<1x16xf32> to vector<16xf32>
        %swap3A_679 = vector.shape_cast %add3A_674 : vector<16xf32> to vector<1x16xf32>
        tpu.vector_store %arg17[%swap3A_675, %swap3A_676], %swap3A_679 {strides = array<i32>} : memref<48x128xf32, #tpu.memory_space<vmem>>, vector<1x16xf32>,
        %get3A_680 = arith.index_cast %scan3A_575 : i32 to index
        %get3A_681 = arith.constant 80 : index
        %get3A_682 = tpu.vector_load %arg15[%get3A_680, %get3A_681] {strides = array<i32>} : memref<48x256xf32, #tpu.memory_space<vmem>>, vector<1x16xf32>,
        %get3A_683 = vector.shape_cast %get3A_682 : vector<1x16xf32> to vector<16xf32>
        %get3A_684 = arith.index_cast %scan3A_575 : i32 to index
        %get3A_685 = arith.constant 208 : index
        %get3A_686 = tpu.vector_load %arg15[%get3A_684, %get3A_685] {strides = array<i32>} : memref<48x256xf32, #tpu.memory_space<vmem>>, vector<1x16xf32>,
        %get3A_687 = vector.shape_cast %get3A_686 : vector<1x16xf32> to vector<16xf32>
        %mul3A_688 = vector.broadcast %select_n3A_584 : f32 to vector<16xf32>
        %mul3A_689 = arith.mulf %mul3A_688, %get3A_683 : vector<16xf32>
        %mul3A_690 = vector.broadcast %select_n3A_589 : f32 to vector<16xf32>
        %mul3A_691 = arith.mulf %mul3A_690, %get3A_687 : vector<16xf32>
        %add3A_692 = arith.addf %mul3A_689, %mul3A_691 : vector<16xf32>
        %swap3A_693 = arith.index_cast %scan3A_575 : i32 to index
        %swap3A_694 = arith.constant 80 : index
        %swap3A_695 = tpu.vector_load %arg17[%swap3A_693, %swap3A_694] {strides = array<i32>} : memref<48x128xf32, #tpu.memory_space<vmem>>, vector<1x16xf32>,
        %swap3A_696 = vector.shape_cast %swap3A_695 : vector<1x16xf32> to vector<16xf32>
        %swap3A_697 = vector.shape_cast %add3A_692 : vector<16xf32> to vector<1x16xf32>
        tpu.vector_store %arg17[%swap3A_693, %swap3A_694], %swap3A_697 {strides = array<i32>} : memref<48x128xf32, #tpu.memory_space<vmem>>, vector<1x16xf32>,
        %get3A_698 = arith.index_cast %scan3A_575 : i32 to index
        %get3A_699 = arith.constant 96 : index
        %get3A_700 = tpu.vector_load %arg15[%get3A_698, %get3A_699] {strides = array<i32>} : memref<48x256xf32, #tpu.memory_space<vmem>>, vector<1x16xf32>,
        %get3A_701 = vector.shape_cast %get3A_700 : vector<1x16xf32> to vector<16xf32>
        %get3A_702 = arith.index_cast %scan3A_575 : i32 to index
        %get3A_703 = arith.constant 224 : index
        %get3A_704 = tpu.vector_load %arg15[%get3A_702, %get3A_703] {strides = array<i32>} : memref<48x256xf32, #tpu.memory_space<vmem>>, vector<1x16xf32>,
        %get3A_705 = vector.shape_cast %get3A_704 : vector<1x16xf32> to vector<16xf32>
        %mul3A_706 = vector.broadcast %select_n3A_584 : f32 to vector<16xf32>
        %mul3A_707 = arith.mulf %mul3A_706, %get3A_701 : vector<16xf32>
        %mul3A_708 = vector.broadcast %select_n3A_589 : f32 to vector<16xf32>
        %mul3A_709 = arith.mulf %mul3A_708, %get3A_705 : vector<16xf32>
        %add3A_710 = arith.addf %mul3A_707, %mul3A_709 : vector<16xf32>
        %swap3A_711 = arith.index_cast %scan3A_575 : i32 to index
        %swap3A_712 = arith.constant 96 : index
        %swap3A_713 = tpu.vector_load %arg17[%swap3A_711, %swap3A_712] {strides = array<i32>} : memref<48x128xf32, #tpu.memory_space<vmem>>, vector<1x16xf32>,
        %swap3A_714 = vector.shape_cast %swap3A_713 : vector<1x16xf32> to vector<16xf32>
        %swap3A_715 = vector.shape_cast %add3A_710 : vector<16xf32> to vector<1x16xf32>
        tpu.vector_store %arg17[%swap3A_711, %swap3A_712], %swap3A_715 {strides = array<i32>} : memref<48x128xf32, #tpu.memory_space<vmem>>, vector<1x16xf32>,
        %get3A_716 = arith.index_cast %scan3A_575 : i32 to index
        %get3A_717 = arith.constant 112 : index
        %get3A_718 = tpu.vector_load %arg15[%get3A_716, %get3A_717] {strides = array<i32>} : memref<48x256xf32, #tpu.memory_space<vmem>>, vector<1x16xf32>,
        %get3A_719 = vector.shape_cast %get3A_718 : vector<1x16xf32> to vector<16xf32>
        %get3A_720 = arith.index_cast %scan3A_575 : i32 to index
        %get3A_721 = arith.constant 240 : index
        %get3A_722 = tpu.vector_load %arg15[%get3A_720, %get3A_721] {strides = array<i32>} : memref<48x256xf32, #tpu.memory_space<vmem>>, vector<1x16xf32>,
        %get3A_723 = vector.shape_cast %get3A_722 : vector<1x16xf32> to vector<16xf32>
        %mul3A_724 = vector.broadcast %select_n3A_584 : f32 to vector<16xf32>
        %mul3A_725 = arith.mulf %mul3A_724, %get3A_719 : vector<16xf32>
        %mul3A_726 = vector.broadcast %select_n3A_589 : f32 to vector<16xf32>
        %mul3A_727 = arith.mulf %mul3A_726, %get3A_723 : vector<16xf32>
        %add3A_728 = arith.addf %mul3A_725, %mul3A_727 : vector<16xf32>
        %swap3A_729 = arith.index_cast %scan3A_575 : i32 to index
        %swap3A_730 = arith.constant 112 : index
        %swap3A_731 = tpu.vector_load %arg17[%swap3A_729, %swap3A_730] {strides = array<i32>} : memref<48x128xf32, #tpu.memory_space<vmem>>, vector<1x16xf32>,
        %swap3A_732 = vector.shape_cast %swap3A_731 : vector<1x16xf32> to vector<16xf32>
        %swap3A_733 = vector.shape_cast %add3A_728 : vector<16xf32> to vector<1x16xf32>
        tpu.vector_store %arg17[%swap3A_729, %swap3A_730], %swap3A_733 {strides = array<i32>} : memref<48x128xf32, #tpu.memory_space<vmem>>, vector<1x16xf32>,
      }
      %scan3A_62 = arith.constant 48 : i32
      %dma_start3A_63 = arith.constant 0 : i32
      %dma_start3A_64 = arith.constant 0 : i32
      %dma_start3A_65 = tpu.memref_slice %arg8[%dma_start3A_63, %dma_start3A_64] : memref<10112x128xf32, #tpu.memory_space<vmem_shared>> -> memref<10112x128xf32, #tpu.memory_space<vmem_shared>>
      tpu.enqueue_indirect_dma source(%arg17 : memref<48x128xf32, #tpu.memory_space<vmem>>) target(%dma_start3A_65 : memref<10112x128xf32, #tpu.memory_space<vmem_shared>>) offsets(%arg11 : memref<48xi32, #tpu.memory_space<vmem>>) semaphore(%arg22 : memref<!tpu.dma_semaphore, #tpu.memory_space<semaphore_mem>>) {add = true}
      %dma_wait3A_66 = arith.constant 0 : i32
      %dma_wait3A_67 = arith.constant 0 : i32
      %dma_wait3A_68 = tpu.memref_slice %arg8[%dma_wait3A_66, %dma_wait3A_67] : memref<10112x128xf32, #tpu.memory_space<vmem_shared>> -> memref<10112x128xf32, #tpu.memory_space<vmem_shared>>
      tpu.wait_indirect_dma semaphore(%arg22 : memref<!tpu.dma_semaphore, #tpu.memory_space<semaphore_mem>>) src(%arg17 : memref<48x128xf32, #tpu.memory_space<vmem>>) dst(%dma_wait3A_68 : memref<10112x128xf32, #tpu.memory_space<vmem_shared>>)
      %add3A_69 = arith.constant 2 : i32
      %add3A_70 = arith.addi %mul3A_24, %add3A_69 : i32
      %lt3A = arith.constant 210 : i32
      %lt3A_71 = arith.cmpi slt, %add3A_70, %lt3A : i32
      %convert_element_type3A_72 = arith.extui %lt3A_71 : i1 to i32
      %cond3A_73 = arith.constant 0 : i32
      %cond3A_74 = arith.cmpi ne, %convert_element_type3A_72, %cond3A_73 : i32
      scf.if %cond3A_74 {
        %add3A_100 = arith.constant 2 : i32
        %add3A_101 = arith.addi %mul3A_24, %add3A_100 : i32
        %mul3A_102 = arith.constant 48 : i32
        %mul3A_103 = arith.muli %add3A_101, %mul3A_102 : i32
        %add3A_104 = arith.addi %mul3A_0, %mul3A_103 : i32
        %convert_element_type3A_105 = arith.extui %eq3A_3 : i1 to i32
        %cond3A_106 = arith.constant 0 : i32
        %cond3A_107 = arith.cmpi ne, %convert_element_type3A_105, %cond3A_106 : i32
        scf.if %cond3A_107 {
          "tpu.region"() ({
            %run_scoped3A = tpu.sem_alloc : memref<!tpu.dma_semaphore, #tpu.memory_space<semaphore_mem>>
            %dma_start3A_122 = tpu.memref_slice %arg2[%add3A_104] : memref<161280xi32, #tpu.memory_space<hbm>> -> memref<48xi32, #tpu.memory_space<hbm>>
            %dma_start3A_123 = tpu.memref_slice %arg2[%add3A_104] : memref<161280xi32, #tpu.memory_space<hbm>> -> memref<48xi32, #tpu.memory_space<hbm>>
            tpu.enqueue_dma source(%dma_start3A_123 : memref<48xi32, #tpu.memory_space<hbm>>) target(%arg9 : memref<48xi32, #tpu.memory_space<vmem>>) target_semaphore(%run_scoped3A : memref<!tpu.dma_semaphore, #tpu.memory_space<semaphore_mem>>)
            %dma_wait3A_124 = tpu.memref_slice %arg2[%add3A_104] : memref<161280xi32, #tpu.memory_space<hbm>> -> memref<48xi32, #tpu.memory_space<hbm>>
            %dma_wait3A_125 = tpu.memref_slice %arg2[%add3A_104] : memref<161280xi32, #tpu.memory_space<hbm>> -> memref<48xi32, #tpu.memory_space<hbm>>
            tpu.wait_dma2 semaphore(%run_scoped3A : memref<!tpu.dma_semaphore, #tpu.memory_space<semaphore_mem>>) src(%dma_wait3A_125 : memref<48xi32, #tpu.memory_space<hbm>>) dst(%arg9 : memref<48xi32, #tpu.memory_space<vmem>>)
            tpu.yield
          }) : () -> ()
          %dma_start3A_120 = tpu.memref_slice %arg3[%add3A_104] : memref<161280xi32, #tpu.memory_space<hbm>> -> memref<48xi32, #tpu.memory_space<hbm>>
          %dma_start3A_121 = tpu.memref_slice %arg3[%add3A_104] : memref<161280xi32, #tpu.memory_space<hbm>> -> memref<48xi32, #tpu.memory_space<hbm>>
          tpu.enqueue_dma source(%dma_start3A_121 : memref<48xi32, #tpu.memory_space<hbm>>) target(%arg11 : memref<48xi32, #tpu.memory_space<vmem>>) target_semaphore(%arg20 : memref<!tpu.dma_semaphore, #tpu.memory_space<semaphore_mem>>)
        } else {
        }
        %not3A_108 = arith.constant true
        %not3A_109 = arith.xori %eq3A_3, %not3A_108 : i1
        %convert_element_type3A_110 = arith.extui %not3A_109 : i1 to i32
        %cond3A_111 = arith.constant 0 : i32
        %cond3A_112 = arith.cmpi ne, %convert_element_type3A_110, %cond3A_111 : i32
        scf.if %cond3A_112 {
          "tpu.region"() ({
            %run_scoped3A = tpu.sem_alloc : memref<!tpu.dma_semaphore, #tpu.memory_space<semaphore_mem>>
            %dma_start3A_122 = tpu.memref_slice %arg3[%add3A_104] : memref<161280xi32, #tpu.memory_space<hbm>> -> memref<48xi32, #tpu.memory_space<hbm>>
            %dma_start3A_123 = tpu.memref_slice %arg3[%add3A_104] : memref<161280xi32, #tpu.memory_space<hbm>> -> memref<48xi32, #tpu.memory_space<hbm>>
            tpu.enqueue_dma source(%dma_start3A_123 : memref<48xi32, #tpu.memory_space<hbm>>) target(%arg9 : memref<48xi32, #tpu.memory_space<vmem>>) target_semaphore(%run_scoped3A : memref<!tpu.dma_semaphore, #tpu.memory_space<semaphore_mem>>)
            %dma_wait3A_124 = tpu.memref_slice %arg3[%add3A_104] : memref<161280xi32, #tpu.memory_space<hbm>> -> memref<48xi32, #tpu.memory_space<hbm>>
            %dma_wait3A_125 = tpu.memref_slice %arg3[%add3A_104] : memref<161280xi32, #tpu.memory_space<hbm>> -> memref<48xi32, #tpu.memory_space<hbm>>
            tpu.wait_dma2 semaphore(%run_scoped3A : memref<!tpu.dma_semaphore, #tpu.memory_space<semaphore_mem>>) src(%dma_wait3A_125 : memref<48xi32, #tpu.memory_space<hbm>>) dst(%arg9 : memref<48xi32, #tpu.memory_space<vmem>>)
            tpu.yield
          }) : () -> ()
          %dma_start3A_120 = tpu.memref_slice %arg2[%add3A_104] : memref<161280xi32, #tpu.memory_space<hbm>> -> memref<48xi32, #tpu.memory_space<hbm>>
          %dma_start3A_121 = tpu.memref_slice %arg2[%add3A_104] : memref<161280xi32, #tpu.memory_space<hbm>> -> memref<48xi32, #tpu.memory_space<hbm>>
          tpu.enqueue_dma source(%dma_start3A_121 : memref<48xi32, #tpu.memory_space<hbm>>) target(%arg11 : memref<48xi32, #tpu.memory_space<vmem>>) target_semaphore(%arg20 : memref<!tpu.dma_semaphore, #tpu.memory_space<semaphore_mem>>)
        } else {
        }
        %dma_start3A_113 = arith.constant 0 : i32
        %dma_start3A_114 = tpu.memref_slice %arg4[%add3A_104, %dma_start3A_113] : memref<161280x16xf32, #tpu.memory_space<hbm>> -> memref<48x16xf32, #tpu.memory_space<hbm>>
        %dma_start3A_115 = arith.constant 0 : i32
        %dma_start3A_116 = tpu.memref_slice %arg4[%add3A_104, %dma_start3A_115] : memref<161280x16xf32, #tpu.memory_space<hbm>> -> memref<48x16xf32, #tpu.memory_space<hbm>>
        tpu.enqueue_dma source(%dma_start3A_116 : memref<48x16xf32, #tpu.memory_space<hbm>>) target(%arg13 : memref<48x16xf32, #tpu.memory_space<vmem>>) target_semaphore(%arg20 : memref<!tpu.dma_semaphore, #tpu.memory_space<semaphore_mem>>)
        %dma_start3A_117 = arith.constant 0 : i32
        %dma_start3A_118 = arith.constant 0 : i32
        %dma_start3A_119 = tpu.memref_slice %arg5[%dma_start3A_117, %dma_start3A_118] : memref<10112x256xf32, #tpu.memory_space<hbm>> -> memref<10112x256xf32, #tpu.memory_space<hbm>>
        tpu.enqueue_indirect_dma source(%dma_start3A_119 : memref<10112x256xf32, #tpu.memory_space<hbm>>) target(%arg15 : memref<48x256xf32, #tpu.memory_space<vmem>>) offsets(%arg9 : memref<48xi32, #tpu.memory_space<vmem>>) semaphore(%arg18 : memref<!tpu.dma_semaphore, #tpu.memory_space<semaphore_mem>>)
      } else {
      }
      %dma_wait3A_75 = arith.constant 0 : i32
      %dma_wait3A_76 = arith.constant 0 : i32
      %dma_wait3A_77 = tpu.memref_slice %arg5[%dma_wait3A_75, %dma_wait3A_76] : memref<10112x256xf32, #tpu.memory_space<hbm>> -> memref<10112x256xf32, #tpu.memory_space<hbm>>
      tpu.wait_indirect_dma semaphore(%arg19 : memref<!tpu.dma_semaphore, #tpu.memory_space<semaphore_mem>>) src(%dma_wait3A_77 : memref<10112x256xf32, #tpu.memory_space<hbm>>) dst(%arg16 : memref<48x256xf32, #tpu.memory_space<vmem>>)
      %dma_wait3A_78 = arith.constant 0 : i32
      %dma_wait3A_79 = arith.constant 0 : i32
      %dma_wait3A_80 = tpu.memref_slice %arg4[%dma_wait3A_78, %dma_wait3A_79] : memref<161280x16xf32, #tpu.memory_space<hbm>> -> memref<48x16xf32, #tpu.memory_space<hbm>>
      %dma_wait3A_81 = arith.constant 0 : i32
      %dma_wait3A_82 = arith.constant 0 : i32
      %dma_wait3A_83 = tpu.memref_slice %arg4[%dma_wait3A_81, %dma_wait3A_82] : memref<161280x16xf32, #tpu.memory_space<hbm>> -> memref<48x16xf32, #tpu.memory_space<hbm>>
      tpu.wait_dma2 semaphore(%arg21 : memref<!tpu.dma_semaphore, #tpu.memory_space<semaphore_mem>>) src(%dma_wait3A_83 : memref<48x16xf32, #tpu.memory_space<hbm>>) dst(%arg14 : memref<48x16xf32, #tpu.memory_space<vmem>>)
      %dma_wait3A_84 = arith.constant 0 : i32
      %dma_wait3A_85 = tpu.memref_slice %arg2[%dma_wait3A_84] : memref<161280xi32, #tpu.memory_space<hbm>> -> memref<48xi32, #tpu.memory_space<hbm>>
      %dma_wait3A_86 = arith.constant 0 : i32
      %dma_wait3A_87 = tpu.memref_slice %arg2[%dma_wait3A_86] : memref<161280xi32, #tpu.memory_space<hbm>> -> memref<48xi32, #tpu.memory_space<hbm>>
      tpu.wait_dma2 semaphore(%arg21 : memref<!tpu.dma_semaphore, #tpu.memory_space<semaphore_mem>>) src(%dma_wait3A_87 : memref<48xi32, #tpu.memory_space<hbm>>) dst(%arg12 : memref<48xi32, #tpu.memory_space<vmem>>)
      %scan3A_88 = arith.constant 0 : i32
      %scan3A_89 = arith.constant 0 : i32
      %scan3A_90 = arith.constant 48 : i32
      %scan3A_91 = arith.addi %scan3A_89, %scan3A_90 : i32
      %scan3A_92 = arith.constant 4 : i32
      scf.for %scan3A_100 = %scan3A_89 to %scan3A_91 step %scan3A_92  : i32 {
        %get3A = arith.index_cast %scan3A_100 : i32 to index
        %get3A_101 = arith.constant 0 : index
        %get3A_102 = tpu.vector_load %arg14[%get3A, %get3A_101] {strides = array<i32>} : memref<48x16xf32, #tpu.memory_space<vmem>>, vector<1x16xf32>,
        %get3A_103 = vector.shape_cast %get3A_102 : vector<1x16xf32> to vector<16xf32>
        %slice3A = vector.extract_strided_slice %get3A_103 {offsets = [0], sizes = [1], strides = [1]} : vector<16xf32> to vector<1xf32>
        %squeeze3A = vector.extract %slice3A[0] : f32 from vector<1xf32>
        %slice3A_104 = vector.extract_strided_slice %get3A_103 {offsets = [2], sizes = [1], strides = [1]} : vector<16xf32> to vector<1xf32>
        %squeeze3A_105 = vector.extract %slice3A_104[0] : f32 from vector<1xf32>
        %select_n3A = arith.select %eq3A_3, %squeeze3A, %squeeze3A_105 : f32
        %slice3A_106 = vector.extract_strided_slice %get3A_103 {offsets = [1], sizes = [1], strides = [1]} : vector<16xf32> to vector<1xf32>
        %squeeze3A_107 = vector.extract %slice3A_106[0] : f32 from vector<1xf32>
        %slice3A_108 = vector.extract_strided_slice %get3A_103 {offsets = [3], sizes = [1], strides = [1]} : vector<16xf32> to vector<1xf32>
        %squeeze3A_109 = vector.extract %slice3A_108[0] : f32 from vector<1xf32>
        %select_n3A_110 = arith.select %eq3A_3, %squeeze3A_107, %squeeze3A_109 : f32
        %get3A_111 = arith.index_cast %scan3A_100 : i32 to index
        %get3A_112 = arith.constant 0 : index
        %get3A_113 = tpu.vector_load %arg16[%get3A_111, %get3A_112] {strides = array<i32>} : memref<48x256xf32, #tpu.memory_space<vmem>>, vector<1x16xf32>,
        %get3A_114 = vector.shape_cast %get3A_113 : vector<1x16xf32> to vector<16xf32>
        %get3A_115 = arith.index_cast %scan3A_100 : i32 to index
        %get3A_116 = arith.constant 128 : index
        %get3A_117 = tpu.vector_load %arg16[%get3A_115, %get3A_116] {strides = array<i32>} : memref<48x256xf32, #tpu.memory_space<vmem>>, vector<1x16xf32>,
        %get3A_118 = vector.shape_cast %get3A_117 : vector<1x16xf32> to vector<16xf32>
        %mul3A_119 = vector.broadcast %select_n3A : f32 to vector<16xf32>
        %mul3A_120 = arith.mulf %mul3A_119, %get3A_114 : vector<16xf32>
        %mul3A_121 = vector.broadcast %select_n3A_110 : f32 to vector<16xf32>
        %mul3A_122 = arith.mulf %mul3A_121, %get3A_118 : vector<16xf32>
        %add3A_123 = arith.addf %mul3A_120, %mul3A_122 : vector<16xf32>
        %swap3A = arith.index_cast %scan3A_100 : i32 to index
        %swap3A_124 = arith.constant 0 : index
        %swap3A_125 = tpu.vector_load %arg17[%swap3A, %swap3A_124] {strides = array<i32>} : memref<48x128xf32, #tpu.memory_space<vmem>>, vector<1x16xf32>,
        %swap3A_126 = vector.shape_cast %swap3A_125 : vector<1x16xf32> to vector<16xf32>
        %swap3A_127 = vector.shape_cast %add3A_123 : vector<16xf32> to vector<1x16xf32>
        tpu.vector_store %arg17[%swap3A, %swap3A_124], %swap3A_127 {strides = array<i32>} : memref<48x128xf32, #tpu.memory_space<vmem>>, vector<1x16xf32>,
        %get3A_128 = arith.index_cast %scan3A_100 : i32 to index
        %get3A_129 = arith.constant 16 : index
        %get3A_130 = tpu.vector_load %arg16[%get3A_128, %get3A_129] {strides = array<i32>} : memref<48x256xf32, #tpu.memory_space<vmem>>, vector<1x16xf32>,
        %get3A_131 = vector.shape_cast %get3A_130 : vector<1x16xf32> to vector<16xf32>
        %get3A_132 = arith.index_cast %scan3A_100 : i32 to index
        %get3A_133 = arith.constant 144 : index
        %get3A_134 = tpu.vector_load %arg16[%get3A_132, %get3A_133] {strides = array<i32>} : memref<48x256xf32, #tpu.memory_space<vmem>>, vector<1x16xf32>,
        %get3A_135 = vector.shape_cast %get3A_134 : vector<1x16xf32> to vector<16xf32>
        %mul3A_136 = vector.broadcast %select_n3A : f32 to vector<16xf32>
        %mul3A_137 = arith.mulf %mul3A_136, %get3A_131 : vector<16xf32>
        %mul3A_138 = vector.broadcast %select_n3A_110 : f32 to vector<16xf32>
        %mul3A_139 = arith.mulf %mul3A_138, %get3A_135 : vector<16xf32>
        %add3A_140 = arith.addf %mul3A_137, %mul3A_139 : vector<16xf32>
        %swap3A_141 = arith.index_cast %scan3A_100 : i32 to index
        %swap3A_142 = arith.constant 16 : index
        %swap3A_143 = tpu.vector_load %arg17[%swap3A_141, %swap3A_142] {strides = array<i32>} : memref<48x128xf32, #tpu.memory_space<vmem>>, vector<1x16xf32>,
        %swap3A_144 = vector.shape_cast %swap3A_143 : vector<1x16xf32> to vector<16xf32>
        %swap3A_145 = vector.shape_cast %add3A_140 : vector<16xf32> to vector<1x16xf32>
        tpu.vector_store %arg17[%swap3A_141, %swap3A_142], %swap3A_145 {strides = array<i32>} : memref<48x128xf32, #tpu.memory_space<vmem>>, vector<1x16xf32>,
        %get3A_146 = arith.index_cast %scan3A_100 : i32 to index
        %get3A_147 = arith.constant 32 : index
        %get3A_148 = tpu.vector_load %arg16[%get3A_146, %get3A_147] {strides = array<i32>} : memref<48x256xf32, #tpu.memory_space<vmem>>, vector<1x16xf32>,
        %get3A_149 = vector.shape_cast %get3A_148 : vector<1x16xf32> to vector<16xf32>
        %get3A_150 = arith.index_cast %scan3A_100 : i32 to index
        %get3A_151 = arith.constant 160 : index
        %get3A_152 = tpu.vector_load %arg16[%get3A_150, %get3A_151] {strides = array<i32>} : memref<48x256xf32, #tpu.memory_space<vmem>>, vector<1x16xf32>,
        %get3A_153 = vector.shape_cast %get3A_152 : vector<1x16xf32> to vector<16xf32>
        %mul3A_154 = vector.broadcast %select_n3A : f32 to vector<16xf32>
        %mul3A_155 = arith.mulf %mul3A_154, %get3A_149 : vector<16xf32>
        %mul3A_156 = vector.broadcast %select_n3A_110 : f32 to vector<16xf32>
        %mul3A_157 = arith.mulf %mul3A_156, %get3A_153 : vector<16xf32>
        %add3A_158 = arith.addf %mul3A_155, %mul3A_157 : vector<16xf32>
        %swap3A_159 = arith.index_cast %scan3A_100 : i32 to index
        %swap3A_160 = arith.constant 32 : index
        %swap3A_161 = tpu.vector_load %arg17[%swap3A_159, %swap3A_160] {strides = array<i32>} : memref<48x128xf32, #tpu.memory_space<vmem>>, vector<1x16xf32>,
        %swap3A_162 = vector.shape_cast %swap3A_161 : vector<1x16xf32> to vector<16xf32>
        %swap3A_163 = vector.shape_cast %add3A_158 : vector<16xf32> to vector<1x16xf32>
        tpu.vector_store %arg17[%swap3A_159, %swap3A_160], %swap3A_163 {strides = array<i32>} : memref<48x128xf32, #tpu.memory_space<vmem>>, vector<1x16xf32>,
        %get3A_164 = arith.index_cast %scan3A_100 : i32 to index
        %get3A_165 = arith.constant 48 : index
        %get3A_166 = tpu.vector_load %arg16[%get3A_164, %get3A_165] {strides = array<i32>} : memref<48x256xf32, #tpu.memory_space<vmem>>, vector<1x16xf32>,
        %get3A_167 = vector.shape_cast %get3A_166 : vector<1x16xf32> to vector<16xf32>
        %get3A_168 = arith.index_cast %scan3A_100 : i32 to index
        %get3A_169 = arith.constant 176 : index
        %get3A_170 = tpu.vector_load %arg16[%get3A_168, %get3A_169] {strides = array<i32>} : memref<48x256xf32, #tpu.memory_space<vmem>>, vector<1x16xf32>,
        %get3A_171 = vector.shape_cast %get3A_170 : vector<1x16xf32> to vector<16xf32>
        %mul3A_172 = vector.broadcast %select_n3A : f32 to vector<16xf32>
        %mul3A_173 = arith.mulf %mul3A_172, %get3A_167 : vector<16xf32>
        %mul3A_174 = vector.broadcast %select_n3A_110 : f32 to vector<16xf32>
        %mul3A_175 = arith.mulf %mul3A_174, %get3A_171 : vector<16xf32>
        %add3A_176 = arith.addf %mul3A_173, %mul3A_175 : vector<16xf32>
        %swap3A_177 = arith.index_cast %scan3A_100 : i32 to index
        %swap3A_178 = arith.constant 48 : index
        %swap3A_179 = tpu.vector_load %arg17[%swap3A_177, %swap3A_178] {strides = array<i32>} : memref<48x128xf32, #tpu.memory_space<vmem>>, vector<1x16xf32>,
        %swap3A_180 = vector.shape_cast %swap3A_179 : vector<1x16xf32> to vector<16xf32>
        %swap3A_181 = vector.shape_cast %add3A_176 : vector<16xf32> to vector<1x16xf32>
        tpu.vector_store %arg17[%swap3A_177, %swap3A_178], %swap3A_181 {strides = array<i32>} : memref<48x128xf32, #tpu.memory_space<vmem>>, vector<1x16xf32>,
        %get3A_182 = arith.index_cast %scan3A_100 : i32 to index
        %get3A_183 = arith.constant 64 : index
        %get3A_184 = tpu.vector_load %arg16[%get3A_182, %get3A_183] {strides = array<i32>} : memref<48x256xf32, #tpu.memory_space<vmem>>, vector<1x16xf32>,
        %get3A_185 = vector.shape_cast %get3A_184 : vector<1x16xf32> to vector<16xf32>
        %get3A_186 = arith.index_cast %scan3A_100 : i32 to index
        %get3A_187 = arith.constant 192 : index
        %get3A_188 = tpu.vector_load %arg16[%get3A_186, %get3A_187] {strides = array<i32>} : memref<48x256xf32, #tpu.memory_space<vmem>>, vector<1x16xf32>,
        %get3A_189 = vector.shape_cast %get3A_188 : vector<1x16xf32> to vector<16xf32>
        %mul3A_190 = vector.broadcast %select_n3A : f32 to vector<16xf32>
        %mul3A_191 = arith.mulf %mul3A_190, %get3A_185 : vector<16xf32>
        %mul3A_192 = vector.broadcast %select_n3A_110 : f32 to vector<16xf32>
        %mul3A_193 = arith.mulf %mul3A_192, %get3A_189 : vector<16xf32>
        %add3A_194 = arith.addf %mul3A_191, %mul3A_193 : vector<16xf32>
        %swap3A_195 = arith.index_cast %scan3A_100 : i32 to index
        %swap3A_196 = arith.constant 64 : index
        %swap3A_197 = tpu.vector_load %arg17[%swap3A_195, %swap3A_196] {strides = array<i32>} : memref<48x128xf32, #tpu.memory_space<vmem>>, vector<1x16xf32>,
        %swap3A_198 = vector.shape_cast %swap3A_197 : vector<1x16xf32> to vector<16xf32>
        %swap3A_199 = vector.shape_cast %add3A_194 : vector<16xf32> to vector<1x16xf32>
        tpu.vector_store %arg17[%swap3A_195, %swap3A_196], %swap3A_199 {strides = array<i32>} : memref<48x128xf32, #tpu.memory_space<vmem>>, vector<1x16xf32>,
        %get3A_200 = arith.index_cast %scan3A_100 : i32 to index
        %get3A_201 = arith.constant 80 : index
        %get3A_202 = tpu.vector_load %arg16[%get3A_200, %get3A_201] {strides = array<i32>} : memref<48x256xf32, #tpu.memory_space<vmem>>, vector<1x16xf32>,
        %get3A_203 = vector.shape_cast %get3A_202 : vector<1x16xf32> to vector<16xf32>
        %get3A_204 = arith.index_cast %scan3A_100 : i32 to index
        %get3A_205 = arith.constant 208 : index
        %get3A_206 = tpu.vector_load %arg16[%get3A_204, %get3A_205] {strides = array<i32>} : memref<48x256xf32, #tpu.memory_space<vmem>>, vector<1x16xf32>,
        %get3A_207 = vector.shape_cast %get3A_206 : vector<1x16xf32> to vector<16xf32>
        %mul3A_208 = vector.broadcast %select_n3A : f32 to vector<16xf32>
        %mul3A_209 = arith.mulf %mul3A_208, %get3A_203 : vector<16xf32>
        %mul3A_210 = vector.broadcast %select_n3A_110 : f32 to vector<16xf32>
        %mul3A_211 = arith.mulf %mul3A_210, %get3A_207 : vector<16xf32>
        %add3A_212 = arith.addf %mul3A_209, %mul3A_211 : vector<16xf32>
        %swap3A_213 = arith.index_cast %scan3A_100 : i32 to index
        %swap3A_214 = arith.constant 80 : index
        %swap3A_215 = tpu.vector_load %arg17[%swap3A_213, %swap3A_214] {strides = array<i32>} : memref<48x128xf32, #tpu.memory_space<vmem>>, vector<1x16xf32>,
        %swap3A_216 = vector.shape_cast %swap3A_215 : vector<1x16xf32> to vector<16xf32>
        %swap3A_217 = vector.shape_cast %add3A_212 : vector<16xf32> to vector<1x16xf32>
        tpu.vector_store %arg17[%swap3A_213, %swap3A_214], %swap3A_217 {strides = array<i32>} : memref<48x128xf32, #tpu.memory_space<vmem>>, vector<1x16xf32>,
        %get3A_218 = arith.index_cast %scan3A_100 : i32 to index
        %get3A_219 = arith.constant 96 : index
        %get3A_220 = tpu.vector_load %arg16[%get3A_218, %get3A_219] {strides = array<i32>} : memref<48x256xf32, #tpu.memory_space<vmem>>, vector<1x16xf32>,
        %get3A_221 = vector.shape_cast %get3A_220 : vector<1x16xf32> to vector<16xf32>
        %get3A_222 = arith.index_cast %scan3A_100 : i32 to index
        %get3A_223 = arith.constant 224 : index
        %get3A_224 = tpu.vector_load %arg16[%get3A_222, %get3A_223] {strides = array<i32>} : memref<48x256xf32, #tpu.memory_space<vmem>>, vector<1x16xf32>,
        %get3A_225 = vector.shape_cast %get3A_224 : vector<1x16xf32> to vector<16xf32>
        %mul3A_226 = vector.broadcast %select_n3A : f32 to vector<16xf32>
        %mul3A_227 = arith.mulf %mul3A_226, %get3A_221 : vector<16xf32>
        %mul3A_228 = vector.broadcast %select_n3A_110 : f32 to vector<16xf32>
        %mul3A_229 = arith.mulf %mul3A_228, %get3A_225 : vector<16xf32>
        %add3A_230 = arith.addf %mul3A_227, %mul3A_229 : vector<16xf32>
        %swap3A_231 = arith.index_cast %scan3A_100 : i32 to index
        %swap3A_232 = arith.constant 96 : index
        %swap3A_233 = tpu.vector_load %arg17[%swap3A_231, %swap3A_232] {strides = array<i32>} : memref<48x128xf32, #tpu.memory_space<vmem>>, vector<1x16xf32>,
        %swap3A_234 = vector.shape_cast %swap3A_233 : vector<1x16xf32> to vector<16xf32>
        %swap3A_235 = vector.shape_cast %add3A_230 : vector<16xf32> to vector<1x16xf32>
        tpu.vector_store %arg17[%swap3A_231, %swap3A_232], %swap3A_235 {strides = array<i32>} : memref<48x128xf32, #tpu.memory_space<vmem>>, vector<1x16xf32>,
        %get3A_236 = arith.index_cast %scan3A_100 : i32 to index
        %get3A_237 = arith.constant 112 : index
        %get3A_238 = tpu.vector_load %arg16[%get3A_236, %get3A_237] {strides = array<i32>} : memref<48x256xf32, #tpu.memory_space<vmem>>, vector<1x16xf32>,
        %get3A_239 = vector.shape_cast %get3A_238 : vector<1x16xf32> to vector<16xf32>
        %get3A_240 = arith.index_cast %scan3A_100 : i32 to index
        %get3A_241 = arith.constant 240 : index
        %get3A_242 = tpu.vector_load %arg16[%get3A_240, %get3A_241] {strides = array<i32>} : memref<48x256xf32, #tpu.memory_space<vmem>>, vector<1x16xf32>,
        %get3A_243 = vector.shape_cast %get3A_242 : vector<1x16xf32> to vector<16xf32>
        %mul3A_244 = vector.broadcast %select_n3A : f32 to vector<16xf32>
        %mul3A_245 = arith.mulf %mul3A_244, %get3A_239 : vector<16xf32>
        %mul3A_246 = vector.broadcast %select_n3A_110 : f32 to vector<16xf32>
        %mul3A_247 = arith.mulf %mul3A_246, %get3A_243 : vector<16xf32>
        %add3A_248 = arith.addf %mul3A_245, %mul3A_247 : vector<16xf32>
        %swap3A_249 = arith.index_cast %scan3A_100 : i32 to index
        %swap3A_250 = arith.constant 112 : index
        %swap3A_251 = tpu.vector_load %arg17[%swap3A_249, %swap3A_250] {strides = array<i32>} : memref<48x128xf32, #tpu.memory_space<vmem>>, vector<1x16xf32>,
        %swap3A_252 = vector.shape_cast %swap3A_251 : vector<1x16xf32> to vector<16xf32>
        %swap3A_253 = vector.shape_cast %add3A_248 : vector<16xf32> to vector<1x16xf32>
        tpu.vector_store %arg17[%swap3A_249, %swap3A_250], %swap3A_253 {strides = array<i32>} : memref<48x128xf32, #tpu.memory_space<vmem>>, vector<1x16xf32>,
        %scan3A_254 = arith.constant 1 : i32
        %scan3A_255 = arith.addi %scan3A_100, %scan3A_254 : i32
        %get3A_256 = arith.index_cast %scan3A_255 : i32 to index
        %get3A_257 = arith.constant 0 : index
        %get3A_258 = tpu.vector_load %arg14[%get3A_256, %get3A_257] {strides = array<i32>} : memref<48x16xf32, #tpu.memory_space<vmem>>, vector<1x16xf32>,
        %get3A_259 = vector.shape_cast %get3A_258 : vector<1x16xf32> to vector<16xf32>
        %slice3A_260 = vector.extract_strided_slice %get3A_259 {offsets = [0], sizes = [1], strides = [1]} : vector<16xf32> to vector<1xf32>
        %squeeze3A_261 = vector.extract %slice3A_260[0] : f32 from vector<1xf32>
        %slice3A_262 = vector.extract_strided_slice %get3A_259 {offsets = [2], sizes = [1], strides = [1]} : vector<16xf32> to vector<1xf32>
        %squeeze3A_263 = vector.extract %slice3A_262[0] : f32 from vector<1xf32>
        %select_n3A_264 = arith.select %eq3A_3, %squeeze3A_261, %squeeze3A_263 : f32
        %slice3A_265 = vector.extract_strided_slice %get3A_259 {offsets = [1], sizes = [1], strides = [1]} : vector<16xf32> to vector<1xf32>
        %squeeze3A_266 = vector.extract %slice3A_265[0] : f32 from vector<1xf32>
        %slice3A_267 = vector.extract_strided_slice %get3A_259 {offsets = [3], sizes = [1], strides = [1]} : vector<16xf32> to vector<1xf32>
        %squeeze3A_268 = vector.extract %slice3A_267[0] : f32 from vector<1xf32>
        %select_n3A_269 = arith.select %eq3A_3, %squeeze3A_266, %squeeze3A_268 : f32
        %get3A_270 = arith.index_cast %scan3A_255 : i32 to index
        %get3A_271 = arith.constant 0 : index
        %get3A_272 = tpu.vector_load %arg16[%get3A_270, %get3A_271] {strides = array<i32>} : memref<48x256xf32, #tpu.memory_space<vmem>>, vector<1x16xf32>,
        %get3A_273 = vector.shape_cast %get3A_272 : vector<1x16xf32> to vector<16xf32>
        %get3A_274 = arith.index_cast %scan3A_255 : i32 to index
        %get3A_275 = arith.constant 128 : index
        %get3A_276 = tpu.vector_load %arg16[%get3A_274, %get3A_275] {strides = array<i32>} : memref<48x256xf32, #tpu.memory_space<vmem>>, vector<1x16xf32>,
        %get3A_277 = vector.shape_cast %get3A_276 : vector<1x16xf32> to vector<16xf32>
        %mul3A_278 = vector.broadcast %select_n3A_264 : f32 to vector<16xf32>
        %mul3A_279 = arith.mulf %mul3A_278, %get3A_273 : vector<16xf32>
        %mul3A_280 = vector.broadcast %select_n3A_269 : f32 to vector<16xf32>
        %mul3A_281 = arith.mulf %mul3A_280, %get3A_277 : vector<16xf32>
        %add3A_282 = arith.addf %mul3A_279, %mul3A_281 : vector<16xf32>
        %swap3A_283 = arith.index_cast %scan3A_255 : i32 to index
        %swap3A_284 = arith.constant 0 : index
        %swap3A_285 = tpu.vector_load %arg17[%swap3A_283, %swap3A_284] {strides = array<i32>} : memref<48x128xf32, #tpu.memory_space<vmem>>, vector<1x16xf32>,
        %swap3A_286 = vector.shape_cast %swap3A_285 : vector<1x16xf32> to vector<16xf32>
        %swap3A_287 = vector.shape_cast %add3A_282 : vector<16xf32> to vector<1x16xf32>
        tpu.vector_store %arg17[%swap3A_283, %swap3A_284], %swap3A_287 {strides = array<i32>} : memref<48x128xf32, #tpu.memory_space<vmem>>, vector<1x16xf32>,
        %get3A_288 = arith.index_cast %scan3A_255 : i32 to index
        %get3A_289 = arith.constant 16 : index
        %get3A_290 = tpu.vector_load %arg16[%get3A_288, %get3A_289] {strides = array<i32>} : memref<48x256xf32, #tpu.memory_space<vmem>>, vector<1x16xf32>,
        %get3A_291 = vector.shape_cast %get3A_290 : vector<1x16xf32> to vector<16xf32>
        %get3A_292 = arith.index_cast %scan3A_255 : i32 to index
        %get3A_293 = arith.constant 144 : index
        %get3A_294 = tpu.vector_load %arg16[%get3A_292, %get3A_293] {strides = array<i32>} : memref<48x256xf32, #tpu.memory_space<vmem>>, vector<1x16xf32>,
        %get3A_295 = vector.shape_cast %get3A_294 : vector<1x16xf32> to vector<16xf32>
        %mul3A_296 = vector.broadcast %select_n3A_264 : f32 to vector<16xf32>
        %mul3A_297 = arith.mulf %mul3A_296, %get3A_291 : vector<16xf32>
        %mul3A_298 = vector.broadcast %select_n3A_269 : f32 to vector<16xf32>
        %mul3A_299 = arith.mulf %mul3A_298, %get3A_295 : vector<16xf32>
        %add3A_300 = arith.addf %mul3A_297, %mul3A_299 : vector<16xf32>
        %swap3A_301 = arith.index_cast %scan3A_255 : i32 to index
        %swap3A_302 = arith.constant 16 : index
        %swap3A_303 = tpu.vector_load %arg17[%swap3A_301, %swap3A_302] {strides = array<i32>} : memref<48x128xf32, #tpu.memory_space<vmem>>, vector<1x16xf32>,
        %swap3A_304 = vector.shape_cast %swap3A_303 : vector<1x16xf32> to vector<16xf32>
        %swap3A_305 = vector.shape_cast %add3A_300 : vector<16xf32> to vector<1x16xf32>
        tpu.vector_store %arg17[%swap3A_301, %swap3A_302], %swap3A_305 {strides = array<i32>} : memref<48x128xf32, #tpu.memory_space<vmem>>, vector<1x16xf32>,
        %get3A_306 = arith.index_cast %scan3A_255 : i32 to index
        %get3A_307 = arith.constant 32 : index
        %get3A_308 = tpu.vector_load %arg16[%get3A_306, %get3A_307] {strides = array<i32>} : memref<48x256xf32, #tpu.memory_space<vmem>>, vector<1x16xf32>,
        %get3A_309 = vector.shape_cast %get3A_308 : vector<1x16xf32> to vector<16xf32>
        %get3A_310 = arith.index_cast %scan3A_255 : i32 to index
        %get3A_311 = arith.constant 160 : index
        %get3A_312 = tpu.vector_load %arg16[%get3A_310, %get3A_311] {strides = array<i32>} : memref<48x256xf32, #tpu.memory_space<vmem>>, vector<1x16xf32>,
        %get3A_313 = vector.shape_cast %get3A_312 : vector<1x16xf32> to vector<16xf32>
        %mul3A_314 = vector.broadcast %select_n3A_264 : f32 to vector<16xf32>
        %mul3A_315 = arith.mulf %mul3A_314, %get3A_309 : vector<16xf32>
        %mul3A_316 = vector.broadcast %select_n3A_269 : f32 to vector<16xf32>
        %mul3A_317 = arith.mulf %mul3A_316, %get3A_313 : vector<16xf32>
        %add3A_318 = arith.addf %mul3A_315, %mul3A_317 : vector<16xf32>
        %swap3A_319 = arith.index_cast %scan3A_255 : i32 to index
        %swap3A_320 = arith.constant 32 : index
        %swap3A_321 = tpu.vector_load %arg17[%swap3A_319, %swap3A_320] {strides = array<i32>} : memref<48x128xf32, #tpu.memory_space<vmem>>, vector<1x16xf32>,
        %swap3A_322 = vector.shape_cast %swap3A_321 : vector<1x16xf32> to vector<16xf32>
        %swap3A_323 = vector.shape_cast %add3A_318 : vector<16xf32> to vector<1x16xf32>
        tpu.vector_store %arg17[%swap3A_319, %swap3A_320], %swap3A_323 {strides = array<i32>} : memref<48x128xf32, #tpu.memory_space<vmem>>, vector<1x16xf32>,
        %get3A_324 = arith.index_cast %scan3A_255 : i32 to index
        %get3A_325 = arith.constant 48 : index
        %get3A_326 = tpu.vector_load %arg16[%get3A_324, %get3A_325] {strides = array<i32>} : memref<48x256xf32, #tpu.memory_space<vmem>>, vector<1x16xf32>,
        %get3A_327 = vector.shape_cast %get3A_326 : vector<1x16xf32> to vector<16xf32>
        %get3A_328 = arith.index_cast %scan3A_255 : i32 to index
        %get3A_329 = arith.constant 176 : index
        %get3A_330 = tpu.vector_load %arg16[%get3A_328, %get3A_329] {strides = array<i32>} : memref<48x256xf32, #tpu.memory_space<vmem>>, vector<1x16xf32>,
        %get3A_331 = vector.shape_cast %get3A_330 : vector<1x16xf32> to vector<16xf32>
        %mul3A_332 = vector.broadcast %select_n3A_264 : f32 to vector<16xf32>
        %mul3A_333 = arith.mulf %mul3A_332, %get3A_327 : vector<16xf32>
        %mul3A_334 = vector.broadcast %select_n3A_269 : f32 to vector<16xf32>
        %mul3A_335 = arith.mulf %mul3A_334, %get3A_331 : vector<16xf32>
        %add3A_336 = arith.addf %mul3A_333, %mul3A_335 : vector<16xf32>
        %swap3A_337 = arith.index_cast %scan3A_255 : i32 to index
        %swap3A_338 = arith.constant 48 : index
        %swap3A_339 = tpu.vector_load %arg17[%swap3A_337, %swap3A_338] {strides = array<i32>} : memref<48x128xf32, #tpu.memory_space<vmem>>, vector<1x16xf32>,
        %swap3A_340 = vector.shape_cast %swap3A_339 : vector<1x16xf32> to vector<16xf32>
        %swap3A_341 = vector.shape_cast %add3A_336 : vector<16xf32> to vector<1x16xf32>
        tpu.vector_store %arg17[%swap3A_337, %swap3A_338], %swap3A_341 {strides = array<i32>} : memref<48x128xf32, #tpu.memory_space<vmem>>, vector<1x16xf32>,
        %get3A_342 = arith.index_cast %scan3A_255 : i32 to index
        %get3A_343 = arith.constant 64 : index
        %get3A_344 = tpu.vector_load %arg16[%get3A_342, %get3A_343] {strides = array<i32>} : memref<48x256xf32, #tpu.memory_space<vmem>>, vector<1x16xf32>,
        %get3A_345 = vector.shape_cast %get3A_344 : vector<1x16xf32> to vector<16xf32>
        %get3A_346 = arith.index_cast %scan3A_255 : i32 to index
        %get3A_347 = arith.constant 192 : index
        %get3A_348 = tpu.vector_load %arg16[%get3A_346, %get3A_347] {strides = array<i32>} : memref<48x256xf32, #tpu.memory_space<vmem>>, vector<1x16xf32>,
        %get3A_349 = vector.shape_cast %get3A_348 : vector<1x16xf32> to vector<16xf32>
        %mul3A_350 = vector.broadcast %select_n3A_264 : f32 to vector<16xf32>
        %mul3A_351 = arith.mulf %mul3A_350, %get3A_345 : vector<16xf32>
        %mul3A_352 = vector.broadcast %select_n3A_269 : f32 to vector<16xf32>
        %mul3A_353 = arith.mulf %mul3A_352, %get3A_349 : vector<16xf32>
        %add3A_354 = arith.addf %mul3A_351, %mul3A_353 : vector<16xf32>
        %swap3A_355 = arith.index_cast %scan3A_255 : i32 to index
        %swap3A_356 = arith.constant 64 : index
        %swap3A_357 = tpu.vector_load %arg17[%swap3A_355, %swap3A_356] {strides = array<i32>} : memref<48x128xf32, #tpu.memory_space<vmem>>, vector<1x16xf32>,
        %swap3A_358 = vector.shape_cast %swap3A_357 : vector<1x16xf32> to vector<16xf32>
        %swap3A_359 = vector.shape_cast %add3A_354 : vector<16xf32> to vector<1x16xf32>
        tpu.vector_store %arg17[%swap3A_355, %swap3A_356], %swap3A_359 {strides = array<i32>} : memref<48x128xf32, #tpu.memory_space<vmem>>, vector<1x16xf32>,
        %get3A_360 = arith.index_cast %scan3A_255 : i32 to index
        %get3A_361 = arith.constant 80 : index
        %get3A_362 = tpu.vector_load %arg16[%get3A_360, %get3A_361] {strides = array<i32>} : memref<48x256xf32, #tpu.memory_space<vmem>>, vector<1x16xf32>,
        %get3A_363 = vector.shape_cast %get3A_362 : vector<1x16xf32> to vector<16xf32>
        %get3A_364 = arith.index_cast %scan3A_255 : i32 to index
        %get3A_365 = arith.constant 208 : index
        %get3A_366 = tpu.vector_load %arg16[%get3A_364, %get3A_365] {strides = array<i32>} : memref<48x256xf32, #tpu.memory_space<vmem>>, vector<1x16xf32>,
        %get3A_367 = vector.shape_cast %get3A_366 : vector<1x16xf32> to vector<16xf32>
        %mul3A_368 = vector.broadcast %select_n3A_264 : f32 to vector<16xf32>
        %mul3A_369 = arith.mulf %mul3A_368, %get3A_363 : vector<16xf32>
        %mul3A_370 = vector.broadcast %select_n3A_269 : f32 to vector<16xf32>
        %mul3A_371 = arith.mulf %mul3A_370, %get3A_367 : vector<16xf32>
        %add3A_372 = arith.addf %mul3A_369, %mul3A_371 : vector<16xf32>
        %swap3A_373 = arith.index_cast %scan3A_255 : i32 to index
        %swap3A_374 = arith.constant 80 : index
        %swap3A_375 = tpu.vector_load %arg17[%swap3A_373, %swap3A_374] {strides = array<i32>} : memref<48x128xf32, #tpu.memory_space<vmem>>, vector<1x16xf32>,
        %swap3A_376 = vector.shape_cast %swap3A_375 : vector<1x16xf32> to vector<16xf32>
        %swap3A_377 = vector.shape_cast %add3A_372 : vector<16xf32> to vector<1x16xf32>
        tpu.vector_store %arg17[%swap3A_373, %swap3A_374], %swap3A_377 {strides = array<i32>} : memref<48x128xf32, #tpu.memory_space<vmem>>, vector<1x16xf32>,
        %get3A_378 = arith.index_cast %scan3A_255 : i32 to index
        %get3A_379 = arith.constant 96 : index
        %get3A_380 = tpu.vector_load %arg16[%get3A_378, %get3A_379] {strides = array<i32>} : memref<48x256xf32, #tpu.memory_space<vmem>>, vector<1x16xf32>,
        %get3A_381 = vector.shape_cast %get3A_380 : vector<1x16xf32> to vector<16xf32>
        %get3A_382 = arith.index_cast %scan3A_255 : i32 to index
        %get3A_383 = arith.constant 224 : index
        %get3A_384 = tpu.vector_load %arg16[%get3A_382, %get3A_383] {strides = array<i32>} : memref<48x256xf32, #tpu.memory_space<vmem>>, vector<1x16xf32>,
        %get3A_385 = vector.shape_cast %get3A_384 : vector<1x16xf32> to vector<16xf32>
        %mul3A_386 = vector.broadcast %select_n3A_264 : f32 to vector<16xf32>
        %mul3A_387 = arith.mulf %mul3A_386, %get3A_381 : vector<16xf32>
        %mul3A_388 = vector.broadcast %select_n3A_269 : f32 to vector<16xf32>
        %mul3A_389 = arith.mulf %mul3A_388, %get3A_385 : vector<16xf32>
        %add3A_390 = arith.addf %mul3A_387, %mul3A_389 : vector<16xf32>
        %swap3A_391 = arith.index_cast %scan3A_255 : i32 to index
        %swap3A_392 = arith.constant 96 : index
        %swap3A_393 = tpu.vector_load %arg17[%swap3A_391, %swap3A_392] {strides = array<i32>} : memref<48x128xf32, #tpu.memory_space<vmem>>, vector<1x16xf32>,
        %swap3A_394 = vector.shape_cast %swap3A_393 : vector<1x16xf32> to vector<16xf32>
        %swap3A_395 = vector.shape_cast %add3A_390 : vector<16xf32> to vector<1x16xf32>
        tpu.vector_store %arg17[%swap3A_391, %swap3A_392], %swap3A_395 {strides = array<i32>} : memref<48x128xf32, #tpu.memory_space<vmem>>, vector<1x16xf32>,
        %get3A_396 = arith.index_cast %scan3A_255 : i32 to index
        %get3A_397 = arith.constant 112 : index
        %get3A_398 = tpu.vector_load %arg16[%get3A_396, %get3A_397] {strides = array<i32>} : memref<48x256xf32, #tpu.memory_space<vmem>>, vector<1x16xf32>,
        %get3A_399 = vector.shape_cast %get3A_398 : vector<1x16xf32> to vector<16xf32>
        %get3A_400 = arith.index_cast %scan3A_255 : i32 to index
        %get3A_401 = arith.constant 240 : index
        %get3A_402 = tpu.vector_load %arg16[%get3A_400, %get3A_401] {strides = array<i32>} : memref<48x256xf32, #tpu.memory_space<vmem>>, vector<1x16xf32>,
        %get3A_403 = vector.shape_cast %get3A_402 : vector<1x16xf32> to vector<16xf32>
        %mul3A_404 = vector.broadcast %select_n3A_264 : f32 to vector<16xf32>
        %mul3A_405 = arith.mulf %mul3A_404, %get3A_399 : vector<16xf32>
        %mul3A_406 = vector.broadcast %select_n3A_269 : f32 to vector<16xf32>
        %mul3A_407 = arith.mulf %mul3A_406, %get3A_403 : vector<16xf32>
        %add3A_408 = arith.addf %mul3A_405, %mul3A_407 : vector<16xf32>
        %swap3A_409 = arith.index_cast %scan3A_255 : i32 to index
        %swap3A_410 = arith.constant 112 : index
        %swap3A_411 = tpu.vector_load %arg17[%swap3A_409, %swap3A_410] {strides = array<i32>} : memref<48x128xf32, #tpu.memory_space<vmem>>, vector<1x16xf32>,
        %swap3A_412 = vector.shape_cast %swap3A_411 : vector<1x16xf32> to vector<16xf32>
        %swap3A_413 = vector.shape_cast %add3A_408 : vector<16xf32> to vector<1x16xf32>
        tpu.vector_store %arg17[%swap3A_409, %swap3A_410], %swap3A_413 {strides = array<i32>} : memref<48x128xf32, #tpu.memory_space<vmem>>, vector<1x16xf32>,
        %scan3A_414 = arith.constant 2 : i32
        %scan3A_415 = arith.addi %scan3A_100, %scan3A_414 : i32
        %get3A_416 = arith.index_cast %scan3A_415 : i32 to index
        %get3A_417 = arith.constant 0 : index
        %get3A_418 = tpu.vector_load %arg14[%get3A_416, %get3A_417] {strides = array<i32>} : memref<48x16xf32, #tpu.memory_space<vmem>>, vector<1x16xf32>,
        %get3A_419 = vector.shape_cast %get3A_418 : vector<1x16xf32> to vector<16xf32>
        %slice3A_420 = vector.extract_strided_slice %get3A_419 {offsets = [0], sizes = [1], strides = [1]} : vector<16xf32> to vector<1xf32>
        %squeeze3A_421 = vector.extract %slice3A_420[0] : f32 from vector<1xf32>
        %slice3A_422 = vector.extract_strided_slice %get3A_419 {offsets = [2], sizes = [1], strides = [1]} : vector<16xf32> to vector<1xf32>
        %squeeze3A_423 = vector.extract %slice3A_422[0] : f32 from vector<1xf32>
        %select_n3A_424 = arith.select %eq3A_3, %squeeze3A_421, %squeeze3A_423 : f32
        %slice3A_425 = vector.extract_strided_slice %get3A_419 {offsets = [1], sizes = [1], strides = [1]} : vector<16xf32> to vector<1xf32>
        %squeeze3A_426 = vector.extract %slice3A_425[0] : f32 from vector<1xf32>
        %slice3A_427 = vector.extract_strided_slice %get3A_419 {offsets = [3], sizes = [1], strides = [1]} : vector<16xf32> to vector<1xf32>
        %squeeze3A_428 = vector.extract %slice3A_427[0] : f32 from vector<1xf32>
        %select_n3A_429 = arith.select %eq3A_3, %squeeze3A_426, %squeeze3A_428 : f32
        %get3A_430 = arith.index_cast %scan3A_415 : i32 to index
        %get3A_431 = arith.constant 0 : index
        %get3A_432 = tpu.vector_load %arg16[%get3A_430, %get3A_431] {strides = array<i32>} : memref<48x256xf32, #tpu.memory_space<vmem>>, vector<1x16xf32>,
        %get3A_433 = vector.shape_cast %get3A_432 : vector<1x16xf32> to vector<16xf32>
        %get3A_434 = arith.index_cast %scan3A_415 : i32 to index
        %get3A_435 = arith.constant 128 : index
        %get3A_436 = tpu.vector_load %arg16[%get3A_434, %get3A_435] {strides = array<i32>} : memref<48x256xf32, #tpu.memory_space<vmem>>, vector<1x16xf32>,
        %get3A_437 = vector.shape_cast %get3A_436 : vector<1x16xf32> to vector<16xf32>
        %mul3A_438 = vector.broadcast %select_n3A_424 : f32 to vector<16xf32>
        %mul3A_439 = arith.mulf %mul3A_438, %get3A_433 : vector<16xf32>
        %mul3A_440 = vector.broadcast %select_n3A_429 : f32 to vector<16xf32>
        %mul3A_441 = arith.mulf %mul3A_440, %get3A_437 : vector<16xf32>
        %add3A_442 = arith.addf %mul3A_439, %mul3A_441 : vector<16xf32>
        %swap3A_443 = arith.index_cast %scan3A_415 : i32 to index
        %swap3A_444 = arith.constant 0 : index
        %swap3A_445 = tpu.vector_load %arg17[%swap3A_443, %swap3A_444] {strides = array<i32>} : memref<48x128xf32, #tpu.memory_space<vmem>>, vector<1x16xf32>,
        %swap3A_446 = vector.shape_cast %swap3A_445 : vector<1x16xf32> to vector<16xf32>
        %swap3A_447 = vector.shape_cast %add3A_442 : vector<16xf32> to vector<1x16xf32>
        tpu.vector_store %arg17[%swap3A_443, %swap3A_444], %swap3A_447 {strides = array<i32>} : memref<48x128xf32, #tpu.memory_space<vmem>>, vector<1x16xf32>,
        %get3A_448 = arith.index_cast %scan3A_415 : i32 to index
        %get3A_449 = arith.constant 16 : index
        %get3A_450 = tpu.vector_load %arg16[%get3A_448, %get3A_449] {strides = array<i32>} : memref<48x256xf32, #tpu.memory_space<vmem>>, vector<1x16xf32>,
        %get3A_451 = vector.shape_cast %get3A_450 : vector<1x16xf32> to vector<16xf32>
        %get3A_452 = arith.index_cast %scan3A_415 : i32 to index
        %get3A_453 = arith.constant 144 : index
        %get3A_454 = tpu.vector_load %arg16[%get3A_452, %get3A_453] {strides = array<i32>} : memref<48x256xf32, #tpu.memory_space<vmem>>, vector<1x16xf32>,
        %get3A_455 = vector.shape_cast %get3A_454 : vector<1x16xf32> to vector<16xf32>
        %mul3A_456 = vector.broadcast %select_n3A_424 : f32 to vector<16xf32>
        %mul3A_457 = arith.mulf %mul3A_456, %get3A_451 : vector<16xf32>
        %mul3A_458 = vector.broadcast %select_n3A_429 : f32 to vector<16xf32>
        %mul3A_459 = arith.mulf %mul3A_458, %get3A_455 : vector<16xf32>
        %add3A_460 = arith.addf %mul3A_457, %mul3A_459 : vector<16xf32>
        %swap3A_461 = arith.index_cast %scan3A_415 : i32 to index
        %swap3A_462 = arith.constant 16 : index
        %swap3A_463 = tpu.vector_load %arg17[%swap3A_461, %swap3A_462] {strides = array<i32>} : memref<48x128xf32, #tpu.memory_space<vmem>>, vector<1x16xf32>,
        %swap3A_464 = vector.shape_cast %swap3A_463 : vector<1x16xf32> to vector<16xf32>
        %swap3A_465 = vector.shape_cast %add3A_460 : vector<16xf32> to vector<1x16xf32>
        tpu.vector_store %arg17[%swap3A_461, %swap3A_462], %swap3A_465 {strides = array<i32>} : memref<48x128xf32, #tpu.memory_space<vmem>>, vector<1x16xf32>,
        %get3A_466 = arith.index_cast %scan3A_415 : i32 to index
        %get3A_467 = arith.constant 32 : index
        %get3A_468 = tpu.vector_load %arg16[%get3A_466, %get3A_467] {strides = array<i32>} : memref<48x256xf32, #tpu.memory_space<vmem>>, vector<1x16xf32>,
        %get3A_469 = vector.shape_cast %get3A_468 : vector<1x16xf32> to vector<16xf32>
        %get3A_470 = arith.index_cast %scan3A_415 : i32 to index
        %get3A_471 = arith.constant 160 : index
        %get3A_472 = tpu.vector_load %arg16[%get3A_470, %get3A_471] {strides = array<i32>} : memref<48x256xf32, #tpu.memory_space<vmem>>, vector<1x16xf32>,
        %get3A_473 = vector.shape_cast %get3A_472 : vector<1x16xf32> to vector<16xf32>
        %mul3A_474 = vector.broadcast %select_n3A_424 : f32 to vector<16xf32>
        %mul3A_475 = arith.mulf %mul3A_474, %get3A_469 : vector<16xf32>
        %mul3A_476 = vector.broadcast %select_n3A_429 : f32 to vector<16xf32>
        %mul3A_477 = arith.mulf %mul3A_476, %get3A_473 : vector<16xf32>
        %add3A_478 = arith.addf %mul3A_475, %mul3A_477 : vector<16xf32>
        %swap3A_479 = arith.index_cast %scan3A_415 : i32 to index
        %swap3A_480 = arith.constant 32 : index
        %swap3A_481 = tpu.vector_load %arg17[%swap3A_479, %swap3A_480] {strides = array<i32>} : memref<48x128xf32, #tpu.memory_space<vmem>>, vector<1x16xf32>,
        %swap3A_482 = vector.shape_cast %swap3A_481 : vector<1x16xf32> to vector<16xf32>
        %swap3A_483 = vector.shape_cast %add3A_478 : vector<16xf32> to vector<1x16xf32>
        tpu.vector_store %arg17[%swap3A_479, %swap3A_480], %swap3A_483 {strides = array<i32>} : memref<48x128xf32, #tpu.memory_space<vmem>>, vector<1x16xf32>,
        %get3A_484 = arith.index_cast %scan3A_415 : i32 to index
        %get3A_485 = arith.constant 48 : index
        %get3A_486 = tpu.vector_load %arg16[%get3A_484, %get3A_485] {strides = array<i32>} : memref<48x256xf32, #tpu.memory_space<vmem>>, vector<1x16xf32>,
        %get3A_487 = vector.shape_cast %get3A_486 : vector<1x16xf32> to vector<16xf32>
        %get3A_488 = arith.index_cast %scan3A_415 : i32 to index
        %get3A_489 = arith.constant 176 : index
        %get3A_490 = tpu.vector_load %arg16[%get3A_488, %get3A_489] {strides = array<i32>} : memref<48x256xf32, #tpu.memory_space<vmem>>, vector<1x16xf32>,
        %get3A_491 = vector.shape_cast %get3A_490 : vector<1x16xf32> to vector<16xf32>
        %mul3A_492 = vector.broadcast %select_n3A_424 : f32 to vector<16xf32>
        %mul3A_493 = arith.mulf %mul3A_492, %get3A_487 : vector<16xf32>
        %mul3A_494 = vector.broadcast %select_n3A_429 : f32 to vector<16xf32>
        %mul3A_495 = arith.mulf %mul3A_494, %get3A_491 : vector<16xf32>
        %add3A_496 = arith.addf %mul3A_493, %mul3A_495 : vector<16xf32>
        %swap3A_497 = arith.index_cast %scan3A_415 : i32 to index
        %swap3A_498 = arith.constant 48 : index
        %swap3A_499 = tpu.vector_load %arg17[%swap3A_497, %swap3A_498] {strides = array<i32>} : memref<48x128xf32, #tpu.memory_space<vmem>>, vector<1x16xf32>,
        %swap3A_500 = vector.shape_cast %swap3A_499 : vector<1x16xf32> to vector<16xf32>
        %swap3A_501 = vector.shape_cast %add3A_496 : vector<16xf32> to vector<1x16xf32>
        tpu.vector_store %arg17[%swap3A_497, %swap3A_498], %swap3A_501 {strides = array<i32>} : memref<48x128xf32, #tpu.memory_space<vmem>>, vector<1x16xf32>,
        %get3A_502 = arith.index_cast %scan3A_415 : i32 to index
        %get3A_503 = arith.constant 64 : index
        %get3A_504 = tpu.vector_load %arg16[%get3A_502, %get3A_503] {strides = array<i32>} : memref<48x256xf32, #tpu.memory_space<vmem>>, vector<1x16xf32>,
        %get3A_505 = vector.shape_cast %get3A_504 : vector<1x16xf32> to vector<16xf32>
        %get3A_506 = arith.index_cast %scan3A_415 : i32 to index
        %get3A_507 = arith.constant 192 : index
        %get3A_508 = tpu.vector_load %arg16[%get3A_506, %get3A_507] {strides = array<i32>} : memref<48x256xf32, #tpu.memory_space<vmem>>, vector<1x16xf32>,
        %get3A_509 = vector.shape_cast %get3A_508 : vector<1x16xf32> to vector<16xf32>
        %mul3A_510 = vector.broadcast %select_n3A_424 : f32 to vector<16xf32>
        %mul3A_511 = arith.mulf %mul3A_510, %get3A_505 : vector<16xf32>
        %mul3A_512 = vector.broadcast %select_n3A_429 : f32 to vector<16xf32>
        %mul3A_513 = arith.mulf %mul3A_512, %get3A_509 : vector<16xf32>
        %add3A_514 = arith.addf %mul3A_511, %mul3A_513 : vector<16xf32>
        %swap3A_515 = arith.index_cast %scan3A_415 : i32 to index
        %swap3A_516 = arith.constant 64 : index
        %swap3A_517 = tpu.vector_load %arg17[%swap3A_515, %swap3A_516] {strides = array<i32>} : memref<48x128xf32, #tpu.memory_space<vmem>>, vector<1x16xf32>,
        %swap3A_518 = vector.shape_cast %swap3A_517 : vector<1x16xf32> to vector<16xf32>
        %swap3A_519 = vector.shape_cast %add3A_514 : vector<16xf32> to vector<1x16xf32>
        tpu.vector_store %arg17[%swap3A_515, %swap3A_516], %swap3A_519 {strides = array<i32>} : memref<48x128xf32, #tpu.memory_space<vmem>>, vector<1x16xf32>,
        %get3A_520 = arith.index_cast %scan3A_415 : i32 to index
        %get3A_521 = arith.constant 80 : index
        %get3A_522 = tpu.vector_load %arg16[%get3A_520, %get3A_521] {strides = array<i32>} : memref<48x256xf32, #tpu.memory_space<vmem>>, vector<1x16xf32>,
        %get3A_523 = vector.shape_cast %get3A_522 : vector<1x16xf32> to vector<16xf32>
        %get3A_524 = arith.index_cast %scan3A_415 : i32 to index
        %get3A_525 = arith.constant 208 : index
        %get3A_526 = tpu.vector_load %arg16[%get3A_524, %get3A_525] {strides = array<i32>} : memref<48x256xf32, #tpu.memory_space<vmem>>, vector<1x16xf32>,
        %get3A_527 = vector.shape_cast %get3A_526 : vector<1x16xf32> to vector<16xf32>
        %mul3A_528 = vector.broadcast %select_n3A_424 : f32 to vector<16xf32>
        %mul3A_529 = arith.mulf %mul3A_528, %get3A_523 : vector<16xf32>
        %mul3A_530 = vector.broadcast %select_n3A_429 : f32 to vector<16xf32>
        %mul3A_531 = arith.mulf %mul3A_530, %get3A_527 : vector<16xf32>
        %add3A_532 = arith.addf %mul3A_529, %mul3A_531 : vector<16xf32>
        %swap3A_533 = arith.index_cast %scan3A_415 : i32 to index
        %swap3A_534 = arith.constant 80 : index
        %swap3A_535 = tpu.vector_load %arg17[%swap3A_533, %swap3A_534] {strides = array<i32>} : memref<48x128xf32, #tpu.memory_space<vmem>>, vector<1x16xf32>,
        %swap3A_536 = vector.shape_cast %swap3A_535 : vector<1x16xf32> to vector<16xf32>
        %swap3A_537 = vector.shape_cast %add3A_532 : vector<16xf32> to vector<1x16xf32>
        tpu.vector_store %arg17[%swap3A_533, %swap3A_534], %swap3A_537 {strides = array<i32>} : memref<48x128xf32, #tpu.memory_space<vmem>>, vector<1x16xf32>,
        %get3A_538 = arith.index_cast %scan3A_415 : i32 to index
        %get3A_539 = arith.constant 96 : index
        %get3A_540 = tpu.vector_load %arg16[%get3A_538, %get3A_539] {strides = array<i32>} : memref<48x256xf32, #tpu.memory_space<vmem>>, vector<1x16xf32>,
        %get3A_541 = vector.shape_cast %get3A_540 : vector<1x16xf32> to vector<16xf32>
        %get3A_542 = arith.index_cast %scan3A_415 : i32 to index
        %get3A_543 = arith.constant 224 : index
        %get3A_544 = tpu.vector_load %arg16[%get3A_542, %get3A_543] {strides = array<i32>} : memref<48x256xf32, #tpu.memory_space<vmem>>, vector<1x16xf32>,
        %get3A_545 = vector.shape_cast %get3A_544 : vector<1x16xf32> to vector<16xf32>
        %mul3A_546 = vector.broadcast %select_n3A_424 : f32 to vector<16xf32>
        %mul3A_547 = arith.mulf %mul3A_546, %get3A_541 : vector<16xf32>
        %mul3A_548 = vector.broadcast %select_n3A_429 : f32 to vector<16xf32>
        %mul3A_549 = arith.mulf %mul3A_548, %get3A_545 : vector<16xf32>
        %add3A_550 = arith.addf %mul3A_547, %mul3A_549 : vector<16xf32>
        %swap3A_551 = arith.index_cast %scan3A_415 : i32 to index
        %swap3A_552 = arith.constant 96 : index
        %swap3A_553 = tpu.vector_load %arg17[%swap3A_551, %swap3A_552] {strides = array<i32>} : memref<48x128xf32, #tpu.memory_space<vmem>>, vector<1x16xf32>,
        %swap3A_554 = vector.shape_cast %swap3A_553 : vector<1x16xf32> to vector<16xf32>
        %swap3A_555 = vector.shape_cast %add3A_550 : vector<16xf32> to vector<1x16xf32>
        tpu.vector_store %arg17[%swap3A_551, %swap3A_552], %swap3A_555 {strides = array<i32>} : memref<48x128xf32, #tpu.memory_space<vmem>>, vector<1x16xf32>,
        %get3A_556 = arith.index_cast %scan3A_415 : i32 to index
        %get3A_557 = arith.constant 112 : index
        %get3A_558 = tpu.vector_load %arg16[%get3A_556, %get3A_557] {strides = array<i32>} : memref<48x256xf32, #tpu.memory_space<vmem>>, vector<1x16xf32>,
        %get3A_559 = vector.shape_cast %get3A_558 : vector<1x16xf32> to vector<16xf32>
        %get3A_560 = arith.index_cast %scan3A_415 : i32 to index
        %get3A_561 = arith.constant 240 : index
        %get3A_562 = tpu.vector_load %arg16[%get3A_560, %get3A_561] {strides = array<i32>} : memref<48x256xf32, #tpu.memory_space<vmem>>, vector<1x16xf32>,
        %get3A_563 = vector.shape_cast %get3A_562 : vector<1x16xf32> to vector<16xf32>
        %mul3A_564 = vector.broadcast %select_n3A_424 : f32 to vector<16xf32>
        %mul3A_565 = arith.mulf %mul3A_564, %get3A_559 : vector<16xf32>
        %mul3A_566 = vector.broadcast %select_n3A_429 : f32 to vector<16xf32>
        %mul3A_567 = arith.mulf %mul3A_566, %get3A_563 : vector<16xf32>
        %add3A_568 = arith.addf %mul3A_565, %mul3A_567 : vector<16xf32>
        %swap3A_569 = arith.index_cast %scan3A_415 : i32 to index
        %swap3A_570 = arith.constant 112 : index
        %swap3A_571 = tpu.vector_load %arg17[%swap3A_569, %swap3A_570] {strides = array<i32>} : memref<48x128xf32, #tpu.memory_space<vmem>>, vector<1x16xf32>,
        %swap3A_572 = vector.shape_cast %swap3A_571 : vector<1x16xf32> to vector<16xf32>
        %swap3A_573 = vector.shape_cast %add3A_568 : vector<16xf32> to vector<1x16xf32>
        tpu.vector_store %arg17[%swap3A_569, %swap3A_570], %swap3A_573 {strides = array<i32>} : memref<48x128xf32, #tpu.memory_space<vmem>>, vector<1x16xf32>,
        %scan3A_574 = arith.constant 3 : i32
        %scan3A_575 = arith.addi %scan3A_100, %scan3A_574 : i32
        %get3A_576 = arith.index_cast %scan3A_575 : i32 to index
        %get3A_577 = arith.constant 0 : index
        %get3A_578 = tpu.vector_load %arg14[%get3A_576, %get3A_577] {strides = array<i32>} : memref<48x16xf32, #tpu.memory_space<vmem>>, vector<1x16xf32>,
        %get3A_579 = vector.shape_cast %get3A_578 : vector<1x16xf32> to vector<16xf32>
        %slice3A_580 = vector.extract_strided_slice %get3A_579 {offsets = [0], sizes = [1], strides = [1]} : vector<16xf32> to vector<1xf32>
        %squeeze3A_581 = vector.extract %slice3A_580[0] : f32 from vector<1xf32>
        %slice3A_582 = vector.extract_strided_slice %get3A_579 {offsets = [2], sizes = [1], strides = [1]} : vector<16xf32> to vector<1xf32>
        %squeeze3A_583 = vector.extract %slice3A_582[0] : f32 from vector<1xf32>
        %select_n3A_584 = arith.select %eq3A_3, %squeeze3A_581, %squeeze3A_583 : f32
        %slice3A_585 = vector.extract_strided_slice %get3A_579 {offsets = [1], sizes = [1], strides = [1]} : vector<16xf32> to vector<1xf32>
        %squeeze3A_586 = vector.extract %slice3A_585[0] : f32 from vector<1xf32>
        %slice3A_587 = vector.extract_strided_slice %get3A_579 {offsets = [3], sizes = [1], strides = [1]} : vector<16xf32> to vector<1xf32>
        %squeeze3A_588 = vector.extract %slice3A_587[0] : f32 from vector<1xf32>
        %select_n3A_589 = arith.select %eq3A_3, %squeeze3A_586, %squeeze3A_588 : f32
        %get3A_590 = arith.index_cast %scan3A_575 : i32 to index
        %get3A_591 = arith.constant 0 : index
        %get3A_592 = tpu.vector_load %arg16[%get3A_590, %get3A_591] {strides = array<i32>} : memref<48x256xf32, #tpu.memory_space<vmem>>, vector<1x16xf32>,
        %get3A_593 = vector.shape_cast %get3A_592 : vector<1x16xf32> to vector<16xf32>
        %get3A_594 = arith.index_cast %scan3A_575 : i32 to index
        %get3A_595 = arith.constant 128 : index
        %get3A_596 = tpu.vector_load %arg16[%get3A_594, %get3A_595] {strides = array<i32>} : memref<48x256xf32, #tpu.memory_space<vmem>>, vector<1x16xf32>,
        %get3A_597 = vector.shape_cast %get3A_596 : vector<1x16xf32> to vector<16xf32>
        %mul3A_598 = vector.broadcast %select_n3A_584 : f32 to vector<16xf32>
        %mul3A_599 = arith.mulf %mul3A_598, %get3A_593 : vector<16xf32>
        %mul3A_600 = vector.broadcast %select_n3A_589 : f32 to vector<16xf32>
        %mul3A_601 = arith.mulf %mul3A_600, %get3A_597 : vector<16xf32>
        %add3A_602 = arith.addf %mul3A_599, %mul3A_601 : vector<16xf32>
        %swap3A_603 = arith.index_cast %scan3A_575 : i32 to index
        %swap3A_604 = arith.constant 0 : index
        %swap3A_605 = tpu.vector_load %arg17[%swap3A_603, %swap3A_604] {strides = array<i32>} : memref<48x128xf32, #tpu.memory_space<vmem>>, vector<1x16xf32>,
        %swap3A_606 = vector.shape_cast %swap3A_605 : vector<1x16xf32> to vector<16xf32>
        %swap3A_607 = vector.shape_cast %add3A_602 : vector<16xf32> to vector<1x16xf32>
        tpu.vector_store %arg17[%swap3A_603, %swap3A_604], %swap3A_607 {strides = array<i32>} : memref<48x128xf32, #tpu.memory_space<vmem>>, vector<1x16xf32>,
        %get3A_608 = arith.index_cast %scan3A_575 : i32 to index
        %get3A_609 = arith.constant 16 : index
        %get3A_610 = tpu.vector_load %arg16[%get3A_608, %get3A_609] {strides = array<i32>} : memref<48x256xf32, #tpu.memory_space<vmem>>, vector<1x16xf32>,
        %get3A_611 = vector.shape_cast %get3A_610 : vector<1x16xf32> to vector<16xf32>
        %get3A_612 = arith.index_cast %scan3A_575 : i32 to index
        %get3A_613 = arith.constant 144 : index
        %get3A_614 = tpu.vector_load %arg16[%get3A_612, %get3A_613] {strides = array<i32>} : memref<48x256xf32, #tpu.memory_space<vmem>>, vector<1x16xf32>,
        %get3A_615 = vector.shape_cast %get3A_614 : vector<1x16xf32> to vector<16xf32>
        %mul3A_616 = vector.broadcast %select_n3A_584 : f32 to vector<16xf32>
        %mul3A_617 = arith.mulf %mul3A_616, %get3A_611 : vector<16xf32>
        %mul3A_618 = vector.broadcast %select_n3A_589 : f32 to vector<16xf32>
        %mul3A_619 = arith.mulf %mul3A_618, %get3A_615 : vector<16xf32>
        %add3A_620 = arith.addf %mul3A_617, %mul3A_619 : vector<16xf32>
        %swap3A_621 = arith.index_cast %scan3A_575 : i32 to index
        %swap3A_622 = arith.constant 16 : index
        %swap3A_623 = tpu.vector_load %arg17[%swap3A_621, %swap3A_622] {strides = array<i32>} : memref<48x128xf32, #tpu.memory_space<vmem>>, vector<1x16xf32>,
        %swap3A_624 = vector.shape_cast %swap3A_623 : vector<1x16xf32> to vector<16xf32>
        %swap3A_625 = vector.shape_cast %add3A_620 : vector<16xf32> to vector<1x16xf32>
        tpu.vector_store %arg17[%swap3A_621, %swap3A_622], %swap3A_625 {strides = array<i32>} : memref<48x128xf32, #tpu.memory_space<vmem>>, vector<1x16xf32>,
        %get3A_626 = arith.index_cast %scan3A_575 : i32 to index
        %get3A_627 = arith.constant 32 : index
        %get3A_628 = tpu.vector_load %arg16[%get3A_626, %get3A_627] {strides = array<i32>} : memref<48x256xf32, #tpu.memory_space<vmem>>, vector<1x16xf32>,
        %get3A_629 = vector.shape_cast %get3A_628 : vector<1x16xf32> to vector<16xf32>
        %get3A_630 = arith.index_cast %scan3A_575 : i32 to index
        %get3A_631 = arith.constant 160 : index
        %get3A_632 = tpu.vector_load %arg16[%get3A_630, %get3A_631] {strides = array<i32>} : memref<48x256xf32, #tpu.memory_space<vmem>>, vector<1x16xf32>,
        %get3A_633 = vector.shape_cast %get3A_632 : vector<1x16xf32> to vector<16xf32>
        %mul3A_634 = vector.broadcast %select_n3A_584 : f32 to vector<16xf32>
        %mul3A_635 = arith.mulf %mul3A_634, %get3A_629 : vector<16xf32>
        %mul3A_636 = vector.broadcast %select_n3A_589 : f32 to vector<16xf32>
        %mul3A_637 = arith.mulf %mul3A_636, %get3A_633 : vector<16xf32>
        %add3A_638 = arith.addf %mul3A_635, %mul3A_637 : vector<16xf32>
        %swap3A_639 = arith.index_cast %scan3A_575 : i32 to index
        %swap3A_640 = arith.constant 32 : index
        %swap3A_641 = tpu.vector_load %arg17[%swap3A_639, %swap3A_640] {strides = array<i32>} : memref<48x128xf32, #tpu.memory_space<vmem>>, vector<1x16xf32>,
        %swap3A_642 = vector.shape_cast %swap3A_641 : vector<1x16xf32> to vector<16xf32>
        %swap3A_643 = vector.shape_cast %add3A_638 : vector<16xf32> to vector<1x16xf32>
        tpu.vector_store %arg17[%swap3A_639, %swap3A_640], %swap3A_643 {strides = array<i32>} : memref<48x128xf32, #tpu.memory_space<vmem>>, vector<1x16xf32>,
        %get3A_644 = arith.index_cast %scan3A_575 : i32 to index
        %get3A_645 = arith.constant 48 : index
        %get3A_646 = tpu.vector_load %arg16[%get3A_644, %get3A_645] {strides = array<i32>} : memref<48x256xf32, #tpu.memory_space<vmem>>, vector<1x16xf32>,
        %get3A_647 = vector.shape_cast %get3A_646 : vector<1x16xf32> to vector<16xf32>
        %get3A_648 = arith.index_cast %scan3A_575 : i32 to index
        %get3A_649 = arith.constant 176 : index
        %get3A_650 = tpu.vector_load %arg16[%get3A_648, %get3A_649] {strides = array<i32>} : memref<48x256xf32, #tpu.memory_space<vmem>>, vector<1x16xf32>,
        %get3A_651 = vector.shape_cast %get3A_650 : vector<1x16xf32> to vector<16xf32>
        %mul3A_652 = vector.broadcast %select_n3A_584 : f32 to vector<16xf32>
        %mul3A_653 = arith.mulf %mul3A_652, %get3A_647 : vector<16xf32>
        %mul3A_654 = vector.broadcast %select_n3A_589 : f32 to vector<16xf32>
        %mul3A_655 = arith.mulf %mul3A_654, %get3A_651 : vector<16xf32>
        %add3A_656 = arith.addf %mul3A_653, %mul3A_655 : vector<16xf32>
        %swap3A_657 = arith.index_cast %scan3A_575 : i32 to index
        %swap3A_658 = arith.constant 48 : index
        %swap3A_659 = tpu.vector_load %arg17[%swap3A_657, %swap3A_658] {strides = array<i32>} : memref<48x128xf32, #tpu.memory_space<vmem>>, vector<1x16xf32>,
        %swap3A_660 = vector.shape_cast %swap3A_659 : vector<1x16xf32> to vector<16xf32>
        %swap3A_661 = vector.shape_cast %add3A_656 : vector<16xf32> to vector<1x16xf32>
        tpu.vector_store %arg17[%swap3A_657, %swap3A_658], %swap3A_661 {strides = array<i32>} : memref<48x128xf32, #tpu.memory_space<vmem>>, vector<1x16xf32>,
        %get3A_662 = arith.index_cast %scan3A_575 : i32 to index
        %get3A_663 = arith.constant 64 : index
        %get3A_664 = tpu.vector_load %arg16[%get3A_662, %get3A_663] {strides = array<i32>} : memref<48x256xf32, #tpu.memory_space<vmem>>, vector<1x16xf32>,
        %get3A_665 = vector.shape_cast %get3A_664 : vector<1x16xf32> to vector<16xf32>
        %get3A_666 = arith.index_cast %scan3A_575 : i32 to index
        %get3A_667 = arith.constant 192 : index
        %get3A_668 = tpu.vector_load %arg16[%get3A_666, %get3A_667] {strides = array<i32>} : memref<48x256xf32, #tpu.memory_space<vmem>>, vector<1x16xf32>,
        %get3A_669 = vector.shape_cast %get3A_668 : vector<1x16xf32> to vector<16xf32>
        %mul3A_670 = vector.broadcast %select_n3A_584 : f32 to vector<16xf32>
        %mul3A_671 = arith.mulf %mul3A_670, %get3A_665 : vector<16xf32>
        %mul3A_672 = vector.broadcast %select_n3A_589 : f32 to vector<16xf32>
        %mul3A_673 = arith.mulf %mul3A_672, %get3A_669 : vector<16xf32>
        %add3A_674 = arith.addf %mul3A_671, %mul3A_673 : vector<16xf32>
        %swap3A_675 = arith.index_cast %scan3A_575 : i32 to index
        %swap3A_676 = arith.constant 64 : index
        %swap3A_677 = tpu.vector_load %arg17[%swap3A_675, %swap3A_676] {strides = array<i32>} : memref<48x128xf32, #tpu.memory_space<vmem>>, vector<1x16xf32>,
        %swap3A_678 = vector.shape_cast %swap3A_677 : vector<1x16xf32> to vector<16xf32>
        %swap3A_679 = vector.shape_cast %add3A_674 : vector<16xf32> to vector<1x16xf32>
        tpu.vector_store %arg17[%swap3A_675, %swap3A_676], %swap3A_679 {strides = array<i32>} : memref<48x128xf32, #tpu.memory_space<vmem>>, vector<1x16xf32>,
        %get3A_680 = arith.index_cast %scan3A_575 : i32 to index
        %get3A_681 = arith.constant 80 : index
        %get3A_682 = tpu.vector_load %arg16[%get3A_680, %get3A_681] {strides = array<i32>} : memref<48x256xf32, #tpu.memory_space<vmem>>, vector<1x16xf32>,
        %get3A_683 = vector.shape_cast %get3A_682 : vector<1x16xf32> to vector<16xf32>
        %get3A_684 = arith.index_cast %scan3A_575 : i32 to index
        %get3A_685 = arith.constant 208 : index
        %get3A_686 = tpu.vector_load %arg16[%get3A_684, %get3A_685] {strides = array<i32>} : memref<48x256xf32, #tpu.memory_space<vmem>>, vector<1x16xf32>,
        %get3A_687 = vector.shape_cast %get3A_686 : vector<1x16xf32> to vector<16xf32>
        %mul3A_688 = vector.broadcast %select_n3A_584 : f32 to vector<16xf32>
        %mul3A_689 = arith.mulf %mul3A_688, %get3A_683 : vector<16xf32>
        %mul3A_690 = vector.broadcast %select_n3A_589 : f32 to vector<16xf32>
        %mul3A_691 = arith.mulf %mul3A_690, %get3A_687 : vector<16xf32>
        %add3A_692 = arith.addf %mul3A_689, %mul3A_691 : vector<16xf32>
        %swap3A_693 = arith.index_cast %scan3A_575 : i32 to index
        %swap3A_694 = arith.constant 80 : index
        %swap3A_695 = tpu.vector_load %arg17[%swap3A_693, %swap3A_694] {strides = array<i32>} : memref<48x128xf32, #tpu.memory_space<vmem>>, vector<1x16xf32>,
        %swap3A_696 = vector.shape_cast %swap3A_695 : vector<1x16xf32> to vector<16xf32>
        %swap3A_697 = vector.shape_cast %add3A_692 : vector<16xf32> to vector<1x16xf32>
        tpu.vector_store %arg17[%swap3A_693, %swap3A_694], %swap3A_697 {strides = array<i32>} : memref<48x128xf32, #tpu.memory_space<vmem>>, vector<1x16xf32>,
        %get3A_698 = arith.index_cast %scan3A_575 : i32 to index
        %get3A_699 = arith.constant 96 : index
        %get3A_700 = tpu.vector_load %arg16[%get3A_698, %get3A_699] {strides = array<i32>} : memref<48x256xf32, #tpu.memory_space<vmem>>, vector<1x16xf32>,
        %get3A_701 = vector.shape_cast %get3A_700 : vector<1x16xf32> to vector<16xf32>
        %get3A_702 = arith.index_cast %scan3A_575 : i32 to index
        %get3A_703 = arith.constant 224 : index
        %get3A_704 = tpu.vector_load %arg16[%get3A_702, %get3A_703] {strides = array<i32>} : memref<48x256xf32, #tpu.memory_space<vmem>>, vector<1x16xf32>,
        %get3A_705 = vector.shape_cast %get3A_704 : vector<1x16xf32> to vector<16xf32>
        %mul3A_706 = vector.broadcast %select_n3A_584 : f32 to vector<16xf32>
        %mul3A_707 = arith.mulf %mul3A_706, %get3A_701 : vector<16xf32>
        %mul3A_708 = vector.broadcast %select_n3A_589 : f32 to vector<16xf32>
        %mul3A_709 = arith.mulf %mul3A_708, %get3A_705 : vector<16xf32>
        %add3A_710 = arith.addf %mul3A_707, %mul3A_709 : vector<16xf32>
        %swap3A_711 = arith.index_cast %scan3A_575 : i32 to index
        %swap3A_712 = arith.constant 96 : index
        %swap3A_713 = tpu.vector_load %arg17[%swap3A_711, %swap3A_712] {strides = array<i32>} : memref<48x128xf32, #tpu.memory_space<vmem>>, vector<1x16xf32>,
        %swap3A_714 = vector.shape_cast %swap3A_713 : vector<1x16xf32> to vector<16xf32>
        %swap3A_715 = vector.shape_cast %add3A_710 : vector<16xf32> to vector<1x16xf32>
        tpu.vector_store %arg17[%swap3A_711, %swap3A_712], %swap3A_715 {strides = array<i32>} : memref<48x128xf32, #tpu.memory_space<vmem>>, vector<1x16xf32>,
        %get3A_716 = arith.index_cast %scan3A_575 : i32 to index
        %get3A_717 = arith.constant 112 : index
        %get3A_718 = tpu.vector_load %arg16[%get3A_716, %get3A_717] {strides = array<i32>} : memref<48x256xf32, #tpu.memory_space<vmem>>, vector<1x16xf32>,
        %get3A_719 = vector.shape_cast %get3A_718 : vector<1x16xf32> to vector<16xf32>
        %get3A_720 = arith.index_cast %scan3A_575 : i32 to index
        %get3A_721 = arith.constant 240 : index
        %get3A_722 = tpu.vector_load %arg16[%get3A_720, %get3A_721] {strides = array<i32>} : memref<48x256xf32, #tpu.memory_space<vmem>>, vector<1x16xf32>,
        %get3A_723 = vector.shape_cast %get3A_722 : vector<1x16xf32> to vector<16xf32>
        %mul3A_724 = vector.broadcast %select_n3A_584 : f32 to vector<16xf32>
        %mul3A_725 = arith.mulf %mul3A_724, %get3A_719 : vector<16xf32>
        %mul3A_726 = vector.broadcast %select_n3A_589 : f32 to vector<16xf32>
        %mul3A_727 = arith.mulf %mul3A_726, %get3A_723 : vector<16xf32>
        %add3A_728 = arith.addf %mul3A_725, %mul3A_727 : vector<16xf32>
        %swap3A_729 = arith.index_cast %scan3A_575 : i32 to index
        %swap3A_730 = arith.constant 112 : index
        %swap3A_731 = tpu.vector_load %arg17[%swap3A_729, %swap3A_730] {strides = array<i32>} : memref<48x128xf32, #tpu.memory_space<vmem>>, vector<1x16xf32>,
        %swap3A_732 = vector.shape_cast %swap3A_731 : vector<1x16xf32> to vector<16xf32>
        %swap3A_733 = vector.shape_cast %add3A_728 : vector<16xf32> to vector<1x16xf32>
        tpu.vector_store %arg17[%swap3A_729, %swap3A_730], %swap3A_733 {strides = array<i32>} : memref<48x128xf32, #tpu.memory_space<vmem>>, vector<1x16xf32>,
      }
      %scan3A_93 = arith.constant 48 : i32
      %dma_start3A_94 = arith.constant 0 : i32
      %dma_start3A_95 = arith.constant 0 : i32
      %dma_start3A_96 = tpu.memref_slice %arg8[%dma_start3A_94, %dma_start3A_95] : memref<10112x128xf32, #tpu.memory_space<vmem_shared>> -> memref<10112x128xf32, #tpu.memory_space<vmem_shared>>
      tpu.enqueue_indirect_dma source(%arg17 : memref<48x128xf32, #tpu.memory_space<vmem>>) target(%dma_start3A_96 : memref<10112x128xf32, #tpu.memory_space<vmem_shared>>) offsets(%arg12 : memref<48xi32, #tpu.memory_space<vmem>>) semaphore(%arg22 : memref<!tpu.dma_semaphore, #tpu.memory_space<semaphore_mem>>) {add = true}
      %dma_wait3A_97 = arith.constant 0 : i32
      %dma_wait3A_98 = arith.constant 0 : i32
      %dma_wait3A_99 = tpu.memref_slice %arg8[%dma_wait3A_97, %dma_wait3A_98] : memref<10112x128xf32, #tpu.memory_space<vmem_shared>> -> memref<10112x128xf32, #tpu.memory_space<vmem_shared>>
      tpu.wait_indirect_dma semaphore(%arg22 : memref<!tpu.dma_semaphore, #tpu.memory_space<semaphore_mem>>) src(%arg17 : memref<48x128xf32, #tpu.memory_space<vmem>>) dst(%dma_wait3A_99 : memref<10112x128xf32, #tpu.memory_space<vmem_shared>>)
    }
    %scan3A_20 = arith.constant 105 : i32
    %barrier3A_21 = arith.constant 0 : index
    tpu.barrier barrier_id(%barrier3A_21)
    "tpu.region"() ({
      %run_scoped3A = tpu.sem_alloc : memref<!tpu.dma_semaphore, #tpu.memory_space<semaphore_mem>>
      %dma_start3A_22 = arith.constant 0 : i32
      %dma_start3A_23 = tpu.memref_slice %arg7[%arg0, %mul3A_2, %dma_start3A_22] : memref<2x10112x128xf32, #tpu.memory_space<hbm>> -> memref<1x632x128xf32, #tpu.memory_space<hbm>>
      %dma_start3A_24 = tpu.memref_squeeze %dma_start3A_23 : memref<1x632x128xf32, #tpu.memory_space<hbm>> -> memref<632x128xf32, #tpu.memory_space<hbm>>
      %dma_start3A_25 = arith.constant 0 : i32
      %dma_start3A_26 = tpu.memref_slice %arg8[%mul3A_2, %dma_start3A_25] : memref<10112x128xf32, #tpu.memory_space<vmem_shared>> -> memref<632x128xf32, #tpu.memory_space<vmem_shared>>
      tpu.enqueue_dma source(%dma_start3A_26 : memref<632x128xf32, #tpu.memory_space<vmem_shared>>) target(%dma_start3A_24 : memref<632x128xf32, #tpu.memory_space<hbm>>) target_semaphore(%run_scoped3A : memref<!tpu.dma_semaphore, #tpu.memory_space<semaphore_mem>>)
      %dma_wait3A = arith.constant 0 : i32
      %dma_wait3A_27 = tpu.memref_slice %arg7[%arg0, %mul3A_2, %dma_wait3A] : memref<2x10112x128xf32, #tpu.memory_space<hbm>> -> memref<1x632x128xf32, #tpu.memory_space<hbm>>
      %dma_wait3A_28 = tpu.memref_squeeze %dma_wait3A_27 : memref<1x632x128xf32, #tpu.memory_space<hbm>> -> memref<632x128xf32, #tpu.memory_space<hbm>>
      %dma_wait3A_29 = arith.constant 0 : i32
      %dma_wait3A_30 = tpu.memref_slice %arg8[%mul3A_2, %dma_wait3A_29] : memref<10112x128xf32, #tpu.memory_space<vmem_shared>> -> memref<632x128xf32, #tpu.memory_space<vmem_shared>>
      tpu.wait_dma2 semaphore(%run_scoped3A : memref<!tpu.dma_semaphore, #tpu.memory_space<semaphore_mem>>) src(%dma_wait3A_30 : memref<632x128xf32, #tpu.memory_space<vmem_shared>>) dst(%dma_wait3A_28 : memref<632x128xf32, #tpu.memory_space<hbm>>)
      tpu.yield
    }) : () -> ()
    return
  }
}

module attributes {stable_mosaic.version = 14 : i64} {
  func.func @_edge_prep_body(%arg0: i32, %arg1: memref<4000x128xf32, #tpu.memory_space<vmem>>, %arg2: memref<128x16xf32, #tpu.memory_space<vmem>>, %arg3: memref<4000x2xi32, #tpu.memory_space<vmem>>, %arg4: memref<4000x16xf32, #tpu.memory_space<vmem>>, %arg5: memref<2x128x128xf32, #tpu.memory_space<vmem>>) attributes {dimension_semantics = [#tpu.dimension_semantics<arbitrary>], iteration_bounds = array<i64: 40>, scalar_prefetch = 0 : i64, scratch_operands = 0 : i64, tpu.core_type = #tpu.core_type<tc>, window_params = [{transform_indices = @transform_0, window_bounds = array<i64: 4000, 128>}, {pipeline_mode = #tpu.pipeline_mode<synchronous>, transform_indices = @transform_1, window_bounds = array<i64: 128, 16>}, {transform_indices = @transform_2, window_bounds = array<i64: 4000, 2>}, {transform_indices = @transform_3, window_bounds = array<i64: 4000, 16>}, {pipeline_mode = #tpu.pipeline_mode<synchronous>, transform_indices = @transform_4, window_bounds = array<i64: 2, 128, 128>}]} {
    %get3A = arith.constant 0 : index
    %get3A_0 = arith.constant 0 : index
    %get3A_1 = vector.load %arg1[%get3A, %get3A_0] : memref<4000x128xf32, #tpu.memory_space<vmem>>, vector<4000x128xf32>
    %get3A_2 = arith.constant 0 : index
    %get3A_3 = arith.constant 0 : index
    %get3A_4 = vector.load %arg2[%get3A_2, %get3A_3] : memref<128x16xf32, #tpu.memory_space<vmem>>, vector<128x16xf32>
    %dot_general3A = arith.constant dense<0.000000e+00> : vector<4000x16xf32>
    %dot_general3A_5 = tpu.matmul %get3A_1, %get3A_4, %dot_general3A {dimension_numbers = #tpu.dot_dimension_numbers<[1], [0], [0], [1], [0, 0, 1, 1], [], []>, transpose_lhs_hint = false} : vector<4000x128xf32>, vector<128x16xf32>, vector<4000x16xf32> -> vector<4000x16xf32>
    %swap3A = arith.constant 0 : index
    %swap3A_6 = arith.constant 0 : index
    %swap3A_7 = vector.load %arg4[%swap3A, %swap3A_6] : memref<4000x16xf32, #tpu.memory_space<vmem>>, vector<4000x16xf32>
    tpu.vector_store %arg4[%swap3A, %swap3A_6], %dot_general3A_5 {strides = array<i32>} : memref<4000x16xf32, #tpu.memory_space<vmem>>, vector<4000x16xf32>,
    %eq3A = arith.constant 0 : i32
    %eq3A_8 = arith.cmpi eq, %arg0, %eq3A : i32
    %convert_element_type3A = arith.extui %eq3A_8 : i1 to i32
    %cond3A = arith.constant 0 : i32
    %cond3A_9 = arith.cmpi ne, %convert_element_type3A, %cond3A : i32
    scf.if %cond3A_9 {
      %broadcast_in_dim3A = arith.constant 0.000000e+00 : f32
      %broadcast_in_dim3A_69 = vector.broadcast %broadcast_in_dim3A : f32 to vector<2x128x128xf32>
      %swap3A_70 = arith.constant 0 : index
      %swap3A_71 = arith.constant 0 : index
      %swap3A_72 = arith.constant 0 : index
      %swap3A_73 = vector.load %arg5[%swap3A_70, %swap3A_71, %swap3A_72] : memref<2x128x128xf32, #tpu.memory_space<vmem>>, vector<2x128x128xf32>
      tpu.vector_store %arg5[%swap3A_70, %swap3A_71, %swap3A_72], %broadcast_in_dim3A_69 {strides = array<i32>} : memref<2x128x128xf32, #tpu.memory_space<vmem>>, vector<2x128x128xf32>,
    } else {
    }
    %iota3A = tpu.iota {dimensions = array<i32: 1>} : vector<4000x128xi32>
    %get3A_10 = arith.constant 0 : index
    %get3A_11 = arith.constant 1 : index
    %get3A_12 = vector.load %arg3[%get3A_10, %get3A_11] : memref<4000x2xi32, #tpu.memory_space<vmem>>, vector<4000x1xi32>
    %and3A = arith.constant 127 : i32
    %and3A_13 = vector.broadcast %and3A : i32 to vector<4000x1xi32>
    %and3A_14 = arith.andi %get3A_12, %and3A_13 : vector<4000x1xi32>
    %eq3A_15 = vector.broadcast %and3A_14 : vector<4000x1xi32> to vector<4000x128xi32>
    %eq3A_16 = arith.cmpi eq, %eq3A_15, %iota3A : vector<4000x128xi32>
    %convert_element_type3A_17 = arith.extui %eq3A_16 : vector<4000x128xi1> to vector<4000x128xi32>
    %convert_element_type3A_18 = arith.sitofp %convert_element_type3A_17 : vector<4000x128xi32> to vector<4000x128xf32>
    %shift_right_logical3A = arith.constant 7 : i32
    %shift_right_logical3A_19 = vector.broadcast %shift_right_logical3A : i32 to vector<4000x1xi32>
    %shift_right_logical3A_20 = arith.shrui %get3A_12, %shift_right_logical3A_19 : vector<4000x1xi32>
    %eq3A_21 = vector.broadcast %shift_right_logical3A_20 : vector<4000x1xi32> to vector<4000x128xi32>
    %eq3A_22 = arith.cmpi eq, %eq3A_21, %iota3A : vector<4000x128xi32>
    %convert_element_type3A_23 = arith.extui %eq3A_22 : vector<4000x128xi1> to vector<4000x128xi32>
    %convert_element_type3A_24 = arith.sitofp %convert_element_type3A_23 : vector<4000x128xi32> to vector<4000x128xf32>
    %get3A_25 = arith.constant 0 : index
    %get3A_26 = arith.constant 0 : index
    %get3A_27 = arith.constant 0 : index
    %get3A_28 = vector.load %arg5[%get3A_25, %get3A_26, %get3A_27] : memref<2x128x128xf32, #tpu.memory_space<vmem>>, vector<1x128x128xf32>
    %get3A_29 = vector.shape_cast %get3A_28 : vector<1x128x128xf32> to vector<128x128xf32>
    %dot_general3A_30 = arith.constant dense<0.000000e+00> : vector<128x128xf32>
    %dot_general3A_31 = tpu.matmul %convert_element_type3A_24, %convert_element_type3A_18, %dot_general3A_30 {dimension_numbers = #tpu.dot_dimension_numbers<[0], [0], [1], [1], [0, 1, 1, 1], [], []>, transpose_lhs_hint = false} : vector<4000x128xf32>, vector<4000x128xf32>, vector<128x128xf32> -> vector<128x128xf32>
    %add3A = arith.addf %get3A_29, %dot_general3A_31 : vector<128x128xf32>
    %swap3A_32 = arith.constant 0 : index
    %swap3A_33 = arith.constant 0 : index
    %swap3A_34 = arith.constant 0 : index
    %swap3A_35 = vector.load %arg5[%swap3A_32, %swap3A_33, %swap3A_34] : memref<2x128x128xf32, #tpu.memory_space<vmem>>, vector<1x128x128xf32>
    %swap3A_36 = vector.shape_cast %swap3A_35 : vector<1x128x128xf32> to vector<128x128xf32>
    %swap3A_37 = vector.shape_cast %add3A : vector<128x128xf32> to vector<1x128x128xf32>
    tpu.vector_store %arg5[%swap3A_32, %swap3A_33, %swap3A_34], %swap3A_37 {strides = array<i32>} : memref<2x128x128xf32, #tpu.memory_space<vmem>>, vector<1x128x128xf32>,
    %get3A_38 = arith.constant 0 : index
    %get3A_39 = arith.constant 0 : index
    %get3A_40 = vector.load %arg3[%get3A_38, %get3A_39] : memref<4000x2xi32, #tpu.memory_space<vmem>>, vector<4000x1xi32>
    %and3A_41 = arith.constant 127 : i32
    %and3A_42 = vector.broadcast %and3A_41 : i32 to vector<4000x1xi32>
    %and3A_43 = arith.andi %get3A_40, %and3A_42 : vector<4000x1xi32>
    %eq3A_44 = vector.broadcast %and3A_43 : vector<4000x1xi32> to vector<4000x128xi32>
    %eq3A_45 = arith.cmpi eq, %eq3A_44, %iota3A : vector<4000x128xi32>
    %convert_element_type3A_46 = arith.extui %eq3A_45 : vector<4000x128xi1> to vector<4000x128xi32>
    %convert_element_type3A_47 = arith.sitofp %convert_element_type3A_46 : vector<4000x128xi32> to vector<4000x128xf32>
    %shift_right_logical3A_48 = arith.constant 7 : i32
    %shift_right_logical3A_49 = vector.broadcast %shift_right_logical3A_48 : i32 to vector<4000x1xi32>
    %shift_right_logical3A_50 = arith.shrui %get3A_40, %shift_right_logical3A_49 : vector<4000x1xi32>
    %eq3A_51 = vector.broadcast %shift_right_logical3A_50 : vector<4000x1xi32> to vector<4000x128xi32>
    %eq3A_52 = arith.cmpi eq, %eq3A_51, %iota3A : vector<4000x128xi32>
    %convert_element_type3A_53 = arith.extui %eq3A_52 : vector<4000x128xi1> to vector<4000x128xi32>
    %convert_element_type3A_54 = arith.sitofp %convert_element_type3A_53 : vector<4000x128xi32> to vector<4000x128xf32>
    %get3A_55 = arith.constant 1 : index
    %get3A_56 = arith.constant 0 : index
    %get3A_57 = arith.constant 0 : index
    %get3A_58 = vector.load %arg5[%get3A_55, %get3A_56, %get3A_57] : memref<2x128x128xf32, #tpu.memory_space<vmem>>, vector<1x128x128xf32>
    %get3A_59 = vector.shape_cast %get3A_58 : vector<1x128x128xf32> to vector<128x128xf32>
    %dot_general3A_60 = arith.constant dense<0.000000e+00> : vector<128x128xf32>
    %dot_general3A_61 = tpu.matmul %convert_element_type3A_54, %convert_element_type3A_47, %dot_general3A_60 {dimension_numbers = #tpu.dot_dimension_numbers<[0], [0], [1], [1], [0, 1, 1, 1], [], []>, transpose_lhs_hint = false} : vector<4000x128xf32>, vector<4000x128xf32>, vector<128x128xf32> -> vector<128x128xf32>
    %add3A_62 = arith.addf %get3A_59, %dot_general3A_61 : vector<128x128xf32>
    %swap3A_63 = arith.constant 1 : index
    %swap3A_64 = arith.constant 0 : index
    %swap3A_65 = arith.constant 0 : index
    %swap3A_66 = vector.load %arg5[%swap3A_63, %swap3A_64, %swap3A_65] : memref<2x128x128xf32, #tpu.memory_space<vmem>>, vector<1x128x128xf32>
    %swap3A_67 = vector.shape_cast %swap3A_66 : vector<1x128x128xf32> to vector<128x128xf32>
    %swap3A_68 = vector.shape_cast %add3A_62 : vector<128x128xf32> to vector<1x128x128xf32>
    tpu.vector_store %arg5[%swap3A_63, %swap3A_64, %swap3A_65], %swap3A_68 {strides = array<i32>} : memref<2x128x128xf32, #tpu.memory_space<vmem>>, vector<1x128x128xf32>,
    return
  }
  func.func @transform_0(%arg0: i32) -> (i32, i32) {
    %c0_i32 = arith.constant 0 : i32
    %c0_i32_0 = arith.constant 0 : i32
    return %arg0, %c0_i32 : i32, i32
  }
  func.func @transform_1(%arg0: i32) -> (i32, i32) {
    %c0_i32 = arith.constant 0 : i32
    %c0_i32_0 = arith.constant 0 : i32
    %c0_i32_1 = arith.constant 0 : i32
    return %c0_i32, %c0_i32_0 : i32, i32
  }
  func.func @transform_2(%arg0: i32) -> (i32, i32) {
    %c0_i32 = arith.constant 0 : i32
    %c0_i32_0 = arith.constant 0 : i32
    return %arg0, %c0_i32 : i32, i32
  }
  func.func @transform_3(%arg0: i32) -> (i32, i32) {
    %c0_i32 = arith.constant 0 : i32
    %c0_i32_0 = arith.constant 0 : i32
    return %arg0, %c0_i32 : i32, i32
  }
  func.func @transform_4(%arg0: i32) -> (i32, i32, i32) {
    %c0_i32 = arith.constant 0 : i32
    %c0_i32_0 = arith.constant 0 : i32
    %c0_i32_1 = arith.constant 0 : i32
    %c0_i32_2 = arith.constant 0 : i32
    return %c0_i32, %c0_i32_0, %c0_i32_1 : i32, i32, i32
  }
}

module attributes {stable_mosaic.version = 14 : i64} {
  func.func @_node_table_body(%arg0: i32, %arg1: memref<1264x128xf32, #tpu.memory_space<vmem>>, %arg2: memref<128x256xf32, #tpu.memory_space<vmem>>, %arg3: memref<1264x256xf32, #tpu.memory_space<vmem>>) attributes {dimension_semantics = [#tpu.dimension_semantics<arbitrary>], iteration_bounds = array<i64: 8>, scalar_prefetch = 0 : i64, scratch_operands = 0 : i64, tpu.core_type = #tpu.core_type<tc>, window_params = [{transform_indices = @transform_0, window_bounds = array<i64: 1264, 128>}, {pipeline_mode = #tpu.pipeline_mode<synchronous>, transform_indices = @transform_1, window_bounds = array<i64: 128, 256>}, {transform_indices = @transform_2, window_bounds = array<i64: 1264, 256>}]} {
    %get3A = arith.constant 0 : index
    %get3A_0 = arith.constant 0 : index
    %get3A_1 = vector.load %arg1[%get3A, %get3A_0] : memref<1264x128xf32, #tpu.memory_space<vmem>>, vector<1264x128xf32>
    %get3A_2 = arith.constant 0 : index
    %get3A_3 = arith.constant 0 : index
    %get3A_4 = vector.load %arg2[%get3A_2, %get3A_3] : memref<128x256xf32, #tpu.memory_space<vmem>>, vector<128x256xf32>
    %dot_general3A = arith.constant dense<0.000000e+00> : vector<1264x256xf32>
    %dot_general3A_5 = tpu.matmul %get3A_1, %get3A_4, %dot_general3A {dimension_numbers = #tpu.dot_dimension_numbers<[1], [0], [0], [1], [0, 0, 1, 1], [], []>, transpose_lhs_hint = false} : vector<1264x128xf32>, vector<128x256xf32>, vector<1264x256xf32> -> vector<1264x256xf32>
    %swap3A = arith.constant 0 : index
    %swap3A_6 = arith.constant 0 : index
    %swap3A_7 = vector.load %arg3[%swap3A, %swap3A_6] : memref<1264x256xf32, #tpu.memory_space<vmem>>, vector<1264x256xf32>
    tpu.vector_store %arg3[%swap3A, %swap3A_6], %dot_general3A_5 {strides = array<i32>} : memref<1264x256xf32, #tpu.memory_space<vmem>>, vector<1264x256xf32>,
    return
  }
  func.func @transform_0(%arg0: i32) -> (i32, i32) {
    %c0_i32 = arith.constant 0 : i32
    %c0_i32_0 = arith.constant 0 : i32
    return %arg0, %c0_i32 : i32, i32
  }
  func.func @transform_1(%arg0: i32) -> (i32, i32) {
    %c0_i32 = arith.constant 0 : i32
    %c0_i32_0 = arith.constant 0 : i32
    %c0_i32_1 = arith.constant 0 : i32
    return %c0_i32, %c0_i32_0 : i32, i32
  }
  func.func @transform_2(%arg0: i32) -> (i32, i32) {
    %c0_i32 = arith.constant 0 : i32
    %c0_i32_0 = arith.constant 0 : i32
    return %arg0, %c0_i32 : i32, i32
  }
}

module attributes {stable_mosaic.version = 14 : i64} {
  func.func @_final_body(%arg0: i32, %arg1: memref<2x1000x128xf32, #tpu.memory_space<vmem>>, %arg2: memref<2x1000x1xf32, #tpu.memory_space<vmem>>, %arg3: memref<1000x128xf32, #tpu.memory_space<vmem>>, %arg4: memref<128x128xf32, #tpu.memory_space<vmem>>, %arg5: memref<1x128xf32, #tpu.memory_space<vmem>>, %arg6: memref<1000x128xf32, #tpu.memory_space<vmem>>) attributes {dimension_semantics = [#tpu.dimension_semantics<arbitrary>], iteration_bounds = array<i64: 10>, scalar_prefetch = 0 : i64, scratch_operands = 0 : i64, tpu.core_type = #tpu.core_type<tc>, window_params = [{transform_indices = @transform_0, window_bounds = array<i64: 2, 1000, 128>}, {transform_indices = @transform_1, window_bounds = array<i64: 2, 1000, 1>}, {transform_indices = @transform_2, window_bounds = array<i64: 1000, 128>}, {pipeline_mode = #tpu.pipeline_mode<synchronous>, transform_indices = @transform_3, window_bounds = array<i64: 128, 128>}, {pipeline_mode = #tpu.pipeline_mode<synchronous>, transform_indices = @transform_4, window_bounds = array<i64: 1, 128>}, {transform_indices = @transform_5, window_bounds = array<i64: 1000, 128>}]} {
    %get3A = arith.constant 0 : index
    %get3A_0 = arith.constant 0 : index
    %get3A_1 = arith.constant 0 : index
    %get3A_2 = vector.load %arg2[%get3A, %get3A_0, %get3A_1] : memref<2x1000x1xf32, #tpu.memory_space<vmem>>, vector<1x1000x1xf32>
    %get3A_3 = vector.shape_cast %get3A_2 : vector<1x1000x1xf32> to vector<1000x1xf32>
    %get3A_4 = arith.constant 1 : index
    %get3A_5 = arith.constant 0 : index
    %get3A_6 = arith.constant 0 : index
    %get3A_7 = vector.load %arg2[%get3A_4, %get3A_5, %get3A_6] : memref<2x1000x1xf32, #tpu.memory_space<vmem>>, vector<1x1000x1xf32>
    %get3A_8 = vector.shape_cast %get3A_7 : vector<1x1000x1xf32> to vector<1000x1xf32>
    %get3A_9 = arith.constant 0 : index
    %get3A_10 = arith.constant 0 : index
    %get3A_11 = arith.constant 0 : index
    %get3A_12 = vector.load %arg1[%get3A_9, %get3A_10, %get3A_11] : memref<2x1000x128xf32, #tpu.memory_space<vmem>>, vector<1x1000x128xf32>
    %get3A_13 = vector.shape_cast %get3A_12 : vector<1x1000x128xf32> to vector<1000x128xf32>
    %max3A = arith.constant 1.000000e+00 : f32
    %max3A_14 = vector.broadcast %max3A : f32 to vector<1000x1xf32>
    %max3A_15 = arith.maximumf %get3A_3, %max3A_14 : vector<1000x1xf32>
    %div3A = vector.broadcast %max3A_15 : vector<1000x1xf32> to vector<1000x128xf32>
    %div3A_16 = arith.divf %get3A_13, %div3A : vector<1000x128xf32>
    %get3A_17 = arith.constant 1 : index
    %get3A_18 = arith.constant 0 : index
    %get3A_19 = arith.constant 0 : index
    %get3A_20 = vector.load %arg1[%get3A_17, %get3A_18, %get3A_19] : memref<2x1000x128xf32, #tpu.memory_space<vmem>>, vector<1x1000x128xf32>
    %get3A_21 = vector.shape_cast %get3A_20 : vector<1x1000x128xf32> to vector<1000x128xf32>
    %max3A_22 = arith.constant 1.000000e+00 : f32
    %max3A_23 = vector.broadcast %max3A_22 : f32 to vector<1000x1xf32>
    %max3A_24 = arith.maximumf %get3A_8, %max3A_23 : vector<1000x1xf32>
    %div3A_25 = vector.broadcast %max3A_24 : vector<1000x1xf32> to vector<1000x128xf32>
    %div3A_26 = arith.divf %get3A_21, %div3A_25 : vector<1000x128xf32>
    %add3A = arith.addf %div3A_16, %div3A_26 : vector<1000x128xf32>
    %get3A_27 = arith.constant 0 : index
    %get3A_28 = arith.constant 0 : index
    %get3A_29 = vector.load %arg3[%get3A_27, %get3A_28] : memref<1000x128xf32, #tpu.memory_space<vmem>>, vector<1000x128xf32>
    %get3A_30 = arith.constant 0 : index
    %get3A_31 = arith.constant 0 : index
    %get3A_32 = vector.load %arg4[%get3A_30, %get3A_31] : memref<128x128xf32, #tpu.memory_space<vmem>>, vector<128x128xf32>
    %dot_general3A = arith.constant dense<0.000000e+00> : vector<1000x128xf32>
    %dot_general3A_33 = tpu.matmul %get3A_29, %get3A_32, %dot_general3A {dimension_numbers = #tpu.dot_dimension_numbers<[1], [1], [0], [0], [0, 0, 1, 0], [], []>, transpose_lhs_hint = false} : vector<1000x128xf32>, vector<128x128xf32>, vector<1000x128xf32> -> vector<1000x128xf32>
    %add3A_34 = arith.addf %add3A, %dot_general3A_33 : vector<1000x128xf32>
    %get3A_35 = arith.constant 0 : index
    %get3A_36 = arith.constant 0 : index
    %get3A_37 = vector.load %arg5[%get3A_35, %get3A_36] : memref<1x128xf32, #tpu.memory_space<vmem>>, vector<1x128xf32>
    %add3A_38 = vector.broadcast %get3A_37 : vector<1x128xf32> to vector<1000x128xf32>
    %add3A_39 = arith.addf %add3A_34, %add3A_38 : vector<1000x128xf32>
    %max3A_40 = arith.constant 0.000000e+00 : f32
    %max3A_41 = vector.broadcast %max3A_40 : f32 to vector<1000x128xf32>
    %max3A_42 = arith.maximumf %add3A_39, %max3A_41 : vector<1000x128xf32>
    %swap3A = arith.constant 0 : index
    %swap3A_43 = arith.constant 0 : index
    %swap3A_44 = vector.load %arg6[%swap3A, %swap3A_43] : memref<1000x128xf32, #tpu.memory_space<vmem>>, vector<1000x128xf32>
    tpu.vector_store %arg6[%swap3A, %swap3A_43], %max3A_42 {strides = array<i32>} : memref<1000x128xf32, #tpu.memory_space<vmem>>, vector<1000x128xf32>,
    return
  }
  func.func @transform_0(%arg0: i32) -> (i32, i32, i32) {
    %c0_i32 = arith.constant 0 : i32
    %c0_i32_0 = arith.constant 0 : i32
    %c0_i32_1 = arith.constant 0 : i32
    return %c0_i32, %arg0, %c0_i32_0 : i32, i32, i32
  }
  func.func @transform_1(%arg0: i32) -> (i32, i32, i32) {
    %c0_i32 = arith.constant 0 : i32
    %c0_i32_0 = arith.constant 0 : i32
    %c0_i32_1 = arith.constant 0 : i32
    return %c0_i32, %arg0, %c0_i32_0 : i32, i32, i32
  }
  func.func @transform_2(%arg0: i32) -> (i32, i32) {
    %c0_i32 = arith.constant 0 : i32
    %c0_i32_0 = arith.constant 0 : i32
    return %arg0, %c0_i32 : i32, i32
  }
  func.func @transform_3(%arg0: i32) -> (i32, i32) {
    %c0_i32 = arith.constant 0 : i32
    %c0_i32_0 = arith.constant 0 : i32
    %c0_i32_1 = arith.constant 0 : i32
    return %c0_i32, %c0_i32_0 : i32, i32
  }
  func.func @transform_4(%arg0: i32) -> (i32, i32) {
    %c0_i32 = arith.constant 0 : i32
    %c0_i32_0 = arith.constant 0 : i32
    %c0_i32_1 = arith.constant 0 : i32
    return %c0_i32, %c0_i32_0 : i32, i32
  }
  func.func @transform_5(%arg0: i32) -> (i32, i32) {
    %c0_i32 = arith.constant 0 : i32
    %c0_i32_0 = arith.constant 0 : i32
    return %arg0, %c0_i32 : i32, i32
  }
}

</mosaic_0001>

<sc_bundles>
// kernel: kernel.6.cloned.1.call-start
scs
__scs_entry_jumppad:
0x0: {  	(pc) =	sbr.rel $0x88, $3  }
0x1: {  	(tag) =	ssettag $0x0;
	lr =	simm.s32 $0x1  }
0x2: {  	[smem:$0x3F99] =	sst lr;
	_ =	strace $0xD0000000  }
0x3: {  	_ = 	snop  }
0x4: {  	_ = 	snop  }
0x5: {  	_ = 	snop  }
0x6: {  	_ = 	snop  }
0x7: {  	_ = 	snop  }
__scs_overlays_trampoline_lowered:
0x8: {  	[smem:$0x3FA8] =	sst s0  }
0x9: {  	[smem:$0x3FA9] =	sst s1  }
0xa: {  	[smem:$0x3FAA] =	sst s2  }
0xb: {  	[smem:$0x3FAB] =	sst s3  }
0xc: {  	[smem:$0x3FAC] =	sst s4  }
0xd: {  	[smem:$0x3FAD] =	sst s5  }
0xe: {  	[smem:$0x3FAE] =	sst s6  }
0xf: {  	[smem:$0x3FAF] =	sst s7  }
0x10: {  	[smem:$0x3FB0] =	sst s8  }
0x11: {  	[smem:$0x3FB1] =	sst s9;
	s0 =	simm.s32 @!p0 $0x0  }
0x12: {  	s1 =	sld [smem:$0x3F97];
	s0 =	simm.s32 @p0 $0x1  }
0x13: {  	[smem:$0x3FB2] =	sst s0;
	s0 =	simm.s32 @!p1 $0x0  }
0x14: {  	s2 =	sld [smem:$0x3F96];
	s0 =	simm.s32 @p1 $0x1  }
0x15: {  	[smem:$0x3FB3] =	sst s0;
	s0 =	simm.s32 @!p2 $0x0  }
0x16: {  	s3 =	sld [smem:$0x3FDB];
	s0 =	simm.s32 @p2 $0x1  }
0x17: {  	s4 =	simm.s32 $0x1BF5;
	[smem:$0x3FB5] =	sst s0  }
0x18: {  	s0 =	sld [smem:$0x3F98];
	_ =	swait.ge [sflag:s4], $0x0  }
0x19: {  	s7 =	sld [smem:$0x3F99]  }
0x1a: {  	s8 =	sadd.s32 $0xFFFFE003, lr  }
0x1b: {  	s9 =	sadd.s32 $0xFFFFFEF7, lr;
	s5 =	simm.s32 $0xFFFFFFFF;
	p2 =	slt.u32 s8, $0xFFFFF086  }
0x1c: {  	p1 =	slt.u32 s9, $0xF7A;
	s5 =	simm.s32 @!p2 $0x0  }
0x1d: {  	s5 =	simm.s32 @p1 $0x1;
	p0 =	seq.s32 s7, s2  }
0x1e: {  	s7 =	smul.u32 @!p0 $0xF7A, s2;
	p2 =	seq.s32 @!p0 s5, $0x0  }
0x1f: {  	s9 =	smul.u32 $0xF7A, s1;
	s8 =	simm.s32 @!p0 $0x1BF5;
	p2 =	por !p2, p0  }
0x20: {  	[sflag:s8] =	ssyncset.s32 @!p0 $0xFFFFF086;
	s6 =	sadd.s32 @!p0 s3, s7;
	s7 =	simm.s32 @!p0 $0x108  }
0x21: {  	s3 =	sadd.s32 s3, s9;
	s6 =	sadd.s32 @!p0 $0x88, s6;
	s7 =	simm.s32 @p2 $0x1082  }
0x22: {  	[simem:s7], [sflag:s8] =	dma.local @!p0 [hbm:s6], $0xF7A  }
0x23: {  	s9 =	sor.u32 $0xD0000000, s2;
	s6 =	simm.s32 $0x108;
	_ =	swait.ge @!p0 [sflag:s8], $0x0  }
0x24: {  	s3 =	sadd.s32 $0x88, s3;
	s6 =	simm.s32 @!p1 $0x1082;
	[sflag:s4] =	ssyncset.s32 $0xFFFFF086  }
0x25: {  	[simem:s6], [sflag:s4] =	dma.local [hbm:s3], $0xF7A  }
0x26: {  	[smem:$0x3F99] =	sst s1;
	(tag) =	ssettag s2;
	_ =	strace s9  }
0x27: {  	s1 =	sld [smem:$0x3FA9]  }
0x28: {  	s2 =	sld [smem:$0x3FAA]  }
0x29: {  	s4 =	sld [smem:$0x3FAC]  }
0x2a: {  	p0 =	seq.s32 s5, $0x0;
	s5 =	sld [smem:$0x3FAD]  }
0x2b: {  	s6 =	sld [smem:$0x3FAE]  }
0x2c: {  	s7 =	sld [smem:$0x3FAF]  }
0x2d: {  	s3 =	simm.s32 $0x108;
	s8 =	sld [smem:$0x3FB0]  }
0x2e: {  	s3 =	simm.s32 @!p0 $0x1082;
	s9 =	sld [smem:$0x3FB1]  }
0x2f: {  	lr =	sadd.s32 s0, s3;
	s0 =	sld [smem:$0x3FA8]  }
0x30: {  	s3 =	sld [smem:$0x3FAB]  }
0x31: {  	[smem:$0x3FB4] =	sst s10  }
0x32: {  	s10 =	sld [smem:$0x3FB2];
	_ =	sdelay $0x3  }
0x33: {  	p0 =	seq.s32 s10, $0x1;
	s10 =	sld [smem:$0x3FB4];
	_ =	sdelay $0x3  }
0x34: {  	[smem:$0x3FB4] =	sst s10  }
0x35: {  	s10 =	sld [smem:$0x3FB3];
	_ =	sdelay $0x3  }
0x36: {  	p1 =	seq.s32 s10, $0x1;
	s10 =	sld [smem:$0x3FB4];
	_ =	sdelay $0x3  }
0x37: {  	[smem:$0x3FB4] =	sst s10  }
0x38: {  	s10 =	sld [smem:$0x3FB5]  }
0x39: {  	_ = 	snop;
	(pc) =	sbr.ind lr, $3  }
0x3a: {  	_ = 	snop  }
0x3b: {  	_ = 	snop  }
0x3c: {  	p2 =	seq.s32 s10, $0x1;
	s10 =	sld [smem:$0x3FB4]  }
0x3d: {  	_ =	shalt  }
0x3e: {  	_ =	shalt  }
0x3f: {  	_ =	shalt  }
0x40: {  	_ =	shalt  }
0x41: {  	_ =	shalt  }
0x42: {  	_ =	shalt  }
0x43: {  	_ =	shalt  }
0x44: {  	_ =	shalt  }
0x45: {  	_ =	shalt  }
0x46: {  	_ =	shalt  }
0x47: {  	_ =	shalt  }
0x48: {  	_ =	shalt  }
0x49: {  	_ =	shalt  }
0x4a: {  	_ =	shalt  }
0x4b: {  	_ =	shalt  }
0x4c: {  	_ =	shalt  }
0x4d: {  	_ =	shalt  }
0x4e: {  	_ =	shalt  }
0x4f: {  	_ =	shalt  }
0x50: {  	_ =	shalt  }
0x51: {  	_ =	shalt  }
0x52: {  	_ =	shalt  }
0x53: {  	_ =	shalt  }
0x54: {  	_ =	shalt  }
0x55: {  	_ =	shalt  }
0x56: {  	_ =	shalt  }
0x57: {  	_ =	shalt  }
0x58: {  	_ =	shalt  }
0x59: {  	_ =	shalt  }
0x5a: {  	_ =	shalt  }
0x5b: {  	_ =	shalt  }
0x5c: {  	_ =	shalt  }
0x5d: {  	_ =	shalt  }
0x5e: {  	_ =	shalt  }
0x5f: {  	_ =	shalt  }
0x60: {  	_ =	shalt  }
0x61: {  	_ =	shalt  }
0x62: {  	_ =	shalt  }
0x63: {  	_ =	shalt  }
0x64: {  	_ =	shalt  }
0x65: {  	_ =	shalt  }
0x66: {  	_ =	shalt  }
0x67: {  	_ =	shalt  }
0x68: {  	_ =	shalt  }
0x69: {  	_ =	shalt  }
0x6a: {  	_ =	shalt  }
0x6b: {  	_ =	shalt  }
0x6c: {  	_ =	shalt  }
0x6d: {  	_ =	shalt  }
0x6e: {  	_ =	shalt  }
0x6f: {  	_ =	shalt  }
0x70: {  	_ =	shalt  }
0x71: {  	_ =	shalt  }
0x72: {  	_ =	shalt  }
0x73: {  	_ =	shalt  }
0x74: {  	_ =	shalt  }
0x75: {  	_ =	shalt  }
0x76: {  	_ =	shalt  }
0x77: {  	_ =	shalt  }
0x78: {  	_ =	shalt  }
0x79: {  	_ =	shalt  }
0x7a: {  	_ =	shalt  }
0x7b: {  	_ =	shalt  }
0x7c: {  	_ =	shalt  }
0x7d: {  	_ =	shalt  }
0x7e: {  	_ =	shalt  }
0x7f: {  	_ =	shalt  }
0x80: {  	_ =	shalt  }
0x81: {  	_ =	shalt  }
0x82: {  	_ =	shalt  }
0x83: {  	_ =	shalt  }
0x84: {  	_ =	shalt  }
0x85: {  	_ =	shalt  }
0x86: {  	_ =	shalt  }
0x87: {  	_ =	shalt  }
.Lfunc_end0:
.L_simem_size_0:
called_computation_lowered:
.L_overlay_start_0:
0x88: {  	s2 =	sld [smem:$0x3FD9]  }
0x89: {  	s3 =	sld [smem:$0x3FFE];
	_ =	sdelay $0x1  }
0x8a: {  	s1 =	srdreg.scid  }
0x8b: {  	s0 =	sand.u32 $0x1, s1  }
0x8c: {  	s17 =	sshll.u32 s0, $0xA;
	s2 =	sadd.s32 s3, s2  }
0x8d: {  	s2 =	sadd.s32 s2, s17  }
0x8e: {  	[smem:$0x3FC0] =	sst s2  }
0x8f: {  	_ = 	snop  }
0x90: {  	s2 =	sld [smem:$0x3FD0];
	(tm) =	ssettm $0x1  }
0x91: {  	s18 =	sld [smem:$0x3FFB];
	_ =	sdelay $0x3  }
0x92: {  	_ =	strace s18  }
0x93: {  	s3 =	sld [smem:$0x3FFC];
	_ =	sdelay $0x3  }
0x94: {  	_ =	strace s3  }
0x95: {  	s3 =	sld [smem:$0x3FFD];
	_ =	sdelay $0x3  }
0x96: {  	_ =	strace s3  }
0x97: {  	_ =	strace $0x8FFFFFFF  }
0x98: {  	s19 =	sld [smem:$0x3FDB];
	_ =	sdelay $0x1  }
0x99: {  	s4 =	simm.s32 $_scs_section_size  }
0x9a: {  	s5 =	simm.s32 $_size__tile_overlayer_lowered;
	s6 =	simm.s32 $_tile_overlayer_lowered  }
0x9b: {  	s22 =	simm.s32 $0x1BFF;
	s21 =	sshll.u32 s6, $0x1;
	s3 =	sadd.s32 s4, s19  }
0x9c: {  	s7 =	simm.s32 $0x0;
	s20 =	sshll.u32 s5, $0x1;
	s5 =	sadd.s32 s21, s3  }
0x9d: {  	[timem:s7], [sflag:s22] =	dma.local [hbm:s5], s20  }
0x9e: {  	_ =	swait.ge [sflag:s22], s20  }
0x9f: {  	s4 =	ssub.s32 $0x0, s20;
	[sflag:s22] =	ssyncset.done $0x0  }
0xa0: {  	[sflag:s22] =	ssyncadd.s32 s4;
	_ =	sdelay $0x1  }
0xa1: {  	s23 =	simm.s32 $0x1B8B  }
0xa2: {  	_ =	swait.ge [sflag:s23], $0x1  }
0xa3: {  	[sflag:s23] =	ssyncset.done $0x0  }
0xa4: {  	s25 =	simm.s32 $0x1B8E;
	s24 =	sld [smem:$0x3FFE];
	[sflag:s23] =	ssyncadd.s32 $0xFFFFFFFF  }
0xa5: {  	s26 =	simm.s32 $execute0_lowered;
	[smem:$0x3FD2] =	sst s25  }
0xa6: {  	s5 =	sshll.u32 s26, $0x1;
	_ =	strace $0x80000046;
	[dreg:$0x1] =	wrdreg $0xFFFFFFFF  }
0xa7: {  	s28 =	simm.s32 $_size_execute0_lowered;
	s3 =	sadd.s32 s3, s5;
	[dreg:$0x0] =	wrdreg $0x0  }
0xa8: {  	s5 =	sshll.u32 s28, $0x1;
	[dreg:$0x2] =	wrdreg s3  }
0xa9: {  	[dreg:$0x3] =	wrdreg s5  }
0xaa: {  	[dreg:$0x4] =	wrdreg $0xC0  }
0xab: {  	_ =	task [dreg:s7], $0x5FFFF  }
0xac: {  	[dreg:$0x1] =	wrdreg $0xFFFFFFFF  }
0xad: {  	[dreg:$0x0] =	wrdreg $0x60  }
0xae: {  	[dreg:$0x2] =	wrdreg s24  }
0xaf: {  	[dreg:$0x3] =	wrdreg s2  }
0xb0: {  	[dreg:$0x4] =	wrdreg $0x0  }
0xb1: {  	[dreg:$0x5] =	wrdreg $0x9  }
0xb2: {  	_ =	task.clear_ibuf [dreg:s7], $0x6FFFF;
	_ =	strace $0x90000046  }
0xb3: {  	s29 =	simm.s32 $0x9;
	_ =	strace $0x80000048  }
0xb4: {  	_ =	swait.ge [sflag:s29], $0x1  }
0xb5: {  	[sflag:s29] =	ssyncadd.s32 $0xFFFFFFFF  }
0xb6: {  	_ =	strace $0x90000048  }
0xb7: {  	_ =	sfence  }
0xb8: {  	s30 =	sld [smem:$0x0];
	_ =	sdelay $0x2  }
0xb9: {  	s31 =	sshll.u32 s1, $0xD;
	s1 =	sshrl.u32 s1, $0x2  }
0xba: {  	s3 =	sand.u32 $0x4000, s31;
	s1 =	sadd.s32 s1, s30  }
0xbb: {  	s0 =	sor.u32 s3, s0;
	s1 =	sshll.u32 s1, $0x11  }
0xbc: {  	s0 =	sor.u32 s1, s0  }
0xbd: {  	s0 =	sadd.s32 $0x8F2B, s0  }
0xbe: {  	[sflag:s0] =	ssyncadd.remote.s32 $0x1  }
0xbf: {  	_ =	sfence.sel $0xFFFF  }
0xc0: {  	[dreg:$0x0] =	wrdreg $0xFFFFFFFF;
	(pc) =	sbr.abs _section_cstart, $3  }
0xc1: {  	[dreg:$0x1] =	wrdreg $0xFFFFFFFF  }
0xc2: {  	_ =	task.clear_ibuf [dreg:s7], $0x2FFFF;
	_ =	strace $0x9FFFFFFF  }
0xc3: {  	(tm) =	ssettm $0x7FFFFFFF  }
tec
execute0_lowered:
.L_overlay_start_1:
0x0: {  	(tag) =	ssettag $0x1  }
0x1: {  	s0 =	rddreg [dreg:$0x0]  }
0x2: {  	s1 =	rddreg [dreg:$0x1]  }
0x3: {  	s12 =	rddreg [dreg:$0x2]  }
0x4: {  	s4 =	simm.s32 $0x0;
	s2 =	stileid.u32;
	s3 =	srdreg.scid  }
0x5: {  	s18 =	simm.s32 $0x6;
	s30 =	simm.s32 $0x13D80;
	s28 =	simm.s32 $0x1CE00  }
0x6: {  	s13 =	simm.s32 $0x4;
	[smem:$0x7FF] =	sst s4;
	s7 =	smul.u32 $0x13C00, s2  }
0x7: {  	s3 =	sand.u32 $0x1, s3;
	s4 =	sadd.s32 $0x50E00, s0;
	s11 =	smul.u32 $0x4F000, s2  }
0x8: {  	s5 =	sadd.s32 $0x4E2E00, s0;
	s6 =	sadd.s32 $0x1E00, s0;
	s22 =	smul.u32 $0x2760, s2  }
0x9: {  	s24 =	sshll.u32 s2, $0x6;
	s25 =	smul.u32 $0x27600, s2;
	s15 =	smov.u32 s1  }
0xa: {  	_ =	strace $0x80000047;
	s8 =	smul.u32 $0x13C000, s3;
	s20 =	ssub.s32 $0x2, s3  }
0xb: {  	p0 =	seq.s32 s3, $0x0;
	s2 =	sor.u32 $0x1C06, s24;
	s24 =	simm.s32 $0x1  }
0xc: {  	s9 =	sshrl.u32 s7, $0x3;
	s10 =	sshrl.u32 s20, $0x1;
	s23 =	sshrl.u32 s11, $0x2  }
0xd: {  	s29 =	sshrl.u32 s22, $0x3;
	s11 =	sadd.s32 s5, s25;
	s31 =	sadd.s32 $0x30, s22  }
0xe: {  	s15 =	smov.u32 @p0 s4;
	[dreg:$0x5] =	wrdreg s2;
	s7 =	sadd.s32 s7, s8  }
0xf: {  	s9 =	sadd.s32 s9, s0;
	s21 =	ssub.s32 s20, s10;
	[dreg:$0x7] =	wrdreg s11  }
0x10: {  	s3 =	sadd.s32 s23, s12;
	s10 =	sadd.s32 s1, s29;
	[dreg:$0x8] =	wrdreg s31  }
0x11: {  	s8 =	sadd.s32 $0x60, s22;
	s7 =	sshrl.u32 s7, $0x3;
	s26 =	sadd.s32 $0x55E00, s9  }
0x12: {  	s9 =	sadd.s32 s4, s29;
	[dreg:$0x9] =	wrdreg s8;
	s4 =	smov.u32 @p0 s1  }
0x13: {  	s1 =	sshrl.u32 s3, $0x3;
	s0 =	sadd.s32 s7, s0;
	[dreg:$0x4] =	wrdreg s26  }
0x14: {  	s25 =	simm.s32 $0x3;
	[dreg:$0xd] =	wrdreg s1;
	s0 =	sadd.s32 $0x7D600, s0  }
0x15: {  	s7 =	smax.u32 s21, $0x1;
	[dreg:$0xa] =	wrdreg s0;
	s0 =	smov.u32 s10  }
0x16: {  	v2 =	vlaneseq.u32;
	s3 =	simm.s32 $0x0;
	[dreg:$0xc] =	wrdreg s7;
	s0 =	smov.u32 @p0 s9  }
0x17: {  	vm0 =	vmmov $0xffff;
	v1 =	vshrl.u32 v2, $0x3;
	s26 =	simm.s32 $0x30;
	s9 =	smov.u32 @p0 s10;
	[dreg:$0xb] =	wrdreg s0  }
0x18: {  	v0 =	vand.u32 $0x7, v2;
	v2 =	vor.u32 $0x8, v2;
	v1 =	vmul.u32 $0x8, v1;
	s7 =	simm.s32 $0x5;
	s10 =	simm.s32 $0x2;
	[dreg:$0x6] =	wrdreg s9  }
.LBB2_1:
0x19: {  	[dreg:$0xe] =	wrdreg s3  }
0x1a: {  	s0 =	rddreg [dreg:$0x4]  }
0x1b: {  	[spmem:s1], [sflag:s2] =	dma.local [hbm:s0], $0x2780  }
0x1c: {  	_ =	swait.ge [sflag:s18], $0x2780  }
0x1d: {  	[sflag:s18] =	ssyncset.done $0x0  }
0x1e: {  	[sflag:s18] =	ssyncadd.s32 $0xFFFFD880  }
0x1f: {  	[bflag:$0x0] =	sbarrier.arrive $0xFFFF  }
0x20: {  	s8 =	simm.s32 $0x0;
	s11 =	simm.s32 $0x13C00;
	s9 =	rddreg [dreg:$0xb]  }
0x21: {  	[tilespmem:s11], [sflag:$0x6] =	stream.linear.gather [hbm4b:s9+s8], $0x30, $0x38;
	[tilespmem:$0x1E600] =	vst v63  }
0x22: {  	_ =	swait.ge [sflag:s18], $0x30  }
0x23: {  	[sflag:s18] =	ssyncset.done $0x0  }
0x24: {  	s16 =	simm.s32 $0x13D00;
	s14 =	rddreg [dreg:$0x6];
	[sflag:s18] =	ssyncadd.s32 $0xFFFFFFD0  }
0x25: {  	[tilespmem:s16], [sflag:$0x3] =	stream.linear.gather [hbm4b:s14+s8], $0x30, $0x38;
	[tilespmem:$0x1E600] =	vst v63  }
0x26: {  	s19 =	simm.s32 $0x13E00;
	s17 =	rddreg [dreg:$0x7]  }
0x27: {  	[tilespmem:s19], [sflag:$0x3] =	stream.linear.gather [hbm4b:s17+s8], $0x1800, $0x38;
	[tilespmem:$0x1E600] =	vst v63  }
0x28: {  	v3 =	vld [tilespmem:$0x13C00];
	_ =	sdelay $0x4  }
0x29: {  	v4 =	vshll.u32 v3, $0x1  }
0x2a: {  	v3 =	vand.u32 $0x7, v3;
	v4 =	vand.u32 $0xFFFFFFF0, v4  }
0x2b: {  	v3 =	vor.u32 v3, v4  }
0x2c: {  	v4 =	vperm.xlane v3, v0;
	_ =	sdelay $0x1  }
0x2d: {  	v3 =	vperm.xlane v3, v2;
	v4 =	vadd.s32 v1, v4;
	_ =	sdelay $0x1  }
0x2e: {  	v3 =	vadd.s32 v1, v3;
	_ =	sdelay $0x1  }
0x2f: {  	s20 =	simm.s32 $0x16E00  }
0x30: {  	[tilespmem:s20], [sflag:$0x1] =	stream.indirect_vreg.gather [hbm4b:s6+s8], $0x80, v4, vm0, $0xb8;
	[tilespmem:$0x1E600] =	vst v63  }
0x31: {  	s21 =	simm.s32 $0x17600  }
0x32: {  	[tilespmem:s21], [sflag:$0x1] =	stream.indirect_vreg.gather [hbm4b:s6+s8], $0x80, v3, vm0, $0xb8;
	[tilespmem:$0x1E600] =	vst v63  }
0x33: {  	v3 =	vld [tilespmem:$0x13C10];
	_ =	sdelay $0x4  }
0x34: {  	v62 =	vshll.u32 v3, $0x1  }
0x35: {  	v3 =	vand.u32 $0x7, v3;
	v4 =	vand.u32 $0xFFFFFFF0, v62  }
0x36: {  	v3 =	vor.u32 v3, v4  }
0x37: {  	v4 =	vperm.xlane v3, v0;
	_ =	sdelay $0x1  }
0x38: {  	v3 =	vperm.xlane v3, v2;
	v4 =	vadd.s32 v1, v4;
	_ =	sdelay $0x1  }
0x39: {  	v3 =	vadd.s32 v1, v3;
	_ =	sdelay $0x1  }
0x3a: {  	s22 =	simm.s32 $0x17E00  }
0x3b: {  	[tilespmem:s22], [sflag:$0x1] =	stream.indirect_vreg.gather [hbm4b:s6+s8], $0x80, v4, vm0, $0xb8;
	[tilespmem:$0x1E600] =	vst v63  }
0x3c: {  	s23 =	simm.s32 $0x18600  }
0x3d: {  	[tilespmem:s23], [sflag:$0x1] =	stream.indirect_vreg.gather [hbm4b:s6+s8], $0x80, v3, vm0, $0xb8;
	[tilespmem:$0x1E600] =	vst v63  }
0x3e: {  	v3 =	vld [tilespmem:$0x13C20];
	_ =	sdelay $0x4  }
0x3f: {  	v63 =	vshll.u32 v3, $0x1  }
0x40: {  	v3 =	vand.u32 $0x7, v3;
	v4 =	vand.u32 $0xFFFFFFF0, v63  }
0x41: {  	v3 =	vor.u32 v3, v4  }
0x42: {  	v4 =	vperm.xlane v3, v0;
	_ =	sdelay $0x1  }
0x43: {  	v3 =	vperm.xlane v3, v2;
	v4 =	vadd.s32 v1, v4;
	_ =	sdelay $0x1  }
0x44: {  	v3 =	vadd.s32 v1, v3;
	_ =	sdelay $0x1  }
0x45: {  	s29 =	simm.s32 $0x18E00  }
0x46: {  	[tilespmem:s29], [sflag:$0x1] =	stream.indirect_vreg.gather [hbm4b:s6+s8], $0x80, v4, vm0, $0xb8;
	[tilespmem:$0x1E600] =	vst v63  }
0x47: {  	s31 =	simm.s32 $0x19600;
	s14 =	simm.s32 $0x0  }
0x48: {  	[tilespmem:s31], [sflag:$0x1] =	stream.indirect_vreg.gather [hbm4b:s6+s8], $0x80, v3, vm0, $0xb8;
	[tilespmem:$0x1E600] =	vst v63  }
.LBB2_2:
0x49: {  	s9 =	smul.u32 $0x60, s14  }
0x4a: {  	s0 =	rddreg [dreg:$0x8]  }
0x4b: {  	s0 =	sadd.s32 s9, s0  }
0x4c: {  	s1 =	sshrl.u32 s0, $0x3  }
0x4d: {  	s8 =	simm.s32 $0x0;
	s2 =	simm.s32 $0x13C80;
	s3 =	sadd.s32 s15, s1  }
0x4e: {  	[tilespmem:s2], [sflag:$0x6] =	stream.linear.gather [hbm4b:s3+s8], $0x30, $0x38;
	[tilespmem:$0x1E600] =	vst v63  }
0x4f: {  	_ =	swait.ge [sflag:s18], $0x30  }
0x50: {  	[sflag:s18] =	ssyncset.done $0x0  }
0x51: {  	s0 =	sshll.u32 s0, $0x4;
	s1 =	sadd.s32 s4, s1;
	[sflag:s18] =	ssyncadd.s32 $0xFFFFFFD0  }
0x52: {  	[tilespmem:s30], [sflag:$0x4] =	stream.linear.gather [hbm4b:s1+s8], $0x30, $0x38;
	[tilespmem:$0x1E600] =	vst v63  }
0x53: {  	s16 =	simm.s32 $0x15600;
	s0 =	sadd.s32 s5, s0  }
0x54: {  	[tilespmem:s16], [sflag:$0x4] =	stream.linear.gather [hbm4b:s0+s8], $0x1800, $0x38;
	[tilespmem:$0x1E600] =	vst v63  }
0x55: {  	v3 =	vld [tilespmem:$0x13C80];
	_ =	sdelay $0x4  }
0x56: {  	v4 =	vshll.u32 v3, $0x1  }
0x57: {  	v3 =	vand.u32 $0x7, v3;
	v4 =	vand.u32 $0xFFFFFFF0, v4  }
0x58: {  	v3 =	vor.u32 v3, v4  }
0x59: {  	v4 =	vperm.xlane v3, v0;
	_ =	sdelay $0x1  }
0x5a: {  	v3 =	vperm.xlane v3, v2;
	v4 =	vadd.s32 v1, v4;
	_ =	sdelay $0x1  }
0x5b: {  	v3 =	vadd.s32 v1, v3;
	_ =	sdelay $0x1  }
0x5c: {  	s17 =	simm.s32 $0x19E00  }
0x5d: {  	[tilespmem:s17], [sflag:$0x2] =	stream.indirect_vreg.gather [hbm4b:s6+s8], $0x80, v4, vm0, $0xb8;
	[tilespmem:$0x1E600] =	vst v63  }
0x5e: {  	s19 =	simm.s32 $0x1A600  }
0x5f: {  	[tilespmem:s19], [sflag:$0x2] =	stream.indirect_vreg.gather [hbm4b:s6+s8], $0x80, v3, vm0, $0xb8;
	[tilespmem:$0x1E600] =	vst v63  }
0x60: {  	v3 =	vld [tilespmem:$0x13C90];
	_ =	sdelay $0x4  }
0x61: {  	v62 =	vshll.u32 v3, $0x1  }
0x62: {  	v3 =	vand.u32 $0x7, v3;
	v4 =	vand.u32 $0xFFFFFFF0, v62  }
0x63: {  	v3 =	vor.u32 v3, v4  }
0x64: {  	v4 =	vperm.xlane v3, v0;
	_ =	sdelay $0x1  }
0x65: {  	v3 =	vperm.xlane v3, v2;
	v4 =	vadd.s32 v1, v4;
	_ =	sdelay $0x1  }
0x66: {  	v3 =	vadd.s32 v1, v3;
	_ =	sdelay $0x1  }
0x67: {  	s20 =	simm.s32 $0x1AE00  }
0x68: {  	[tilespmem:s20], [sflag:$0x2] =	stream.indirect_vreg.gather [hbm4b:s6+s8], $0x80, v4, vm0, $0xb8;
	[tilespmem:$0x1E600] =	vst v63  }
0x69: {  	s21 =	simm.s32 $0x1B600  }
0x6a: {  	[tilespmem:s21], [sflag:$0x2] =	stream.indirect_vreg.gather [hbm4b:s6+s8], $0x80, v3, vm0, $0xb8;
	[tilespmem:$0x1E600] =	vst v63  }
0x6b: {  	v3 =	vld [tilespmem:$0x13CA0];
	_ =	sdelay $0x4  }
0x6c: {  	v63 =	vshll.u32 v3, $0x1  }
0x6d: {  	v3 =	vand.u32 $0x7, v3;
	v4 =	vand.u32 $0xFFFFFFF0, v63  }
0x6e: {  	v3 =	vor.u32 v3, v4  }
0x6f: {  	v4 =	vperm.xlane v3, v0;
	_ =	sdelay $0x1  }
0x70: {  	v3 =	vperm.xlane v3, v2;
	v4 =	vadd.s32 v1, v4;
	_ =	sdelay $0x1  }
0x71: {  	v3 =	vadd.s32 v1, v3;
	_ =	sdelay $0x1  }
0x72: {  	s22 =	simm.s32 $0x1BE00  }
0x73: {  	[tilespmem:s22], [sflag:$0x2] =	stream.indirect_vreg.gather [hbm4b:s6+s8], $0x80, v4, vm0, $0xb8;
	[tilespmem:$0x1E600] =	vst v63  }
0x74: {  	s23 =	simm.s32 $0x1C600  }
0x75: {  	[tilespmem:s23], [sflag:$0x2] =	stream.indirect_vreg.gather [hbm4b:s6+s8], $0x80, v3, vm0, $0xb8;
	[tilespmem:$0x1E600] =	vst v63  }
0x76: {  	_ =	swait.ge [sflag:s24], $0x3000  }
0x77: {  	[sflag:s24] =	ssyncset.done $0x0  }
0x78: {  	[sflag:s24] =	ssyncadd.s32 $0xFFFFD000  }
0x79: {  	_ =	swait.ge [sflag:s25], $0x1800  }
0x7a: {  	[sflag:s25] =	ssyncset.done $0x0  }
0x7b: {  	p1 =	por $0x0, $0x0;
	[sflag:s25] =	ssyncadd.s32 $0xFFFFE800  }
0x7c: {  	s29 =	simm.s32 $0x0;
	s31 =	simm.s32 $0x0;
	_ =	swait.ge [sflag:s25], $0x30  }
0x7d: {  	s3 =	simm.s32 $0x1CF00;
	s16 =	simm.s32 $0x13F00;
	[sflag:s25] =	ssyncset.done $0x0  }
0x7e: {  	s0 =	simm.s32 $0x0;
	s17 =	simm.s32 $0xFFFFFFFC;
	[sflag:s25] =	ssyncadd.s32 $0xFFFFFFD0  }
.LBB2_3:
0x7f: {  	v3 =	vld [tilespmem:s16+$0xFFFFFF00];
	_ =	sdelay $0x4  }
0x80: {  	(v2sf) =	vpush v3, $0x0  }
0x81: {  	(v2sf) =	vpush v3, $0x2  }
0x82: {  	(v2sf) =	vpush v3, $0x1  }
0x83: {  	(v2sf) =	vpush v3, $0x3;
	_ =	sdelay $0x5  }
0x84: {  	s1 =	simm.s32 $0x1  }
0x85: {  	s1 =	simm.s32 @!p1 $0x0  }
0x86: {  	s21 =	sshll.u32 s1, $0x9  }
0x87: {  	s19 =	sand.u32 $0x3800, s31;
	s21 =	sadd.s32 s21, s31  }
0x88: {  	s22 =	sand.u32 $0x200, s8;
	s1 =	sadd.s32 $0x16E00, s19;
	s20 =	sor.u32 $0x400, s21  }
0x89: {  	s19 =	sadd.s32 s22, s1;
	v4 =	vld [tilespmem:s20+$0x16E00]  }
0x8a: {  	v3 =	vld [tilespmem:s19+$0x0];
	s23 =	spop (v2sf)  }
0x8b: {  	s22 =	spop (v2sf)  }
0x8c: {  	s20 =	spop (v2sf)  }
0x8d: {  	s2 =	spop (v2sf)  }
0x8e: {  	s22 =	smov.u32 @p0 s23;
	s2 =	smov.u32 @p0 s20  }
0x8f: {  	v3 =	vmul.f32 s22, v3;
	v4 =	vmul.f32 s2, v4;
	_ =	sdelay $0x1  }
0x90: {  	v3 =	vadd.f32 v4, v3;
	_ =	sdelay $0x1  }
0x91: {  	[tilespmem:s3+$0xFFFFFF00] =	vst v3  }
0x92: {  	s23 =	sor.u32 $0x410, s21;
	v3 =	vld [tilespmem:s19+$0x10]  }
0x93: {  	v33 =	vld [tilespmem:s23+$0x16E00];
	_ =	sdelay $0x4  }
0x94: {  	v3 =	vmul.f32 s22, v3;
	v4 =	vmul.f32 s2, v33;
	_ =	sdelay $0x1  }
0x95: {  	v3 =	vadd.f32 v4, v3;
	_ =	sdelay $0x1  }
0x96: {  	[tilespmem:s3+$0xFFFFFF10] =	vst v3  }
0x97: {  	s11 =	sor.u32 $0x420, s21;
	v3 =	vld [tilespmem:s19+$0x20]  }
0x98: {  	v34 =	vld [tilespmem:s11+$0x16E00];
	_ =	sdelay $0x4  }
0x99: {  	v3 =	vmul.f32 s22, v3;
	v4 =	vmul.f32 s2, v34;
	_ =	sdelay $0x1  }
0x9a: {  	v3 =	vadd.f32 v4, v3;
	_ =	sdelay $0x1  }
0x9b: {  	[tilespmem:s3+$0xFFFFFF20] =	vst v3  }
0x9c: {  	s23 =	sor.u32 $0x430, s21;
	v3 =	vld [tilespmem:s19+$0x30]  }
0x9d: {  	v35 =	vld [tilespmem:s23+$0x16E00];
	_ =	sdelay $0x4  }
0x9e: {  	v3 =	vmul.f32 s22, v3;
	v4 =	vmul.f32 s2, v35;
	_ =	sdelay $0x1  }
0x9f: {  	v3 =	vadd.f32 v4, v3;
	_ =	sdelay $0x1  }
0xa0: {  	[tilespmem:s3+$0xFFFFFF30] =	vst v3  }
0xa1: {  	s11 =	sor.u32 $0x440, s21;
	v3 =	vld [tilespmem:s19+$0x40]  }
0xa2: {  	v36 =	vld [tilespmem:s11+$0x16E00];
	_ =	sdelay $0x4  }
0xa3: {  	v3 =	vmul.f32 s22, v3;
	v4 =	vmul.f32 s2, v36;
	_ =	sdelay $0x1  }
0xa4: {  	v3 =	vadd.f32 v4, v3;
	_ =	sdelay $0x1  }
0xa5: {  	[tilespmem:s3+$0xFFFFFF40] =	vst v3  }
0xa6: {  	s23 =	sor.u32 $0x450, s21;
	v3 =	vld [tilespmem:s19+$0x50]  }
0xa7: {  	v37 =	vld [tilespmem:s23+$0x16E00];
	_ =	sdelay $0x4  }
0xa8: {  	v3 =	vmul.f32 s22, v3;
	v4 =	vmul.f32 s2, v37;
	_ =	sdelay $0x1  }
0xa9: {  	v3 =	vadd.f32 v4, v3;
	_ =	sdelay $0x1  }
0xaa: {  	[tilespmem:s3+$0xFFFFFF50] =	vst v3  }
0xab: {  	s11 =	sor.u32 $0x460, s21;
	v3 =	vld [tilespmem:s19+$0x60]  }
0xac: {  	v38 =	vld [tilespmem:s11+$0x16E00];
	_ =	sdelay $0x4  }
0xad: {  	v3 =	vmul.f32 s22, v3;
	v4 =	vmul.f32 s2, v38;
	_ =	sdelay $0x1  }
0xae: {  	v3 =	vadd.f32 v4, v3;
	_ =	sdelay $0x1  }
0xaf: {  	[tilespmem:s3+$0xFFFFFF60] =	vst v3  }
0xb0: {  	s20 =	sor.u32 $0x470, s21;
	v3 =	vld [tilespmem:s19+$0x70]  }
0xb1: {  	v39 =	vld [tilespmem:s20+$0x16E00];
	_ =	sdelay $0x4  }
0xb2: {  	v3 =	vmul.f32 s22, v3;
	v4 =	vmul.f32 s2, v39;
	_ =	sdelay $0x1  }
0xb3: {  	v3 =	vadd.f32 v4, v3;
	_ =	sdelay $0x1  }
0xb4: {  	[tilespmem:s3+$0xFFFFFF70] =	vst v3  }
0xb5: {  	v3 =	vld [tilespmem:s16+$0xFFFFFF80];
	_ =	sdelay $0x4  }
0xb6: {  	(v2sf) =	vpush v3, $0x0  }
0xb7: {  	(v2sf) =	vpush v3, $0x2  }
0xb8: {  	(v2sf) =	vpush v3, $0x1  }
0xb9: {  	(v2sf) =	vpush v3, $0x3;
	_ =	sdelay $0x5  }
0xba: {  	s21 =	sand.u32 $0x7, s0  }
0xbb: {  	s2 =	sshll.u32 s21, $0x7  }
0xbc: {  	s19 =	sadd.s32 s31, s2  }
0xbd: {  	s22 =	sadd.s32 $0x80, s8;
	s20 =	sadd.s32 $0x80, s19  }
0xbe: {  	s23 =	sand.u32 $0x280, s22;
	s11 =	sor.u32 $0x400, s20  }
0xbf: {  	s2 =	sadd.s32 s23, s1;
	v40 =	vld [tilespmem:s11+$0x16E00]  }
0xc0: {  	v3 =	vld [tilespmem:s2+$0x0];
	s22 =	spop (v2sf)  }
0xc1: {  	s21 =	spop (v2sf)  }
0xc2: {  	s23 =	spop (v2sf)  }
0xc3: {  	s11 =	spop (v2sf)  }
0xc4: {  	s21 =	smov.u32 @p0 s22;
	s11 =	smov.u32 @p0 s23  }
0xc5: {  	v3 =	vmul.f32 s21, v3;
	v4 =	vmul.f32 s11, v40;
	_ =	sdelay $0x1  }
0xc6: {  	v3 =	vadd.f32 v4, v3;
	_ =	sdelay $0x1  }
0xc7: {  	[tilespmem:s3+$0xFFFFFF80] =	vst v3  }
0xc8: {  	s23 =	sor.u32 $0x410, s20;
	v3 =	vld [tilespmem:s2+$0x10]  }
0xc9: {  	v41 =	vld [tilespmem:s23+$0x16E00];
	_ =	sdelay $0x4  }
0xca: {  	v3 =	vmul.f32 s21, v3;
	v4 =	vmul.f32 s11, v41;
	_ =	sdelay $0x1  }
0xcb: {  	v3 =	vadd.f32 v4, v3;
	_ =	sdelay $0x1  }
0xcc: {  	[tilespmem:s3+$0xFFFFFF90] =	vst v3  }
0xcd: {  	s23 =	sor.u32 $0x420, s20;
	v3 =	vld [tilespmem:s2+$0x20]  }
0xce: {  	v42 =	vld [tilespmem:s23+$0x16E00];
	_ =	sdelay $0x4  }
0xcf: {  	v3 =	vmul.f32 s21, v3;
	v4 =	vmul.f32 s11, v42;
	_ =	sdelay $0x1  }
0xd0: {  	v3 =	vadd.f32 v4, v3;
	_ =	sdelay $0x1  }
0xd1: {  	[tilespmem:s3+$0xFFFFFFA0] =	vst v3  }
0xd2: {  	s23 =	sor.u32 $0x430, s20;
	v3 =	vld [tilespmem:s2+$0x30]  }
0xd3: {  	v43 =	vld [tilespmem:s23+$0x16E00];
	_ =	sdelay $0x4  }
0xd4: {  	v3 =	vmul.f32 s21, v3;
	v4 =	vmul.f32 s11, v43;
	_ =	sdelay $0x1  }
0xd5: {  	v3 =	vadd.f32 v4, v3;
	_ =	sdelay $0x1  }
0xd6: {  	[tilespmem:s3+$0xFFFFFFB0] =	vst v3  }
0xd7: {  	s23 =	sor.u32 $0x440, s20;
	v3 =	vld [tilespmem:s2+$0x40]  }
0xd8: {  	v44 =	vld [tilespmem:s23+$0x16E00];
	_ =	sdelay $0x4  }
0xd9: {  	v3 =	vmul.f32 s21, v3;
	v4 =	vmul.f32 s11, v44;
	_ =	sdelay $0x1  }
0xda: {  	v3 =	vadd.f32 v4, v3;
	_ =	sdelay $0x1  }
0xdb: {  	[tilespmem:s3+$0xFFFFFFC0] =	vst v3  }
0xdc: {  	s23 =	sor.u32 $0x450, s20;
	v3 =	vld [tilespmem:s2+$0x50]  }
0xdd: {  	v45 =	vld [tilespmem:s23+$0x16E00];
	_ =	sdelay $0x4  }
0xde: {  	v3 =	vmul.f32 s21, v3;
	v4 =	vmul.f32 s11, v45;
	_ =	sdelay $0x1  }
0xdf: {  	v3 =	vadd.f32 v4, v3;
	_ =	sdelay $0x1  }
0xe0: {  	[tilespmem:s3+$0xFFFFFFD0] =	vst v3  }
0xe1: {  	s23 =	sor.u32 $0x460, s20;
	v3 =	vld [tilespmem:s2+$0x60]  }
0xe2: {  	v46 =	vld [tilespmem:s23+$0x16E00];
	_ =	sdelay $0x4  }
0xe3: {  	v3 =	vmul.f32 s21, v3;
	v4 =	vmul.f32 s11, v46;
	_ =	sdelay $0x1  }
0xe4: {  	v3 =	vadd.f32 v4, v3;
	_ =	sdelay $0x1  }
0xe5: {  	[tilespmem:s3+$0xFFFFFFE0] =	vst v3  }
0xe6: {  	s20 =	sor.u32 $0x470, s20;
	v3 =	vld [tilespmem:s2+$0x70]  }
0xe7: {  	v47 =	vld [tilespmem:s20+$0x16E00];
	_ =	sdelay $0x4  }
0xe8: {  	v3 =	vmul.f32 s21, v3;
	v4 =	vmul.f32 s11, v47;
	_ =	sdelay $0x1  }
0xe9: {  	v3 =	vadd.f32 v4, v3;
	_ =	sdelay $0x1  }
0xea: {  	[tilespmem:s3+$0xFFFFFFF0] =	vst v3  }
0xeb: {  	v3 =	vld [tilespmem:s16+$0x0];
	_ =	sdelay $0x4  }
0xec: {  	(v2sf) =	vpush v3, $0x0  }
0xed: {  	(v2sf) =	vpush v3, $0x2  }
0xee: {  	(v2sf) =	vpush v3, $0x1  }
0xef: {  	(v2sf) =	vpush v3, $0x3;
	_ =	sdelay $0x5  }
0xf0: {  	s21 =	sand.u32 $0x3, s29  }
0xf1: {  	s2 =	sshll.u32 s21, $0x8  }
0xf2: {  	s2 =	sadd.s32 s31, s2  }
0xf3: {  	s22 =	sadd.s32 $0x100, s8;
	s2 =	sadd.s32 $0x100, s2  }
0xf4: {  	s11 =	sand.u32 $0x300, s22;
	s23 =	sor.u32 $0x400, s2  }
0xf5: {  	s11 =	sadd.s32 s11, s1;
	v48 =	vld [tilespmem:s23+$0x16E00]  }
0xf6: {  	v3 =	vld [tilespmem:s11+$0x0];
	s21 =	spop (v2sf)  }
0xf7: {  	s20 =	spop (v2sf)  }
0xf8: {  	s22 =	spop (v2sf)  }
0xf9: {  	s23 =	spop (v2sf)  }
0xfa: {  	s20 =	smov.u32 @p0 s21;
	s23 =	smov.u32 @p0 s22  }
0xfb: {  	v3 =	vmul.f32 s20, v3;
	v4 =	vmul.f32 s23, v48;
	_ =	sdelay $0x1  }
0xfc: {  	v3 =	vadd.f32 v4, v3;
	_ =	sdelay $0x1  }
0xfd: {  	[tilespmem:s3+$0x0] =	vst v3  }
0xfe: {  	s22 =	sor.u32 $0x410, s2;
	v3 =	vld [tilespmem:s11+$0x10]  }
0xff: {  	v49 =	vld [tilespmem:s22+$0x16E00];
	_ =	sdelay $0x4  }
0x100: {  	v3 =	vmul.f32 s20, v3;
	v4 =	vmul.f32 s23, v49;
	_ =	sdelay $0x1  }
0x101: {  	v3 =	vadd.f32 v4, v3;
	_ =	sdelay $0x1  }
0x102: {  	[tilespmem:s3+$0x10] =	vst v3  }
0x103: {  	s22 =	sor.u32 $0x420, s2;
	v3 =	vld [tilespmem:s11+$0x20]  }
0x104: {  	v50 =	vld [tilespmem:s22+$0x16E00];
	_ =	sdelay $0x4  }
0x105: {  	v3 =	vmul.f32 s20, v3;
	v4 =	vmul.f32 s23, v50;
	_ =	sdelay $0x1  }
0x106: {  	v3 =	vadd.f32 v4, v3;
	_ =	sdelay $0x1  }
0x107: {  	[tilespmem:s3+$0x20] =	vst v3  }
0x108: {  	s22 =	sor.u32 $0x430, s2;
	v3 =	vld [tilespmem:s11+$0x30]  }
0x109: {  	v51 =	vld [tilespmem:s22+$0x16E00];
	_ =	sdelay $0x4  }
0x10a: {  	v3 =	vmul.f32 s20, v3;
	v4 =	vmul.f32 s23, v51;
	_ =	sdelay $0x1  }
0x10b: {  	v3 =	vadd.f32 v4, v3;
	_ =	sdelay $0x1  }
0x10c: {  	[tilespmem:s3+$0x30] =	vst v3  }
0x10d: {  	s22 =	sor.u32 $0x440, s2;
	v3 =	vld [tilespmem:s11+$0x40]  }
0x10e: {  	v52 =	vld [tilespmem:s22+$0x16E00];
	_ =	sdelay $0x4  }
0x10f: {  	v3 =	vmul.f32 s20, v3;
	v4 =	vmul.f32 s23, v52;
	_ =	sdelay $0x1  }
0x110: {  	v3 =	vadd.f32 v4, v3;
	_ =	sdelay $0x1  }
0x111: {  	[tilespmem:s3+$0x40] =	vst v3  }
0x112: {  	s22 =	sor.u32 $0x450, s2;
	v3 =	vld [tilespmem:s11+$0x50]  }
0x113: {  	v53 =	vld [tilespmem:s22+$0x16E00];
	_ =	sdelay $0x4  }
0x114: {  	v3 =	vmul.f32 s20, v3;
	v4 =	vmul.f32 s23, v53;
	_ =	sdelay $0x1  }
0x115: {  	v3 =	vadd.f32 v4, v3;
	_ =	sdelay $0x1  }
0x116: {  	[tilespmem:s3+$0x50] =	vst v3  }
0x117: {  	s22 =	sor.u32 $0x460, s2;
	v3 =	vld [tilespmem:s11+$0x60]  }
0x118: {  	v54 =	vld [tilespmem:s22+$0x16E00];
	_ =	sdelay $0x4  }
0x119: {  	v3 =	vmul.f32 s20, v3;
	v4 =	vmul.f32 s23, v54;
	_ =	sdelay $0x1  }
0x11a: {  	v3 =	vadd.f32 v4, v3;
	_ =	sdelay $0x1  }
0x11b: {  	[tilespmem:s3+$0x60] =	vst v3  }
0x11c: {  	s2 =	sor.u32 $0x470, s2;
	v3 =	vld [tilespmem:s11+$0x70]  }
0x11d: {  	v55 =	vld [tilespmem:s2+$0x16E00];
	_ =	sdelay $0x4  }
0x11e: {  	v3 =	vmul.f32 s20, v3;
	v4 =	vmul.f32 s23, v55;
	_ =	sdelay $0x1  }
0x11f: {  	v3 =	vadd.f32 v4, v3;
	_ =	sdelay $0x1  }
0x120: {  	[tilespmem:s3+$0x70] =	vst v3  }
0x121: {  	v3 =	vld [tilespmem:s16+$0x80];
	_ =	sdelay $0x4  }
0x122: {  	(v2sf) =	vpush v3, $0x0  }
0x123: {  	(v2sf) =	vpush v3, $0x2  }
0x124: {  	(v2sf) =	vpush v3, $0x1  }
0x125: {  	(v2sf) =	vpush v3, $0x3;
	_ =	sdelay $0x6  }
0x126: {  	s21 =	sadd.s32 $0x180, s8  }
0x127: {  	s2 =	sand.u32 $0x380, s21  }
0x128: {  	s1 =	sadd.s32 s2, s1;
	s2 =	sadd.s32 $0x180, s19  }
0x129: {  	s22 =	sor.u32 $0x400, s2  }
0x12a: {  	v56 =	vld [tilespmem:s22+$0x16E00]  }
0x12b: {  	v3 =	vld [tilespmem:s1+$0x0];
	s19 =	spop (v2sf)  }
0x12c: {  	s11 =	spop (v2sf)  }
0x12d: {  	s20 =	spop (v2sf)  }
0x12e: {  	s21 =	spop (v2sf)  }
0x12f: {  	s11 =	smov.u32 @p0 s19;
	s21 =	smov.u32 @p0 s20  }
0x130: {  	v3 =	vmul.f32 s11, v3;
	v4 =	vmul.f32 s21, v56;
	_ =	sdelay $0x1  }
0x131: {  	v3 =	vadd.f32 v4, v3;
	_ =	sdelay $0x1  }
0x132: {  	[tilespmem:s3+$0x80] =	vst v3  }
0x133: {  	s23 =	sor.u32 $0x410, s2;
	v3 =	vld [tilespmem:s1+$0x10]  }
0x134: {  	v57 =	vld [tilespmem:s23+$0x16E00];
	_ =	sdelay $0x4  }
0x135: {  	v3 =	vmul.f32 s11, v3;
	v4 =	vmul.f32 s21, v57;
	_ =	sdelay $0x1  }
0x136: {  	v3 =	vadd.f32 v4, v3;
	_ =	sdelay $0x1  }
0x137: {  	[tilespmem:s3+$0x90] =	vst v3  }
0x138: {  	s20 =	sor.u32 $0x420, s2;
	v3 =	vld [tilespmem:s1+$0x20]  }
0x139: {  	v58 =	vld [tilespmem:s20+$0x16E00];
	_ =	sdelay $0x4  }
0x13a: {  	v3 =	vmul.f32 s11, v3;
	v4 =	vmul.f32 s21, v58;
	_ =	sdelay $0x1  }
0x13b: {  	v3 =	vadd.f32 v4, v3;
	_ =	sdelay $0x1  }
0x13c: {  	[tilespmem:s3+$0xA0] =	vst v3  }
0x13d: {  	s22 =	sor.u32 $0x430, s2;
	v3 =	vld [tilespmem:s1+$0x30]  }
0x13e: {  	v59 =	vld [tilespmem:s22+$0x16E00];
	_ =	sdelay $0x4  }
0x13f: {  	v3 =	vmul.f32 s11, v3;
	v4 =	vmul.f32 s21, v59;
	_ =	sdelay $0x1  }
0x140: {  	v3 =	vadd.f32 v4, v3;
	_ =	sdelay $0x1  }
0x141: {  	[tilespmem:s3+$0xB0] =	vst v3  }
0x142: {  	s23 =	sor.u32 $0x440, s2;
	v3 =	vld [tilespmem:s1+$0x40]  }
0x143: {  	v60 =	vld [tilespmem:s23+$0x16E00];
	_ =	sdelay $0x4  }
0x144: {  	v3 =	vmul.f32 s11, v3;
	v4 =	vmul.f32 s21, v60;
	_ =	sdelay $0x1  }
0x145: {  	v3 =	vadd.f32 v4, v3;
	_ =	sdelay $0x1  }
0x146: {  	[tilespmem:s3+$0xC0] =	vst v3  }
0x147: {  	s20 =	sor.u32 $0x450, s2;
	v3 =	vld [tilespmem:s1+$0x50]  }
0x148: {  	v61 =	vld [tilespmem:s20+$0x16E00];
	_ =	sdelay $0x4  }
0x149: {  	v3 =	vmul.f32 s11, v3;
	v4 =	vmul.f32 s21, v61;
	_ =	sdelay $0x1  }
0x14a: {  	v3 =	vadd.f32 v4, v3;
	_ =	sdelay $0x1  }
0x14b: {  	[tilespmem:s3+$0xD0] =	vst v3  }
0x14c: {  	s22 =	sor.u32 $0x460, s2;
	v3 =	vld [tilespmem:s1+$0x60]  }
0x14d: {  	v62 =	vld [tilespmem:s22+$0x16E00];
	_ =	sdelay $0x4  }
0x14e: {  	v3 =	vmul.f32 s11, v3;
	v4 =	vmul.f32 s21, v62;
	_ =	sdelay $0x1  }
0x14f: {  	v3 =	vadd.f32 v4, v3;
	_ =	sdelay $0x1  }
0x150: {  	[tilespmem:s3+$0xE0] =	vst v3  }
0x151: {  	s23 =	sor.u32 $0x470, s2;
	v3 =	vld [tilespmem:s1+$0x70]  }
0x152: {  	v63 =	vld [tilespmem:s23+$0x16E00];
	_ =	sdelay $0x2  }
0x153: {  	s17 =	sadd.s32 $0x4, s17  }
0x154: {  	p2 =	slt.u32 s17, $0x2C  }
.Ltmp0:
0x155: {  	v3 =	vmul.f32 s11, v3;
	v4 =	vmul.f32 s21, v63;
	(pc) =	sbr.rel @p2 .LBB2_3-.Ltmp0, $4  }
0x156: {  	_ = 	snop  }
0x157: {  	p1 =	por !p1, !p1;
	v3 =	vadd.f32 v4, v3  }
0x158: {  	s0 =	sadd.s32 $0x4, s0;
	s29 =	sadd.s32 $0x2, s29;
	s31 =	sadd.s32 $0x400, s31  }
0x159: {  	s8 =	sadd.s32 $0x200, s8;
	s16 =	sadd.s32 $0x200, s16;
	[tilespmem:s3+$0xF0] =	vst v3;
	s3 =	sadd.s32 $0x200, s3  }
0x15a: {  	s0 =	simm.s32 $0x13D00  }
0x15b: {  	[spmem:s12] =	stream.indirect.scatter.add.f32 [tilespmem:s28], [sflag:$0x5], $0x80, s0, s26, $0xb8;
	[tilespmem:$0x1E600] =	vst v63  }
0x15c: {  	_ =	swait.ge [sflag:s7], $0x1800  }
0x15d: {  	p1 =	seq.s32 s14, $0x68;
	s0 =	rddreg [dreg:$0x9]  }
0x15e: {  	s0 =	sadd.s32 @!p1 s9, s0  }
0x15f: {  	s3 =	simm.s32 @!p1 $0x0;
	[sflag:s7] =	ssyncset.done $0x0;
	s1 =	sshrl.u32 @!p1 s0, $0x3  }
0x160: {  	s8 =	simm.s32 @!p1 $0x13C00;
	[sflag:s7] =	ssyncadd.s32 $0xFFFFE800;
	s2 =	sadd.s32 @!p1 s15, s1  }
0x161: {  	[tilespmem:s8], [sflag:$0x6] =	stream.linear.gather @!p1 [hbm4b:s2+s3], $0x30, $0x38;
	[tilespmem:$0x1E600] =	vst v63  }
0x162: {  	s2 =	simm.s32 @!p1 $0x6  }
0x163: {  	_ =	swait.ge @!p1 [sflag:s2], $0x30  }
0x164: {  	s0 =	sshll.u32 @!p1 s0, $0x4;
	[sflag:s2] =	ssyncset.done @!p1 $0x0  }
0x165: {  	s1 =	sadd.s32 @!p1 s4, s1;
	[sflag:s2] =	ssyncadd.s32 @!p1 $0xFFFFFFD0;
	s2 =	simm.s32 @!p1 $0x13D00  }
0x166: {  	[tilespmem:s2], [sflag:$0x3] =	stream.linear.gather @!p1 [hbm4b:s1+s3], $0x30, $0x38;
	[tilespmem:$0x1E600] =	vst v63  }
0x167: {  	s0 =	sadd.s32 @!p1 s5, s0;
	s1 =	simm.s32 @!p1 $0x13E00  }
0x168: {  	[tilespmem:s1], [sflag:$0x3] =	stream.linear.gather @!p1 [hbm4b:s0+s3], $0x1800, $0x38;
	[tilespmem:$0x1E600] =	vst v63  }
0x169: {  	v3 =	vld @!p1 [tilespmem:$0x13C00];
	_ =	sdelay $0x4  }
0x16a: {  	v4 =	vshll.u32 @!p1 v3, $0x1  }
0x16b: {  	v5 =	vlaneseq.u32 @!p1;
	v3 =	vand.u32 @!p1 $0x7, v3;
	v4 =	vand.u32 @!p1 $0xFFFFFFF0, v4  }
0x16c: {  	v6 =	vshrl.u32 @!p1 v5, $0x3;
	v3 =	vor.u32 @!p1 v3, v4;
	v4 =	vand.u32 @!p1 $0x7, v5  }
0x16d: {  	v6 =	vmul.u32 @!p1 $0x8, v6;
	v7 =	vperm.xlane @!p1 v3, v4  }
0x16e: {  	v5 =	vor.u32 @!p1 $0x8, v5  }
0x16f: {  	v3 =	vperm.xlane @!p1 v3, v5;
	v7 =	vadd.s32 @!p1 v6, v7;
	_ =	sdelay $0x1  }
0x170: {  	v3 =	vadd.s32 @!p1 v6, v3;
	_ =	sdelay $0x1  }
0x171: {  	vm1 =	vmmov @!p1 $0xffff;
	s0 =	simm.s32 @!p1 $0x16E00  }
0x172: {  	[tilespmem:s0], [sflag:$0x1] =	stream.indirect_vreg.gather @!p1 [hbm4b:s6+s3], $0x80, v7, vm1, $0xb8;
	[tilespmem:$0x1E600] =	vst v63  }
0x173: {  	s0 =	simm.s32 @!p1 $0x17600  }
0x174: {  	[tilespmem:s0], [sflag:$0x1] =	stream.indirect_vreg.gather @!p1 [hbm4b:s6+s3], $0x80, v3, vm1, $0xb8;
	[tilespmem:$0x1E600] =	vst v63  }
0x175: {  	v3 =	vld @!p1 [tilespmem:$0x13C10];
	_ =	sdelay $0x4  }
0x176: {  	v7 =	vshll.u32 @!p1 v3, $0x1  }
0x177: {  	v3 =	vand.u32 @!p1 $0x7, v3;
	v7 =	vand.u32 @!p1 $0xFFFFFFF0, v7  }
0x178: {  	v3 =	vor.u32 @!p1 v3, v7  }
0x179: {  	v7 =	vperm.xlane @!p1 v3, v4;
	_ =	sdelay $0x1  }
0x17a: {  	v3 =	vperm.xlane @!p1 v3, v5;
	v7 =	vadd.s32 @!p1 v6, v7;
	_ =	sdelay $0x1  }
0x17b: {  	v3 =	vadd.s32 @!p1 v6, v3;
	_ =	sdelay $0x1  }
0x17c: {  	s0 =	simm.s32 @!p1 $0x17E00  }
0x17d: {  	[tilespmem:s0], [sflag:$0x1] =	stream.indirect_vreg.gather @!p1 [hbm4b:s6+s3], $0x80, v7, vm1, $0xb8;
	[tilespmem:$0x1E600] =	vst v63  }
0x17e: {  	s0 =	simm.s32 @!p1 $0x18600  }
0x17f: {  	[tilespmem:s0], [sflag:$0x1] =	stream.indirect_vreg.gather @!p1 [hbm4b:s6+s3], $0x80, v3, vm1, $0xb8;
	[tilespmem:$0x1E600] =	vst v63  }
0x180: {  	v3 =	vld @!p1 [tilespmem:$0x13C20];
	_ =	sdelay $0x4  }
0x181: {  	v7 =	vshll.u32 @!p1 v3, $0x1  }
0x182: {  	v3 =	vand.u32 @!p1 $0x7, v3;
	v7 =	vand.u32 @!p1 $0xFFFFFFF0, v7  }
0x183: {  	v3 =	vor.u32 @!p1 v3, v7  }
0x184: {  	v4 =	vperm.xlane @!p1 v3, v4;
	_ =	sdelay $0x1  }
0x185: {  	v3 =	vperm.xlane @!p1 v3, v5;
	v4 =	vadd.s32 @!p1 v6, v4;
	_ =	sdelay $0x1  }
0x186: {  	v3 =	vadd.s32 @!p1 v6, v3;
	_ =	sdelay $0x1  }
0x187: {  	s0 =	simm.s32 @!p1 $0x18E00  }
0x188: {  	[tilespmem:s0], [sflag:$0x1] =	stream.indirect_vreg.gather @!p1 [hbm4b:s6+s3], $0x80, v4, vm1, $0xb8;
	[tilespmem:$0x1E600] =	vst v63  }
0x189: {  	s0 =	simm.s32 @!p1 $0x19600  }
0x18a: {  	[tilespmem:s0], [sflag:$0x1] =	stream.indirect_vreg.gather @!p1 [hbm4b:s6+s3], $0x80, v3, vm1, $0xb8;
	[tilespmem:$0x1E600] =	vst v63  }
0x18b: {  	_ =	swait.ge [sflag:s10], $0x3000  }
0x18c: {  	[sflag:s10] =	ssyncset.done $0x0  }
0x18d: {  	[sflag:s10] =	ssyncadd.s32 $0xFFFFD000  }
0x18e: {  	_ =	swait.ge [sflag:s13], $0x1800  }
0x18f: {  	[sflag:s13] =	ssyncset.done $0x0  }
0x190: {  	s16 =	simm.s32 $0x15700;
	s17 =	simm.s32 $0x0;
	[sflag:s13] =	ssyncadd.s32 $0xFFFFE800  }
0x191: {  	s29 =	simm.s32 $0x0;
	s9 =	simm.s32 $0x0;
	_ =	swait.ge [sflag:s13], $0x30  }
0x192: {  	s8 =	simm.s32 $0xFFFFFFFC;
	p1 =	por $0x0, $0x0;
	[sflag:s13] =	ssyncset.done $0x0  }
0x193: {  	s3 =	simm.s32 $0x1CF00;
	s0 =	simm.s32 $0x0;
	[sflag:s13] =	ssyncadd.s32 $0xFFFFFFD0  }
.LBB2_5:
0x194: {  	v3 =	vld [tilespmem:s16+$0xFFFFFF00];
	_ =	sdelay $0x4  }
0x195: {  	(v2sf) =	vpush v3, $0x0  }
0x196: {  	(v2sf) =	vpush v3, $0x2  }
0x197: {  	(v2sf) =	vpush v3, $0x1  }
0x198: {  	(v2sf) =	vpush v3, $0x3;
	_ =	sdelay $0x5  }
0x199: {  	s1 =	simm.s32 $0x1  }
0x19a: {  	s1 =	simm.s32 @!p1 $0x0  }
0x19b: {  	s11 =	sshll.u32 s1, $0x9  }
0x19c: {  	s2 =	sand.u32 $0x3800, s29;
	s11 =	sadd.s32 s11, s29  }
0x19d: {  	s19 =	sand.u32 $0x200, s9;
	s1 =	sadd.s32 $0x19E00, s2;
	s31 =	sor.u32 $0x400, s11  }
0x19e: {  	s2 =	sadd.s32 s19, s1;
	v4 =	vld [tilespmem:s31+$0x19E00]  }
0x19f: {  	v3 =	vld [tilespmem:s2+$0x0];
	s20 =	spop (v2sf)  }
0x1a0: {  	s19 =	spop (v2sf)  }
0x1a1: {  	s21 =	spop (v2sf)  }
0x1a2: {  	s22 =	spop (v2sf)  }
0x1a3: {  	s19 =	smov.u32 @p0 s20;
	s22 =	smov.u32 @p0 s21  }
0x1a4: {  	v3 =	vmul.f32 s19, v3;
	v4 =	vmul.f32 s22, v4;
	_ =	sdelay $0x1  }
0x1a5: {  	v3 =	vadd.f32 v4, v3;
	_ =	sdelay $0x1  }
0x1a6: {  	[tilespmem:s3+$0xFFFFFF00] =	vst v3  }
0x1a7: {  	s21 =	sor.u32 $0x410, s11;
	v3 =	vld [tilespmem:s2+$0x10]  }
0x1a8: {  	v33 =	vld [tilespmem:s21+$0x19E00];
	_ =	sdelay $0x4  }
0x1a9: {  	v3 =	vmul.f32 s19, v3;
	v4 =	vmul.f32 s22, v33;
	_ =	sdelay $0x1  }
0x1aa: {  	v3 =	vadd.f32 v4, v3;
	_ =	sdelay $0x1  }
0x1ab: {  	[tilespmem:s3+$0xFFFFFF10] =	vst v3  }
0x1ac: {  	s23 =	sor.u32 $0x420, s11;
	v3 =	vld [tilespmem:s2+$0x20]  }
0x1ad: {  	v34 =	vld [tilespmem:s23+$0x19E00];
	_ =	sdelay $0x4  }
0x1ae: {  	v3 =	vmul.f32 s19, v3;
	v4 =	vmul.f32 s22, v34;
	_ =	sdelay $0x1  }
0x1af: {  	v3 =	vadd.f32 v4, v3;
	_ =	sdelay $0x1  }
0x1b0: {  	[tilespmem:s3+$0xFFFFFF20] =	vst v3  }
0x1b1: {  	s31 =	sor.u32 $0x430, s11;
	v3 =	vld [tilespmem:s2+$0x30]  }
0x1b2: {  	v35 =	vld [tilespmem:s31+$0x19E00];
	_ =	sdelay $0x4  }
0x1b3: {  	v3 =	vmul.f32 s19, v3;
	v4 =	vmul.f32 s22, v35;
	_ =	sdelay $0x1  }
0x1b4: {  	v3 =	vadd.f32 v4, v3;
	_ =	sdelay $0x1  }
0x1b5: {  	[tilespmem:s3+$0xFFFFFF30] =	vst v3  }
0x1b6: {  	s21 =	sor.u32 $0x440, s11;
	v3 =	vld [tilespmem:s2+$0x40]  }
0x1b7: {  	v36 =	vld [tilespmem:s21+$0x19E00];
	_ =	sdelay $0x4  }
0x1b8: {  	v3 =	vmul.f32 s19, v3;
	v4 =	vmul.f32 s22, v36;
	_ =	sdelay $0x1  }
0x1b9: {  	v3 =	vadd.f32 v4, v3;
	_ =	sdelay $0x1  }
0x1ba: {  	[tilespmem:s3+$0xFFFFFF40] =	vst v3  }
0x1bb: {  	s23 =	sor.u32 $0x450, s11;
	v3 =	vld [tilespmem:s2+$0x50]  }
0x1bc: {  	v37 =	vld [tilespmem:s23+$0x19E00];
	_ =	sdelay $0x4  }
0x1bd: {  	v3 =	vmul.f32 s19, v3;
	v4 =	vmul.f32 s22, v37;
	_ =	sdelay $0x1  }
0x1be: {  	v3 =	vadd.f32 v4, v3;
	_ =	sdelay $0x1  }
0x1bf: {  	[tilespmem:s3+$0xFFFFFF50] =	vst v3  }
0x1c0: {  	s31 =	sor.u32 $0x460, s11;
	v3 =	vld [tilespmem:s2+$0x60]  }
0x1c1: {  	v38 =	vld [tilespmem:s31+$0x19E00];
	_ =	sdelay $0x4  }
0x1c2: {  	v3 =	vmul.f32 s19, v3;
	v4 =	vmul.f32 s22, v38;
	_ =	sdelay $0x1  }
0x1c3: {  	v3 =	vadd.f32 v4, v3;
	_ =	sdelay $0x1  }
0x1c4: {  	[tilespmem:s3+$0xFFFFFF60] =	vst v3  }
0x1c5: {  	s20 =	sor.u32 $0x470, s11;
	v3 =	vld [tilespmem:s2+$0x70]  }
0x1c6: {  	v39 =	vld [tilespmem:s20+$0x19E00];
	_ =	sdelay $0x4  }
0x1c7: {  	v3 =	vmul.f32 s19, v3;
	v4 =	vmul.f32 s22, v39;
	_ =	sdelay $0x1  }
0x1c8: {  	v3 =	vadd.f32 v4, v3;
	_ =	sdelay $0x1  }
0x1c9: {  	[tilespmem:s3+$0xFFFFFF70] =	vst v3  }
0x1ca: {  	v3 =	vld [tilespmem:s16+$0xFFFFFF80];
	_ =	sdelay $0x4  }
0x1cb: {  	(v2sf) =	vpush v3, $0x0  }
0x1cc: {  	(v2sf) =	vpush v3, $0x2  }
0x1cd: {  	(v2sf) =	vpush v3, $0x1  }
0x1ce: {  	(v2sf) =	vpush v3, $0x3;
	_ =	sdelay $0x5  }
0x1cf: {  	s21 =	sand.u32 $0x7, s0  }
0x1d0: {  	s2 =	sshll.u32 s21, $0x7  }
0x1d1: {  	s19 =	sadd.s32 s29, s2  }
0x1d2: {  	s22 =	sadd.s32 $0x80, s9;
	s11 =	sadd.s32 $0x80, s19  }
0x1d3: {  	s23 =	sand.u32 $0x280, s22;
	s31 =	sor.u32 $0x400, s11  }
0x1d4: {  	s2 =	sadd.s32 s23, s1;
	v40 =	vld [tilespmem:s31+$0x19E00]  }
0x1d5: {  	v3 =	vld [tilespmem:s2+$0x0];
	s21 =	spop (v2sf)  }
0x1d6: {  	s20 =	spop (v2sf)  }
0x1d7: {  	s22 =	spop (v2sf)  }
0x1d8: {  	s23 =	spop (v2sf)  }
0x1d9: {  	s20 =	smov.u32 @p0 s21;
	s23 =	smov.u32 @p0 s22  }
0x1da: {  	v3 =	vmul.f32 s20, v3;
	v4 =	vmul.f32 s23, v40;
	_ =	sdelay $0x1  }
0x1db: {  	v3 =	vadd.f32 v4, v3;
	_ =	sdelay $0x1  }
0x1dc: {  	[tilespmem:s3+$0xFFFFFF80] =	vst v3  }
0x1dd: {  	s22 =	sor.u32 $0x410, s11;
	v3 =	vld [tilespmem:s2+$0x10]  }
0x1de: {  	v41 =	vld [tilespmem:s22+$0x19E00];
	_ =	sdelay $0x4  }
0x1df: {  	v3 =	vmul.f32 s20, v3;
	v4 =	vmul.f32 s23, v41;
	_ =	sdelay $0x1  }
0x1e0: {  	v3 =	vadd.f32 v4, v3;
	_ =	sdelay $0x1  }
0x1e1: {  	[tilespmem:s3+$0xFFFFFF90] =	vst v3  }
0x1e2: {  	s31 =	sor.u32 $0x420, s11;
	v3 =	vld [tilespmem:s2+$0x20]  }
0x1e3: {  	v42 =	vld [tilespmem:s31+$0x19E00];
	_ =	sdelay $0x4  }
0x1e4: {  	v3 =	vmul.f32 s20, v3;
	v4 =	vmul.f32 s23, v42;
	_ =	sdelay $0x1  }
0x1e5: {  	v3 =	vadd.f32 v4, v3;
	_ =	sdelay $0x1  }
0x1e6: {  	[tilespmem:s3+$0xFFFFFFA0] =	vst v3  }
0x1e7: {  	s22 =	sor.u32 $0x430, s11;
	v3 =	vld [tilespmem:s2+$0x30]  }
0x1e8: {  	v43 =	vld [tilespmem:s22+$0x19E00];
	_ =	sdelay $0x4  }
0x1e9: {  	v3 =	vmul.f32 s20, v3;
	v4 =	vmul.f32 s23, v43;
	_ =	sdelay $0x1  }
0x1ea: {  	v3 =	vadd.f32 v4, v3;
	_ =	sdelay $0x1  }
0x1eb: {  	[tilespmem:s3+$0xFFFFFFB0] =	vst v3  }
0x1ec: {  	s31 =	sor.u32 $0x440, s11;
	v3 =	vld [tilespmem:s2+$0x40]  }
0x1ed: {  	v44 =	vld [tilespmem:s31+$0x19E00];
	_ =	sdelay $0x4  }
0x1ee: {  	v3 =	vmul.f32 s20, v3;
	v4 =	vmul.f32 s23, v44;
	_ =	sdelay $0x1  }
0x1ef: {  	v3 =	vadd.f32 v4, v3;
	_ =	sdelay $0x1  }
0x1f0: {  	[tilespmem:s3+$0xFFFFFFC0] =	vst v3  }
0x1f1: {  	s22 =	sor.u32 $0x450, s11;
	v3 =	vld [tilespmem:s2+$0x50]  }
0x1f2: {  	v45 =	vld [tilespmem:s22+$0x19E00];
	_ =	sdelay $0x4  }
0x1f3: {  	v3 =	vmul.f32 s20, v3;
	v4 =	vmul.f32 s23, v45;
	_ =	sdelay $0x1  }
0x1f4: {  	v3 =	vadd.f32 v4, v3;
	_ =	sdelay $0x1  }
0x1f5: {  	[tilespmem:s3+$0xFFFFFFD0] =	vst v3  }
0x1f6: {  	s31 =	sor.u32 $0x460, s11;
	v3 =	vld [tilespmem:s2+$0x60]  }
0x1f7: {  	v46 =	vld [tilespmem:s31+$0x19E00];
	_ =	sdelay $0x4  }
0x1f8: {  	v3 =	vmul.f32 s20, v3;
	v4 =	vmul.f32 s23, v46;
	_ =	sdelay $0x1  }
0x1f9: {  	v3 =	vadd.f32 v4, v3;
	_ =	sdelay $0x1  }
0x1fa: {  	[tilespmem:s3+$0xFFFFFFE0] =	vst v3  }
0x1fb: {  	s21 =	sor.u32 $0x470, s11;
	v3 =	vld [tilespmem:s2+$0x70]  }
0x1fc: {  	v47 =	vld [tilespmem:s21+$0x19E00];
	_ =	sdelay $0x4  }
0x1fd: {  	v3 =	vmul.f32 s20, v3;
	v4 =	vmul.f32 s23, v47;
	_ =	sdelay $0x1  }
0x1fe: {  	v3 =	vadd.f32 v4, v3;
	_ =	sdelay $0x1  }
0x1ff: {  	[tilespmem:s3+$0xFFFFFFF0] =	vst v3  }
0x200: {  	v3 =	vld [tilespmem:s16+$0x0];
	_ =	sdelay $0x4  }
0x201: {  	(v2sf) =	vpush v3, $0x0  }
0x202: {  	(v2sf) =	vpush v3, $0x2  }
0x203: {  	(v2sf) =	vpush v3, $0x1  }
0x204: {  	(v2sf) =	vpush v3, $0x3;
	_ =	sdelay $0x5  }
0x205: {  	s22 =	sand.u32 $0x3, s17  }
0x206: {  	s2 =	sshll.u32 s22, $0x8  }
0x207: {  	s2 =	sadd.s32 s29, s2  }
0x208: {  	s2 =	sadd.s32 $0x100, s2;
	s23 =	sadd.s32 $0x100, s9  }
0x209: {  	s31 =	sor.u32 $0x400, s2;
	s11 =	sand.u32 $0x300, s23  }
0x20a: {  	s11 =	sadd.s32 s11, s1;
	v48 =	vld [tilespmem:s31+$0x19E00]  }
0x20b: {  	v3 =	vld [tilespmem:s11+$0x0];
	s21 =	spop (v2sf)  }
0x20c: {  	s20 =	spop (v2sf)  }
0x20d: {  	s22 =	spop (v2sf)  }
0x20e: {  	s23 =	spop (v2sf)  }
0x20f: {  	s20 =	smov.u32 @p0 s21;
	s23 =	smov.u32 @p0 s22  }
0x210: {  	v3 =	vmul.f32 s20, v3;
	v4 =	vmul.f32 s23, v48;
	_ =	sdelay $0x1  }
0x211: {  	v3 =	vadd.f32 v4, v3;
	_ =	sdelay $0x1  }
0x212: {  	[tilespmem:s3+$0x0] =	vst v3  }
0x213: {  	s22 =	sor.u32 $0x410, s2;
	v3 =	vld [tilespmem:s11+$0x10]  }
0x214: {  	v49 =	vld [tilespmem:s22+$0x19E00];
	_ =	sdelay $0x4  }
0x215: {  	v3 =	vmul.f32 s20, v3;
	v4 =	vmul.f32 s23, v49;
	_ =	sdelay $0x1  }
0x216: {  	v3 =	vadd.f32 v4, v3;
	_ =	sdelay $0x1  }
0x217: {  	[tilespmem:s3+$0x10] =	vst v3  }
0x218: {  	s31 =	sor.u32 $0x420, s2;
	v3 =	vld [tilespmem:s11+$0x20]  }
0x219: {  	v50 =	vld [tilespmem:s31+$0x19E00];
	_ =	sdelay $0x4  }
0x21a: {  	v3 =	vmul.f32 s20, v3;
	v4 =	vmul.f32 s23, v50;
	_ =	sdelay $0x1  }
0x21b: {  	v3 =	vadd.f32 v4, v3;
	_ =	sdelay $0x1  }
0x21c: {  	[tilespmem:s3+$0x20] =	vst v3  }
0x21d: {  	s22 =	sor.u32 $0x430, s2;
	v3 =	vld [tilespmem:s11+$0x30]  }
0x21e: {  	v51 =	vld [tilespmem:s22+$0x19E00];
	_ =	sdelay $0x4  }
0x21f: {  	v3 =	vmul.f32 s20, v3;
	v4 =	vmul.f32 s23, v51;
	_ =	sdelay $0x1  }
0x220: {  	v3 =	vadd.f32 v4, v3;
	_ =	sdelay $0x1  }
0x221: {  	[tilespmem:s3+$0x30] =	vst v3  }
0x222: {  	s31 =	sor.u32 $0x440, s2;
	v3 =	vld [tilespmem:s11+$0x40]  }
0x223: {  	v52 =	vld [tilespmem:s31+$0x19E00];
	_ =	sdelay $0x4  }
0x224: {  	v3 =	vmul.f32 s20, v3;
	v4 =	vmul.f32 s23, v52;
	_ =	sdelay $0x1  }
0x225: {  	v3 =	vadd.f32 v4, v3;
	_ =	sdelay $0x1  }
0x226: {  	[tilespmem:s3+$0x40] =	vst v3  }
0x227: {  	s22 =	sor.u32 $0x450, s2;
	v3 =	vld [tilespmem:s11+$0x50]  }
0x228: {  	v53 =	vld [tilespmem:s22+$0x19E00];
	_ =	sdelay $0x4  }
0x229: {  	v3 =	vmul.f32 s20, v3;
	v4 =	vmul.f32 s23, v53;
	_ =	sdelay $0x1  }
0x22a: {  	v3 =	vadd.f32 v4, v3;
	_ =	sdelay $0x1  }
0x22b: {  	[tilespmem:s3+$0x50] =	vst v3  }
0x22c: {  	s31 =	sor.u32 $0x460, s2;
	v3 =	vld [tilespmem:s11+$0x60]  }
0x22d: {  	v54 =	vld [tilespmem:s31+$0x19E00];
	_ =	sdelay $0x4  }
0x22e: {  	v3 =	vmul.f32 s20, v3;
	v4 =	vmul.f32 s23, v54;
	_ =	sdelay $0x1  }
0x22f: {  	v3 =	vadd.f32 v4, v3;
	_ =	sdelay $0x1  }
0x230: {  	[tilespmem:s3+$0x60] =	vst v3  }
0x231: {  	s2 =	sor.u32 $0x470, s2;
	v3 =	vld [tilespmem:s11+$0x70]  }
0x232: {  	v55 =	vld [tilespmem:s2+$0x19E00];
	_ =	sdelay $0x4  }
0x233: {  	v3 =	vmul.f32 s20, v3;
	v4 =	vmul.f32 s23, v55;
	_ =	sdelay $0x1  }
0x234: {  	v3 =	vadd.f32 v4, v3;
	_ =	sdelay $0x1  }
0x235: {  	[tilespmem:s3+$0x70] =	vst v3  }
0x236: {  	v3 =	vld [tilespmem:s16+$0x80];
	_ =	sdelay $0x4  }
0x237: {  	(v2sf) =	vpush v3, $0x0  }
0x238: {  	(v2sf) =	vpush v3, $0x2  }
0x239: {  	(v2sf) =	vpush v3, $0x1  }
0x23a: {  	(v2sf) =	vpush v3, $0x3;
	_ =	sdelay $0x6  }
0x23b: {  	s20 =	sadd.s32 $0x180, s9  }
0x23c: {  	s2 =	sand.u32 $0x380, s20  }
0x23d: {  	s1 =	sadd.s32 s2, s1;
	s2 =	sadd.s32 $0x180, s19  }
0x23e: {  	s21 =	sor.u32 $0x400, s2  }
0x23f: {  	v56 =	vld [tilespmem:s21+$0x19E00]  }
0x240: {  	v3 =	vld [tilespmem:s1+$0x0];
	s19 =	spop (v2sf)  }
0x241: {  	s11 =	spop (v2sf)  }
0x242: {  	s20 =	spop (v2sf)  }
0x243: {  	s21 =	spop (v2sf)  }
0x244: {  	s11 =	smov.u32 @p0 s19;
	s21 =	smov.u32 @p0 s20  }
0x245: {  	v3 =	vmul.f32 s11, v3;
	v4 =	vmul.f32 s21, v56;
	_ =	sdelay $0x1  }
0x246: {  	v3 =	vadd.f32 v4, v3;
	_ =	sdelay $0x1  }
0x247: {  	[tilespmem:s3+$0x80] =	vst v3  }
0x248: {  	s22 =	sor.u32 $0x410, s2;
	v3 =	vld [tilespmem:s1+$0x10]  }
0x249: {  	v57 =	vld [tilespmem:s22+$0x19E00];
	_ =	sdelay $0x4  }
0x24a: {  	v3 =	vmul.f32 s11, v3;
	v4 =	vmul.f32 s21, v57;
	_ =	sdelay $0x1  }
0x24b: {  	v3 =	vadd.f32 v4, v3;
	_ =	sdelay $0x1  }
0x24c: {  	[tilespmem:s3+$0x90] =	vst v3  }
0x24d: {  	s23 =	sor.u32 $0x420, s2;
	v3 =	vld [tilespmem:s1+$0x20]  }
0x24e: {  	v58 =	vld [tilespmem:s23+$0x19E00];
	_ =	sdelay $0x4  }
0x24f: {  	v3 =	vmul.f32 s11, v3;
	v4 =	vmul.f32 s21, v58;
	_ =	sdelay $0x1  }
0x250: {  	v3 =	vadd.f32 v4, v3;
	_ =	sdelay $0x1  }
0x251: {  	[tilespmem:s3+$0xA0] =	vst v3  }
0x252: {  	s31 =	sor.u32 $0x430, s2;
	v3 =	vld [tilespmem:s1+$0x30]  }
0x253: {  	v59 =	vld [tilespmem:s31+$0x19E00];
	_ =	sdelay $0x4  }
0x254: {  	v3 =	vmul.f32 s11, v3;
	v4 =	vmul.f32 s21, v59;
	_ =	sdelay $0x1  }
0x255: {  	v3 =	vadd.f32 v4, v3;
	_ =	sdelay $0x1  }
0x256: {  	[tilespmem:s3+$0xB0] =	vst v3  }
0x257: {  	s20 =	sor.u32 $0x440, s2;
	v3 =	vld [tilespmem:s1+$0x40]  }
0x258: {  	v60 =	vld [tilespmem:s20+$0x19E00];
	_ =	sdelay $0x4  }
0x259: {  	v3 =	vmul.f32 s11, v3;
	v4 =	vmul.f32 s21, v60;
	_ =	sdelay $0x1  }
0x25a: {  	v3 =	vadd.f32 v4, v3;
	_ =	sdelay $0x1  }
0x25b: {  	[tilespmem:s3+$0xC0] =	vst v3  }
0x25c: {  	s22 =	sor.u32 $0x450, s2;
	v3 =	vld [tilespmem:s1+$0x50]  }
0x25d: {  	v61 =	vld [tilespmem:s22+$0x19E00];
	_ =	sdelay $0x4  }
0x25e: {  	v3 =	vmul.f32 s11, v3;
	v4 =	vmul.f32 s21, v61;
	_ =	sdelay $0x1  }
0x25f: {  	v3 =	vadd.f32 v4, v3;
	_ =	sdelay $0x1  }
0x260: {  	[tilespmem:s3+$0xD0] =	vst v3  }
0x261: {  	s23 =	sor.u32 $0x460, s2;
	v3 =	vld [tilespmem:s1+$0x60]  }
0x262: {  	v62 =	vld [tilespmem:s23+$0x19E00];
	_ =	sdelay $0x4  }
0x263: {  	v3 =	vmul.f32 s11, v3;
	v4 =	vmul.f32 s21, v62;
	_ =	sdelay $0x1  }
0x264: {  	v3 =	vadd.f32 v4, v3;
	_ =	sdelay $0x1  }
0x265: {  	[tilespmem:s3+$0xE0] =	vst v3  }
0x266: {  	s31 =	sor.u32 $0x470, s2;
	v3 =	vld [tilespmem:s1+$0x70]  }
0x267: {  	v63 =	vld [tilespmem:s31+$0x19E00];
	_ =	sdelay $0x2  }
0x268: {  	s8 =	sadd.s32 $0x4, s8  }
0x269: {  	p2 =	slt.u32 s8, $0x2C  }
.Ltmp1:
0x26a: {  	v3 =	vmul.f32 s11, v3;
	v4 =	vmul.f32 s21, v63;
	(pc) =	sbr.rel @p2 .LBB2_5-.Ltmp1, $4  }
0x26b: {  	_ = 	snop  }
0x26c: {  	p1 =	por !p1, !p1;
	v3 =	vadd.f32 v4, v3  }
0x26d: {  	s0 =	sadd.s32 $0x4, s0;
	s17 =	sadd.s32 $0x2, s17;
	s29 =	sadd.s32 $0x400, s29  }
0x26e: {  	s9 =	sadd.s32 $0x200, s9;
	s16 =	sadd.s32 $0x200, s16;
	[tilespmem:s3+$0xF0] =	vst v3;
	s3 =	sadd.s32 $0x200, s3  }
0x26f: {  	s14 =	sadd.s32 $0x1, s14  }
0x270: {  	p1 =	sne.s32 s14, $0x69  }
.Ltmp2:
0x271: {  	_ = 	snop;
	(pc) =	sbr.rel @p1 .LBB2_2-.Ltmp2, $4  }
0x272: {  	[spmem:s12] =	stream.indirect.scatter.add.f32 [tilespmem:s28], [sflag:$0x5], $0x80, s30, s26, $0xb8;
	[tilespmem:$0x1E600] =	vst v63  }
0x273: {  	_ =	swait.ge [sflag:s7], $0x1800  }
0x274: {  	[sflag:s7] =	ssyncset.done $0x0  }
0x275: {  	[sflag:s7] =	ssyncadd.s32 $0xFFFFE800  }
0x276: {  	[bflag:$0x0] =	sbarrier.arrive $0xFFFF  }
0x277: {  	s2 =	rddreg [dreg:$0x5]  }
0x278: {  	s0 =	rddreg [dreg:$0xa]  }
0x279: {  	s1 =	rddreg [dreg:$0xd]  }
0x27a: {  	[hbm:s0], [sflag:s2] =	dma.local [spmem:s1], $0x2780  }
0x27b: {  	_ =	swait.ge [sflag:s18], $0x2780  }
0x27c: {  	s3 =	rddreg [dreg:$0xe]  }
0x27d: {  	s31 =	rddreg [dreg:$0xc];
	s3 =	sadd.s32 $0x1, s3  }
0x27e: {  	p1 =	sne.s32 s3, s31  }
.Ltmp3:
0x27f: {  	_ = 	snop;
	(pc) =	sbr.rel @p1 .LBB2_1-.Ltmp3, $3  }
0x280: {  	_ =	sdelay $0x1  }
0x281: {  	[sflag:s18] =	ssyncset.done $0x0  }
0x282: {  	[sflag:s18] =	ssyncadd.s32 $0xFFFFD880  }
0x283: {  	_ =	sfence.sel $0x180000  }
0x284: {  	[bflag:$0x0] =	sbarrier.arrive $0xFFFF  }
0x285: {  	_ =	strace $0x90000047  }
0x286: {  	s0 =	stileid.u32;
	[bflag:$0x2] =	sbarrier.arrive $0xFFFF  }
0x287: {  	p0 =	sne.s32 s0, $0x0;
	s0 =	rddreg [dreg:$0x3]  }
0x288: {  	s0 =	sadd.s32 @!p0 $0x100000, s0  }
0x289: {  	[sflag:s0] =	ssyncadd.tile.s32 @!p0 $0x1;
	_ =	shalt  }
.Lfunc_end2:
_tile_overlayer_lowered:
.L_overlay_start_2:
0x28a: {  	(tag) =	ssettag $0x2  }
0x28b: {  	s0 =	rddreg [dreg:$0x0];
	s2 =	stileid.u32  }
0x28c: {  	s1 =	rddreg [dreg:$0x1];
	p0 =	sne.s32 s2, $0x0  }
0x28d: {  	s3 =	rddreg [dreg:$0x2];
	[bflag:$0x3] =	sbarrier.arrive $0xFFFF;
	s2 =	simm.s32 @!p0 $0x1C06  }
0x28e: {  	[timem:s3], [sflag:s2] =	dma.local @!p0 [hbm:s0], s1  }
0x28f: {  	s0 =	simm.s32 @!p0 $0x6  }
0x290: {  	_ =	swait.ge @!p0 [sflag:s0], s1  }
0x291: {  	s1 =	ssub.s32 @!p0 $0x0, s1;
	[sflag:s0] =	ssyncset.done @!p0 $0x0  }
0x292: {  	[sflag:s0] =	ssyncadd.s32 @!p0 s1  }
0x293: {  	[bflag:$0x3] =	sbarrier.arrive $0xFFFF  }
0x294: {  	_ =	shalt  }

</sc_bundles>
